<compile_context>
chip_gen: v7x
topology: tpu7x:2x2x1
jax: 0.10.2.dev20260603
libtpu: 0.0.44.dev20260713+nightly
codegen_flags: <defaults>
</compile_context>

<pallas_src>
import jax
import jax.numpy as jnp
from jax import lax
from jax.experimental import pallas as pl
from jax.experimental.pallas import tpu as pltpu
from jax.experimental.pallas import tpu_sc as plsc

N_NODES = 100000
NUM_FEATURES = 128
DIM = 16
NUM_CLASSES = 16
N_REL = 8
N_REL_EDGES = 64

NC, NS = 2, 16
E_PAD = 1638400
N_GROUPS = E_PAD // 128
GROUPS_PER_TILE = N_GROUPS // (NC * NS)
GROUPS_PER_CHUNK = 8
CHUNKS = GROUPS_PER_TILE // GROUPS_PER_CHUNK
N_PAD = 102400
TILE_ROWS = N_PAD // NS



def _rel_body(rel_x_ref, attr_ref, src_ref, dst_ref, nnw_ref, nnb_ref, out_ref):
    rel_x = rel_x_ref[...]
    attr = attr_ref[...]
    iota = lax.broadcasted_iota(jnp.int32, (N_REL_EDGES, N_REL), 1)
    oh_src = (src_ref[...] == iota).astype(jnp.float32)
    oh_dst = (dst_ref[...] == iota).astype(jnp.float32)
    ones = jnp.ones((N_REL_EDGES, 1), jnp.float32)
    cnt = lax.dot_general(oh_dst, ones, (((0,), (0,)), ((), ())))
    inv = 1.0 / jnp.maximum(cnt, 1.0)

    def conv(h):
        msgs = jnp.dot(oh_src, h) * attr
        summed = lax.dot_general(oh_dst, msgs, (((0,), (0,)), ((), ())))
        return jax.nn.relu(summed * inv + h)

    r = conv(conv(rel_x))
    out_ref[...] = jnp.dot(r, nnw_ref[...]) + nnb_ref[...]


def _rel_call(rel_x, rel_edge_attr, rel_edge_index, nn_W, nn_b):
    return pl.pallas_call(
        _rel_body,
        out_shape=jax.ShapeDtypeStruct((N_REL, DIM), jnp.float32),
    )(rel_x, rel_edge_attr[:, None],
      rel_edge_index[0][:, None], rel_edge_index[1][:, None],
      nn_W, nn_b[None, :])



def _gidx_body(src_ref, typ_ref, out_ref, out2_ref):
    out_ref[...] = src_ref[...] * N_REL + typ_ref[...]
    out2_ref[...] = typ_ref[...] * N_PAD + src_ref[...]


def _gidx_call(src2d, typ2d):
    blk = (1600, 128)
    return pl.pallas_call(
        _gidx_body,
        out_shape=[jax.ShapeDtypeStruct((N_GROUPS, 128), jnp.int32),
                   jax.ShapeDtypeStruct((N_GROUPS, 128), jnp.int32)],
        grid=(N_GROUPS // blk[0],),
        in_specs=[pl.BlockSpec(blk, lambda i: (i, 0)),
                  pl.BlockSpec(blk, lambda i: (i, 0))],
        out_specs=[pl.BlockSpec(blk, lambda i: (i, 0)),
                   pl.BlockSpec(blk, lambda i: (i, 0))],
    )(src2d, typ2d)



def _embed_body(x_ref, fc1_ref, w_ref, out_ref):
    fc1 = fc1_ref[...]
    w = w_ref[...]
    fc1w = jnp.concatenate(
        [fc1 * w[t][None, :] for t in range(N_REL)], axis=1)
    out_ref[...] = jnp.dot(x_ref[...], fc1w,
                           preferred_element_type=jnp.float32)


def _embed_call(x, fc1, w_rel):
    B = 2000
    return pl.pallas_call(
        _embed_body,
        out_shape=jax.ShapeDtypeStruct((N_PAD, N_REL * DIM), jnp.float32),
        grid=(N_NODES // B,),
        in_specs=[pl.BlockSpec((B, NUM_FEATURES), lambda i: (i, 0)),
                  pl.BlockSpec((NUM_FEATURES, DIM), lambda i: (0, 0)),
                  pl.BlockSpec((N_REL, DIM), lambda i: (0, 0))],
        out_specs=pl.BlockSpec((B, N_REL * DIM), lambda i: (i, 0)),
    )(x, fc1, w_rel)



EDGES_PER_TILE = E_PAD // (NC * NS)
EPC = 256
SC_CHUNKS = EDGES_PER_TILE // EPC


def _make_edge_pass(with_counts):
    mesh = plsc.VectorSubcoreMesh(
        core_axis_name="c", subcore_axis_name="s",
        num_cores=NC, num_subcores=NS)
    out_type = [jax.ShapeDtypeStruct((NC, N_PAD, DIM), jnp.float32)]
    if with_counts:
        out_type.append(jax.ShapeDtypeStruct((NC, 1, N_PAD), jnp.float32))
    scratch = (
        [pltpu.VMEM_SHARED((N_PAD, DIM), jnp.float32),
         pltpu.VMEM_SHARED((N_PAD,), jnp.float32)]
        + [pltpu.VMEM((EPC,), jnp.int32)] * 4
        + [pltpu.VMEM((EPC,), jnp.int32)] * 8
        + [pltpu.VMEM((EPC, DIM), jnp.float32)] * 4
        + [pltpu.VMEM((EPC,), jnp.float32)]
        + [pltpu.SemaphoreType.DMA] * 12
        + [pltpu.SemaphoreType.DMA] * 4
    )

    def body(hall_ref, g_ref, d_ref, z2_ref, z1_ref, *rest):
        if with_counts:
            acc_out, cnt_out = rest[0], rest[1]
            rest = rest[2:]
        else:
            acc_out = rest[0]
            cnt_out = None
            rest = rest[1:]
        acc_sh, cnt_sh = rest[0], rest[1]
        gbufs = list(rest[2:6])
        dbufs = list(rest[6:14])
        rows = list(rest[14:18])
        ones_v = rest[18]
        isems = list(rest[19:23])
        gsems = list(rest[23:27])
        ssems = list(rest[27:31])
        csems = list(rest[31:35])

        cid = lax.axis_index("c")
        sid = lax.axis_index("s")
        off = sid * TILE_ROWS

        pltpu.sync_copy(z2_ref, acc_sh.at[pl.ds(off, TILE_ROWS)])
        if with_counts:
            pltpu.sync_copy(z1_ref, cnt_sh.at[pl.ds(off, TILE_ROWS)])
            for k in range(EPC // 16):
                ones_v[pl.ds(k * 16, 16)] = jnp.full((16,), 1.0, jnp.float32)
        plsc.subcore_barrier()

        ebase = (cid * NS + sid) * EDGES_PER_TILE

        def fire_idx(chunk, s4, d8):
            base = ebase + chunk * EPC
            pltpu.async_copy(g_ref.at[pl.ds(base, EPC)], gbufs[s4], isems[s4])
            pltpu.async_copy(d_ref.at[pl.ds(base, EPC)], dbufs[d8], isems[s4])

        def drain_idx(s4, d8):
            pltpu.make_async_copy(g_ref.at[pl.ds(ebase, EPC)], gbufs[s4],
                                  isems[s4]).wait()
            pltpu.make_async_copy(d_ref.at[pl.ds(ebase, EPC)], dbufs[d8],
                                  isems[s4]).wait()

        def fire_scat(s4, d8):
            pltpu.async_copy(rows[s4], acc_sh.at[dbufs[d8]], ssems[s4],
                             add=True)
            if with_counts:
                pltpu.async_copy(ones_v, cnt_sh.at[dbufs[d8]], csems[s4],
                                 add=True)

        def drain_scat(s4, d8):
            pltpu.make_async_copy(rows[s4], acc_sh.at[dbufs[d8]],
                                  ssems[s4]).wait()
            if with_counts:
                pltpu.make_async_copy(ones_v, cnt_sh.at[dbufs[d8]],
                                      csems[s4]).wait()

        def drain_gather(s4):
            pltpu.make_async_copy(hall_ref.at[gbufs[s4]], rows[s4],
                                  gsems[s4]).wait()

        fire_idx(0, 0, 0)
        fire_idx(1, 1, 1)

        def octet(k, carry):
            for q in range(8):
                j = 8 * k + q

                def step1(q=q):
                    drain_scat((q - 3) % 4, (q - 3) % 8)
                if q < 3:
                    pl.when(k > 0)(step1)
                else:
                    step1()

                drain_idx(q % 4, q % 8)
                pltpu.async_copy(hall_ref.at[gbufs[q % 4]], rows[q % 4],
                                 gsems[q % 4])

                def step45(q=q):
                    drain_gather((q - 1) % 4)
                    fire_scat((q - 1) % 4, (q - 1) % 8)
                if q == 0:
                    pl.when(k > 0)(step45)
                else:
                    step45()

                nxt = jnp.minimum(j + 2, SC_CHUNKS - 1)
                fire_idx(nxt, (q + 2) % 4, (q + 2) % 8)
            return carry

        lax.fori_loop(0, SC_CHUNKS // 8, octet, 0)

        drain_gather(3)
        fire_scat(3, 7)
        drain_scat(1, 5)
        drain_scat(2, 6)
        drain_scat(3, 7)
        drain_idx(0, 0)
        drain_idx(1, 1)
        plsc.subcore_barrier()

        pltpu.sync_copy(acc_sh.at[pl.ds(off, TILE_ROWS)],
                        acc_out.at[cid, pl.ds(off, TILE_ROWS)])
        if with_counts:
            pltpu.sync_copy(cnt_sh.at[pl.ds(off, TILE_ROWS)],
                            cnt_out.at[cid, 0, pl.ds(off, TILE_ROWS)])

    return pl.kernel(body, out_type=out_type, mesh=mesh, scratch_types=scratch,
                     compiler_params=pltpu.CompilerParams(
                         use_tc_tiling_on_sc=False))


_EDGE_PASS_CACHE = {}


def _edge_pass(with_counts):
    if with_counts not in _EDGE_PASS_CACHE:
        _EDGE_PASS_CACHE[with_counts] = _make_edge_pass(with_counts)
    return _EDGE_PASS_CACHE[with_counts]



NP8 = N_PAD // 8


def _expand_mat():
    ii = lax.broadcasted_iota(jnp.int32, (8, 128), 0)
    jj = lax.broadcasted_iota(jnp.int32, (8, 128), 1)
    return (jj // DIM == ii).astype(jnp.float32)


def _epi1_body(acc_ref, cnt_ref, b_ref, w_ref, out_ref):
    a = acc_ref[0] + acc_ref[1]
    c2 = cnt_ref[0] + cnt_ref[1]
    cp = lax.dot_general(c2, _expand_mat(), (((1,), (0,)), ((), ())))
    b128 = jnp.concatenate([b_ref[...]] * 8, axis=1)
    h1 = jnp.tanh(a / jnp.maximum(cp, 1.0) + b128)
    w = w_ref[...]
    for t in range(N_REL):
        w128 = jnp.concatenate([w[t][None, :]] * 8, axis=1)
        out_ref[t] = h1 * w128


def _epi1_call(accp, cnt8, conv1_b, w_rel):
    BP = 1280
    return pl.pallas_call(
        _epi1_body,
        out_shape=jax.ShapeDtypeStruct((N_REL, NP8, 128), jnp.float32),
        grid=(NP8 // BP,),
        in_specs=[pl.BlockSpec((NC, BP, 128), lambda i: (0, i, 0)),
                  pl.BlockSpec((NC, BP, 8), lambda i: (0, i, 0)),
                  pl.BlockSpec((1, DIM), lambda i: (0, 0)),
                  pl.BlockSpec((N_REL, DIM), lambda i: (0, 0))],
        out_specs=pl.BlockSpec((N_REL, BP, 128), lambda i: (0, i, 0)),
    )(accp, cnt8, conv1_b[None, :], w_rel)


def _final_body(acc_ref, cnt_ref, b_ref, w2_ref, b2_ref, out_ref):
    a = acc_ref[0] + acc_ref[1]
    c2 = cnt_ref[0] + cnt_ref[1]
    cp = lax.dot_general(c2, _expand_mat(), (((1,), (0,)), ((), ())))
    b128 = jnp.concatenate([b_ref[...]] * 8, axis=1)
    h2 = jnp.tanh(a / jnp.maximum(cp, 1.0) + b128)
    wrow = jnp.concatenate([w2_ref[...]] * 8, axis=1)
    wt = jnp.concatenate([wrow] * 8, axis=0)
    ii = lax.broadcasted_iota(jnp.int32, (128, 128), 0)
    jj = lax.broadcasted_iota(jnp.int32, (128, 128), 1)
    bd = wt * (ii // DIM == jj // NUM_CLASSES).astype(jnp.float32)
    b2128 = jnp.concatenate([b2_ref[...]] * 8, axis=1)
    out_ref[...] = jnp.dot(h2, bd,
                           preferred_element_type=jnp.float32) + b2128


def _final_call(accp, cnt8, conv2_b, fc2_W, fc2_b):
    BP = 1280
    return pl.pallas_call(
        _final_body,
        out_shape=jax.ShapeDtypeStruct((NP8, 128), jnp.float32),
        grid=(NP8 // BP,),
        in_specs=[pl.BlockSpec((NC, BP, 128), lambda i: (0, i, 0)),
                  pl.BlockSpec((NC, BP, 8), lambda i: (0, i, 0)),
                  pl.BlockSpec((1, DIM), lambda i: (0, 0)),
                  pl.BlockSpec((DIM, NUM_CLASSES), lambda i: (0, 0)),
                  pl.BlockSpec((1, NUM_CLASSES), lambda i: (0, 0))],
        out_specs=pl.BlockSpec((BP, 128), lambda i: (i, 0)),
    )(accp, cnt8, conv2_b[None, :], fc2_W, fc2_b[None, :])



def kernel(x, rel_x, rel_edge_attr, fc1, nn_W, nn_b, conv1_b, conv2_b,
           fc2_W, fc2_b, edge_index, edge_type, rel_edge_index):
    E = edge_index.shape[1]
    pad = E_PAD - E
    src = jnp.concatenate([edge_index[0], jnp.zeros((pad,), jnp.int32)])
    dst = jnp.concatenate([edge_index[1],
                           jnp.full((pad,), N_NODES, jnp.int32)])
    typ = jnp.concatenate([edge_type, jnp.zeros((pad,), jnp.int32)])
    src2d = src.reshape(N_GROUPS, 128)
    typ2d = typ.reshape(N_GROUPS, 128)

    z2 = jnp.zeros((TILE_ROWS, DIM), jnp.float32)
    z1 = jnp.zeros((TILE_ROWS,), jnp.float32)

    w_rel = _rel_call(rel_x, rel_edge_attr, rel_edge_index, nn_W, nn_b)
    g1_2d, g2_2d = _gidx_call(src2d, typ2d)
    g1d = g1_2d.reshape(E_PAD)
    g2d1 = g2_2d.reshape(E_PAD)
    hall1 = _embed_call(x, fc1, w_rel).reshape(N_PAD * N_REL, DIM)

    acc1, cnt3 = _edge_pass(True)(hall1, g1d, dst, z2, z1)
    accp1 = acc1.reshape(NC, NP8, 128)
    cnt8 = cnt3.reshape(NC, NP8, 8)
    hall2 = _epi1_call(accp1, cnt8, conv1_b, w_rel).reshape(
        N_REL * N_PAD, DIM)

    acc2 = _edge_pass(False)(hall2, g2d1, dst, z2, z1)
    if isinstance(acc2, (list, tuple)):
        acc2 = acc2[0]
    accp2 = acc2.reshape(NC, NP8, 128)
    out = _final_call(accp2, cnt8, conv2_b, fc2_W, fc2_b)
    return out.reshape(N_PAD, DIM)[:N_NODES]

# --- scband reference (transcript-rebuilt; emitter-appended) ---
"""Pipeline reference for scband-net-1039382085697 (READ-ONLY COPY).

The authoritative reference and input builder live on the scoring server;
editing this copy changes nothing except your own understanding.
"""

import jax, jax.numpy as jnp
import numpy as np

N_NODES = 100000
N_EDGES = 1600000
NUM_FEATURES = 128
DIM = 16
NUM_CLASSES = 16
N_REL = 8
REL_FEAT = 8
N_REL_EDGES = 64


def _mean_aggregate(msgs, dst, num_nodes):
    summed = jax.ops.segment_sum(msgs, dst, num_segments=num_nodes)
    cnt = jax.ops.segment_sum(jnp.ones((msgs.shape[0],), msgs.dtype), dst, num_segments=num_nodes)
    return summed / jnp.clip(cnt, 1.0, None)[:, None]


def relation_conv(x, edge_index, edge_attr, eps=0.0):
    # RSHN RelationConv (train_eps=False): mean over x_j * w_e, plus (1+eps)*x
    src = edge_index[0]
    dst = edge_index[1]
    msgs = x[src] * edge_attr[:, None]
    return _mean_aggregate(msgs, dst, x.shape[0]) + (1.0 + eps) * x


def nn_conv(x, edge_index, edge_attr, W, Wb, bias):
    # RSHN NNConv (root_weight=False): message = x_j * nn(edge_attr), mean aggregation, + bias
    src = edge_index[0]
    dst = edge_index[1]
    w = edge_attr @ W + Wb  # [E, DIM]
    msgs = x[src] * w
    return _mean_aggregate(msgs, dst, x.shape[0]) + bias


def setup_inputs(seed: int = 0):
    key = jax.random.key(seed)
    ks = jax.random.split(key, 12)
    x = jax.random.normal(ks[0], (N_NODES, NUM_FEATURES), dtype=jnp.float32)
    edge_index = jax.random.randint(ks[1], (2, N_EDGES), 0, N_NODES)
    edge_type = jax.random.randint(ks[2], (N_EDGES,), 0, N_REL)
    rel_x = jax.random.normal(ks[3], (N_REL, REL_FEAT), dtype=jnp.float32)
    rel_edge_index = jax.random.randint(ks[4], (2, N_REL_EDGES), 0, N_REL)
    rel_edge_attr = jax.random.uniform(ks[5], (N_REL_EDGES,), dtype=jnp.float32)
    fc1 = jax.random.normal(ks[6], (NUM_FEATURES, DIM), dtype=jnp.float32) * 0.05
    nn_W = jax.random.normal(ks[7], (REL_FEAT, DIM), dtype=jnp.float32) * 0.1
    nn_b = jnp.zeros((DIM,), jnp.float32)
    conv1_b = jnp.zeros((DIM,), jnp.float32)
    conv2_b = jnp.zeros((DIM,), jnp.float32)
    fc2_W = jax.random.normal(ks[8], (DIM, NUM_CLASSES), dtype=jnp.float32) * 0.1
    fc2_b = jnp.zeros((NUM_CLASSES,), jnp.float32)
    return {
        'x': x, 'rel_x': rel_x, 'rel_edge_attr': rel_edge_attr,
        'fc1': fc1, 'nn_W': nn_W, 'nn_b': nn_b,
        'conv1_b': conv1_b, 'conv2_b': conv2_b,
        'fc2_W': fc2_W, 'fc2_b': fc2_b,
        'edge_index': edge_index, 'edge_type': edge_type,
        'rel_edge_index': rel_edge_index,
    }


def reference(x, rel_x, rel_edge_attr, fc1, nn_W, nn_b, conv1_b, conv2_b, fc2_W, fc2_b,
              edge_index, edge_type, rel_edge_index):
    # x = spmm(data.x, fc1); dropout is identity (training=False)
    h = x @ fc1
    # relation graph: 2 RelationConv layers (num_edge_layer == 2)
    r = jax.nn.relu(relation_conv(rel_x, rel_edge_index, rel_edge_attr))
    r = jax.nn.relu(relation_conv(r, rel_edge_index, rel_edge_attr))
    # edge_attr = F.embedding(data.edge_type, rel_x)
    edge_attr = r[edge_type]
    # node graph: 2 NNConv layers (num_node_layer == 2), shared nn, separate conv biases
    h = jnp.tanh(nn_conv(h, edge_index, edge_attr, nn_W, nn_b, conv1_b))
    h = jnp.tanh(nn_conv(h, edge_index, edge_attr, nn_W, nn_b, conv2_b))
    out = h @ fc2_W + fc2_b
    return out

if __name__ == "__main__":
    import jax
    _d = setup_inputs()
    print(jax.jit(kernel)(*tuple(_d.values())))

</pallas_src>

<mosaic_0001>
#map = affine_map<(d0, d1) -> (0, 0)>
#map1 = affine_map<(d0, d1) -> (0)>
#map2 = affine_map<(d0, d1) -> (0, 0, 0)>
module attributes {stable_mosaic.version = 14 : i64} {
  func.func @body(%arg0: i32, %arg1: i32, %arg2: memref<819200x16xf32, #tpu.memory_space<hbm>>, %arg3: memref<1638400xi32, #tpu.memory_space<hbm>>, %arg4: memref<1638400xi32, #tpu.memory_space<hbm>>, %arg5: memref<6400x16xf32, #tpu.memory_space<hbm>>, %arg6: memref<6400xf32, #tpu.memory_space<hbm>>, %arg7: memref<2x102400x16xf32, #tpu.memory_space<hbm>>, %arg8: memref<102400x16xf32, #tpu.memory_space<vmem_shared>>, %arg9: memref<102400xf32, #tpu.memory_space<vmem_shared>>, %arg10: memref<256xi32, #tpu.memory_space<vmem>>, %arg11: memref<256xi32, #tpu.memory_space<vmem>>, %arg12: memref<256xi32, #tpu.memory_space<vmem>>, %arg13: memref<256xi32, #tpu.memory_space<vmem>>, %arg14: memref<256xi32, #tpu.memory_space<vmem>>, %arg15: memref<256xi32, #tpu.memory_space<vmem>>, %arg16: memref<256xi32, #tpu.memory_space<vmem>>, %arg17: memref<256xi32, #tpu.memory_space<vmem>>, %arg18: memref<256xi32, #tpu.memory_space<vmem>>, %arg19: memref<256xi32, #tpu.memory_space<vmem>>, %arg20: memref<256xi32, #tpu.memory_space<vmem>>, %arg21: memref<256xi32, #tpu.memory_space<vmem>>, %arg22: memref<256x16xf32, #tpu.memory_space<vmem>>, %arg23: memref<256x16xf32, #tpu.memory_space<vmem>>, %arg24: memref<256x16xf32, #tpu.memory_space<vmem>>, %arg25: memref<256x16xf32, #tpu.memory_space<vmem>>, %arg26: memref<256xf32, #tpu.memory_space<vmem>>, %arg27: memref<!tpu.dma_semaphore, #tpu.memory_space<semaphore_mem>>, %arg28: memref<!tpu.dma_semaphore, #tpu.memory_space<semaphore_mem>>, %arg29: memref<!tpu.dma_semaphore, #tpu.memory_space<semaphore_mem>>, %arg30: memref<!tpu.dma_semaphore, #tpu.memory_space<semaphore_mem>>, %arg31: memref<!tpu.dma_semaphore, #tpu.memory_space<semaphore_mem>>, %arg32: memref<!tpu.dma_semaphore, #tpu.memory_space<semaphore_mem>>, %arg33: memref<!tpu.dma_semaphore, #tpu.memory_space<semaphore_mem>>, %arg34: memref<!tpu.dma_semaphore, #tpu.memory_space<semaphore_mem>>, %arg35: memref<!tpu.dma_semaphore, #tpu.memory_space<semaphore_mem>>, %arg36: memref<!tpu.dma_semaphore, #tpu.memory_space<semaphore_mem>>, %arg37: memref<!tpu.dma_semaphore, #tpu.memory_space<semaphore_mem>>, %arg38: memref<!tpu.dma_semaphore, #tpu.memory_space<semaphore_mem>>, %arg39: memref<!tpu.dma_semaphore, #tpu.memory_space<semaphore_mem>>, %arg40: memref<!tpu.dma_semaphore, #tpu.memory_space<semaphore_mem>>, %arg41: memref<!tpu.dma_semaphore, #tpu.memory_space<semaphore_mem>>, %arg42: memref<!tpu.dma_semaphore, #tpu.memory_space<semaphore_mem>>) attributes {dimension_semantics = [#tpu.dimension_semantics<core_parallel>, #tpu.dimension_semantics<subcore_parallel>], iteration_bounds = array<i64: 2, 16>, scalar_prefetch = 0 : i64, scratch_operands = 35 : i64, tpu.core_type = #tpu.core_type<sc_vector_subcore>, window_params = [{transform_indices = #map}, {transform_indices = #map1}, {transform_indices = #map1}, {transform_indices = #map}, {transform_indices = #map1}, {transform_indices = #map2}]} {
    %mul3A = arith.constant 6400 : i32
    %mul3A_0 = arith.muli %arg1, %mul3A : i32
    "tpu.region"() ({
      %run_scoped3A = tpu.sem_alloc : memref<!tpu.dma_semaphore, #tpu.memory_space<semaphore_mem>>
      %dma_start3A_44 = arith.constant 0 : i32
      %dma_start3A_45 = tpu.memref_slice %arg8[%mul3A_0, %dma_start3A_44] : memref<102400x16xf32, #tpu.memory_space<vmem_shared>> -> memref<6400x16xf32, #tpu.memory_space<vmem_shared>>
      tpu.enqueue_dma source(%arg5 : memref<6400x16xf32, #tpu.memory_space<hbm>>) target(%dma_start3A_45 : memref<6400x16xf32, #tpu.memory_space<vmem_shared>>) target_semaphore(%run_scoped3A : memref<!tpu.dma_semaphore, #tpu.memory_space<semaphore_mem>>)
      %dma_wait3A_46 = arith.constant 0 : i32
      %dma_wait3A_47 = tpu.memref_slice %arg8[%mul3A_0, %dma_wait3A_46] : memref<102400x16xf32, #tpu.memory_space<vmem_shared>> -> memref<6400x16xf32, #tpu.memory_space<vmem_shared>>
      tpu.wait_dma2 semaphore(%run_scoped3A : memref<!tpu.dma_semaphore, #tpu.memory_space<semaphore_mem>>) src(%arg5 : memref<6400x16xf32, #tpu.memory_space<hbm>>) dst(%dma_wait3A_47 : memref<6400x16xf32, #tpu.memory_space<vmem_shared>>)
      tpu.yield
    }) : () -> ()
    %barrier3A = arith.constant 0 : index
    tpu.barrier barrier_id(%barrier3A)
    %mul3A_1 = arith.constant 16 : i32
    %mul3A_2 = arith.muli %arg0, %mul3A_1 : i32
    %add3A = arith.addi %mul3A_2, %arg1 : i32
    %mul3A_3 = arith.constant 51200 : i32
    %mul3A_4 = arith.muli %add3A, %mul3A_3 : i32
    %add3A_5 = arith.constant 0 : i32
    %add3A_6 = arith.addi %mul3A_4, %add3A_5 : i32
    %dma_start3A = tpu.memref_slice %arg3[%add3A_6] : memref<1638400xi32, #tpu.memory_space<hbm>> -> memref<256xi32, #tpu.memory_space<hbm>>
    %dma_start3A_7 = tpu.memref_slice %arg3[%add3A_6] : memref<1638400xi32, #tpu.memory_space<hbm>> -> memref<256xi32, #tpu.memory_space<hbm>>
    tpu.enqueue_dma source(%dma_start3A_7 : memref<256xi32, #tpu.memory_space<hbm>>) target(%arg10 : memref<256xi32, #tpu.memory_space<vmem>>) target_semaphore(%arg27 : memref<!tpu.dma_semaphore, #tpu.memory_space<semaphore_mem>>)
    %dma_start3A_8 = tpu.memref_slice %arg4[%add3A_6] : memref<1638400xi32, #tpu.memory_space<hbm>> -> memref<256xi32, #tpu.memory_space<hbm>>
    %dma_start3A_9 = tpu.memref_slice %arg4[%add3A_6] : memref<1638400xi32, #tpu.memory_space<hbm>> -> memref<256xi32, #tpu.memory_space<hbm>>
    tpu.enqueue_dma source(%dma_start3A_9 : memref<256xi32, #tpu.memory_space<hbm>>) target(%arg14 : memref<256xi32, #tpu.memory_space<vmem>>) target_semaphore(%arg27 : memref<!tpu.dma_semaphore, #tpu.memory_space<semaphore_mem>>)
    %add3A_10 = arith.constant 256 : i32
    %add3A_11 = arith.addi %mul3A_4, %add3A_10 : i32
    %dma_start3A_12 = tpu.memref_slice %arg3[%add3A_11] : memref<1638400xi32, #tpu.memory_space<hbm>> -> memref<256xi32, #tpu.memory_space<hbm>>
    %dma_start3A_13 = tpu.memref_slice %arg3[%add3A_11] : memref<1638400xi32, #tpu.memory_space<hbm>> -> memref<256xi32, #tpu.memory_space<hbm>>
    tpu.enqueue_dma source(%dma_start3A_13 : memref<256xi32, #tpu.memory_space<hbm>>) target(%arg11 : memref<256xi32, #tpu.memory_space<vmem>>) target_semaphore(%arg28 : memref<!tpu.dma_semaphore, #tpu.memory_space<semaphore_mem>>)
    %dma_start3A_14 = tpu.memref_slice %arg4[%add3A_11] : memref<1638400xi32, #tpu.memory_space<hbm>> -> memref<256xi32, #tpu.memory_space<hbm>>
    %dma_start3A_15 = tpu.memref_slice %arg4[%add3A_11] : memref<1638400xi32, #tpu.memory_space<hbm>> -> memref<256xi32, #tpu.memory_space<hbm>>
    tpu.enqueue_dma source(%dma_start3A_15 : memref<256xi32, #tpu.memory_space<hbm>>) target(%arg15 : memref<256xi32, #tpu.memory_space<vmem>>) target_semaphore(%arg28 : memref<!tpu.dma_semaphore, #tpu.memory_space<semaphore_mem>>)
    %scan3A = arith.constant 0 : i32
    %scan3A_16 = arith.constant 0 : i32
    %scan3A_17 = arith.constant 25 : i32
    %scan3A_18 = arith.addi %scan3A_16, %scan3A_17 : i32
    %scan3A_19 = arith.constant 1 : i32
    scf.for %scan3A_44 = %scan3A_16 to %scan3A_18 step %scan3A_19  : i32 {
      %mul3A_45 = arith.constant 8 : i32
      %mul3A_46 = arith.muli %mul3A_45, %scan3A_44 : i32
      %add3A_47 = arith.constant 0 : i32
      %add3A_48 = arith.addi %mul3A_46, %add3A_47 : i32
      %gt3A = arith.constant 0 : i32
      %gt3A_49 = arith.cmpi sgt, %scan3A_44, %gt3A : i32
      %convert_element_type3A = arith.extui %gt3A_49 : i1 to i32
      %cond3A = arith.constant 0 : i32
      %cond3A_50 = arith.cmpi ne, %convert_element_type3A, %cond3A : i32
      scf.if %cond3A_50 {
        %dma_wait3A_294 = arith.constant 0 : i32
        %dma_wait3A_295 = arith.constant 0 : i32
        %dma_wait3A_296 = tpu.memref_slice %arg8[%dma_wait3A_294, %dma_wait3A_295] : memref<102400x16xf32, #tpu.memory_space<vmem_shared>> -> memref<102400x16xf32, #tpu.memory_space<vmem_shared>>
        tpu.wait_indirect_dma semaphore(%arg36 : memref<!tpu.dma_semaphore, #tpu.memory_space<semaphore_mem>>) src(%arg23 : memref<256x16xf32, #tpu.memory_space<vmem>>) dst(%dma_wait3A_296 : memref<102400x16xf32, #tpu.memory_space<vmem_shared>>)
      } else {
      }
      %dma_wait3A_51 = tpu.memref_slice %arg3[%mul3A_4] : memref<1638400xi32, #tpu.memory_space<hbm>> -> memref<256xi32, #tpu.memory_space<hbm>>
      %dma_wait3A_52 = tpu.memref_slice %arg3[%mul3A_4] : memref<1638400xi32, #tpu.memory_space<hbm>> -> memref<256xi32, #tpu.memory_space<hbm>>
      tpu.wait_dma2 semaphore(%arg27 : memref<!tpu.dma_semaphore, #tpu.memory_space<semaphore_mem>>) src(%dma_wait3A_52 : memref<256xi32, #tpu.memory_space<hbm>>) dst(%arg10 : memref<256xi32, #tpu.memory_space<vmem>>)
      %dma_wait3A_53 = tpu.memref_slice %arg4[%mul3A_4] : memref<1638400xi32, #tpu.memory_space<hbm>> -> memref<256xi32, #tpu.memory_space<hbm>>
      %dma_wait3A_54 = tpu.memref_slice %arg4[%mul3A_4] : memref<1638400xi32, #tpu.memory_space<hbm>> -> memref<256xi32, #tpu.memory_space<hbm>>
      tpu.wait_dma2 semaphore(%arg27 : memref<!tpu.dma_semaphore, #tpu.memory_space<semaphore_mem>>) src(%dma_wait3A_54 : memref<256xi32, #tpu.memory_space<hbm>>) dst(%arg14 : memref<256xi32, #tpu.memory_space<vmem>>)
      %dma_start3A_55 = arith.constant 0 : i32
      %dma_start3A_56 = arith.constant 0 : i32
      %dma_start3A_57 = tpu.memref_slice %arg2[%dma_start3A_55, %dma_start3A_56] : memref<819200x16xf32, #tpu.memory_space<hbm>> -> memref<819200x16xf32, #tpu.memory_space<hbm>>
      tpu.enqueue_indirect_dma source(%dma_start3A_57 : memref<819200x16xf32, #tpu.memory_space<hbm>>) target(%arg22 : memref<256x16xf32, #tpu.memory_space<vmem>>) offsets(%arg10 : memref<256xi32, #tpu.memory_space<vmem>>) semaphore(%arg31 : memref<!tpu.dma_semaphore, #tpu.memory_space<semaphore_mem>>)
      %gt3A_58 = arith.constant 0 : i32
      %gt3A_59 = arith.cmpi sgt, %scan3A_44, %gt3A_58 : i32
      %convert_element_type3A_60 = arith.extui %gt3A_59 : i1 to i32
      %cond3A_61 = arith.constant 0 : i32
      %cond3A_62 = arith.cmpi ne, %convert_element_type3A_60, %cond3A_61 : i32
      scf.if %cond3A_62 {
        %dma_wait3A_294 = arith.constant 0 : i32
        %dma_wait3A_295 = arith.constant 0 : i32
        %dma_wait3A_296 = tpu.memref_slice %arg2[%dma_wait3A_294, %dma_wait3A_295] : memref<819200x16xf32, #tpu.memory_space<hbm>> -> memref<819200x16xf32, #tpu.memory_space<hbm>>
        tpu.wait_indirect_dma semaphore(%arg34 : memref<!tpu.dma_semaphore, #tpu.memory_space<semaphore_mem>>) src(%dma_wait3A_296 : memref<819200x16xf32, #tpu.memory_space<hbm>>) dst(%arg25 : memref<256x16xf32, #tpu.memory_space<vmem>>)
        %dma_start3A_297 = arith.constant 0 : i32
        %dma_start3A_298 = arith.constant 0 : i32
        %dma_start3A_299 = tpu.memref_slice %arg8[%dma_start3A_297, %dma_start3A_298] : memref<102400x16xf32, #tpu.memory_space<vmem_shared>> -> memref<102400x16xf32, #tpu.memory_space<vmem_shared>>
        tpu.enqueue_indirect_dma source(%arg25 : memref<256x16xf32, #tpu.memory_space<vmem>>) target(%dma_start3A_299 : memref<102400x16xf32, #tpu.memory_space<vmem_shared>>) offsets(%arg21 : memref<256xi32, #tpu.memory_space<vmem>>) semaphore(%arg38 : memref<!tpu.dma_semaphore, #tpu.memory_space<semaphore_mem>>) {add = true}
      } else {
      }
      %add3A_63 = arith.constant 2 : i32
      %add3A_64 = arith.addi %add3A_48, %add3A_63 : i32
      %min3A = arith.constant 199 : i32
      %min3A_65 = arith.minsi %add3A_64, %min3A : i32
      %mul3A_66 = arith.constant 256 : i32
      %mul3A_67 = arith.muli %min3A_65, %mul3A_66 : i32
      %add3A_68 = arith.addi %mul3A_4, %mul3A_67 : i32
      %dma_start3A_69 = tpu.memref_slice %arg3[%add3A_68] : memref<1638400xi32, #tpu.memory_space<hbm>> -> memref<256xi32, #tpu.memory_space<hbm>>
      %dma_start3A_70 = tpu.memref_slice %arg3[%add3A_68] : memref<1638400xi32, #tpu.memory_space<hbm>> -> memref<256xi32, #tpu.memory_space<hbm>>
      tpu.enqueue_dma source(%dma_start3A_70 : memref<256xi32, #tpu.memory_space<hbm>>) target(%arg12 : memref<256xi32, #tpu.memory_space<vmem>>) target_semaphore(%arg29 : memref<!tpu.dma_semaphore, #tpu.memory_space<semaphore_mem>>)
      %dma_start3A_71 = tpu.memref_slice %arg4[%add3A_68] : memref<1638400xi32, #tpu.memory_space<hbm>> -> memref<256xi32, #tpu.memory_space<hbm>>
      %dma_start3A_72 = tpu.memref_slice %arg4[%add3A_68] : memref<1638400xi32, #tpu.memory_space<hbm>> -> memref<256xi32, #tpu.memory_space<hbm>>
      tpu.enqueue_dma source(%dma_start3A_72 : memref<256xi32, #tpu.memory_space<hbm>>) target(%arg16 : memref<256xi32, #tpu.memory_space<vmem>>) target_semaphore(%arg29 : memref<!tpu.dma_semaphore, #tpu.memory_space<semaphore_mem>>)
      %mul3A_73 = arith.constant 8 : i32
      %mul3A_74 = arith.muli %mul3A_73, %scan3A_44 : i32
      %add3A_75 = arith.constant 1 : i32
      %add3A_76 = arith.addi %mul3A_74, %add3A_75 : i32
      %gt3A_77 = arith.constant 0 : i32
      %gt3A_78 = arith.cmpi sgt, %scan3A_44, %gt3A_77 : i32
      %convert_element_type3A_79 = arith.extui %gt3A_78 : i1 to i32
      %cond3A_80 = arith.constant 0 : i32
      %cond3A_81 = arith.cmpi ne, %convert_element_type3A_79, %cond3A_80 : i32
      scf.if %cond3A_81 {
        %dma_wait3A_294 = arith.constant 0 : i32
        %dma_wait3A_295 = arith.constant 0 : i32
        %dma_wait3A_296 = tpu.memref_slice %arg8[%dma_wait3A_294, %dma_wait3A_295] : memref<102400x16xf32, #tpu.memory_space<vmem_shared>> -> memref<102400x16xf32, #tpu.memory_space<vmem_shared>>
        tpu.wait_indirect_dma semaphore(%arg37 : memref<!tpu.dma_semaphore, #tpu.memory_space<semaphore_mem>>) src(%arg24 : memref<256x16xf32, #tpu.memory_space<vmem>>) dst(%dma_wait3A_296 : memref<102400x16xf32, #tpu.memory_space<vmem_shared>>)
      } else {
      }
      %dma_wait3A_82 = tpu.memref_slice %arg3[%mul3A_4] : memref<1638400xi32, #tpu.memory_space<hbm>> -> memref<256xi32, #tpu.memory_space<hbm>>
      %dma_wait3A_83 = tpu.memref_slice %arg3[%mul3A_4] : memref<1638400xi32, #tpu.memory_space<hbm>> -> memref<256xi32, #tpu.memory_space<hbm>>
      tpu.wait_dma2 semaphore(%arg28 : memref<!tpu.dma_semaphore, #tpu.memory_space<semaphore_mem>>) src(%dma_wait3A_83 : memref<256xi32, #tpu.memory_space<hbm>>) dst(%arg11 : memref<256xi32, #tpu.memory_space<vmem>>)
      %dma_wait3A_84 = tpu.memref_slice %arg4[%mul3A_4] : memref<1638400xi32, #tpu.memory_space<hbm>> -> memref<256xi32, #tpu.memory_space<hbm>>
      %dma_wait3A_85 = tpu.memref_slice %arg4[%mul3A_4] : memref<1638400xi32, #tpu.memory_space<hbm>> -> memref<256xi32, #tpu.memory_space<hbm>>
      tpu.wait_dma2 semaphore(%arg28 : memref<!tpu.dma_semaphore, #tpu.memory_space<semaphore_mem>>) src(%dma_wait3A_85 : memref<256xi32, #tpu.memory_space<hbm>>) dst(%arg15 : memref<256xi32, #tpu.memory_space<vmem>>)
      %dma_start3A_86 = arith.constant 0 : i32
      %dma_start3A_87 = arith.constant 0 : i32
      %dma_start3A_88 = tpu.memref_slice %arg2[%dma_start3A_86, %dma_start3A_87] : memref<819200x16xf32, #tpu.memory_space<hbm>> -> memref<819200x16xf32, #tpu.memory_space<hbm>>
      tpu.enqueue_indirect_dma source(%dma_start3A_88 : memref<819200x16xf32, #tpu.memory_space<hbm>>) target(%arg23 : memref<256x16xf32, #tpu.memory_space<vmem>>) offsets(%arg11 : memref<256xi32, #tpu.memory_space<vmem>>) semaphore(%arg32 : memref<!tpu.dma_semaphore, #tpu.memory_space<semaphore_mem>>)
      %dma_wait3A_89 = arith.constant 0 : i32
      %dma_wait3A_90 = arith.constant 0 : i32
      %dma_wait3A_91 = tpu.memref_slice %arg2[%dma_wait3A_89, %dma_wait3A_90] : memref<819200x16xf32, #tpu.memory_space<hbm>> -> memref<819200x16xf32, #tpu.memory_space<hbm>>
      tpu.wait_indirect_dma semaphore(%arg31 : memref<!tpu.dma_semaphore, #tpu.memory_space<semaphore_mem>>) src(%dma_wait3A_91 : memref<819200x16xf32, #tpu.memory_space<hbm>>) dst(%arg22 : memref<256x16xf32, #tpu.memory_space<vmem>>)
      %dma_start3A_92 = arith.constant 0 : i32
      %dma_start3A_93 = arith.constant 0 : i32
      %dma_start3A_94 = tpu.memref_slice %arg8[%dma_start3A_92, %dma_start3A_93] : memref<102400x16xf32, #tpu.memory_space<vmem_shared>> -> memref<102400x16xf32, #tpu.memory_space<vmem_shared>>
      tpu.enqueue_indirect_dma source(%arg22 : memref<256x16xf32, #tpu.memory_space<vmem>>) target(%dma_start3A_94 : memref<102400x16xf32, #tpu.memory_space<vmem_shared>>) offsets(%arg14 : memref<256xi32, #tpu.memory_space<vmem>>) semaphore(%arg35 : memref<!tpu.dma_semaphore, #tpu.memory_space<semaphore_mem>>) {add = true}
      %add3A_95 = arith.constant 2 : i32
      %add3A_96 = arith.addi %add3A_76, %add3A_95 : i32
      %min3A_97 = arith.constant 199 : i32
      %min3A_98 = arith.minsi %add3A_96, %min3A_97 : i32
      %mul3A_99 = arith.constant 256 : i32
      %mul3A_100 = arith.muli %min3A_98, %mul3A_99 : i32
      %add3A_101 = arith.addi %mul3A_4, %mul3A_100 : i32
      %dma_start3A_102 = tpu.memref_slice %arg3[%add3A_101] : memref<1638400xi32, #tpu.memory_space<hbm>> -> memref<256xi32, #tpu.memory_space<hbm>>
      %dma_start3A_103 = tpu.memref_slice %arg3[%add3A_101] : memref<1638400xi32, #tpu.memory_space<hbm>> -> memref<256xi32, #tpu.memory_space<hbm>>
      tpu.enqueue_dma source(%dma_start3A_103 : memref<256xi32, #tpu.memory_space<hbm>>) target(%arg13 : memref<256xi32, #tpu.memory_space<vmem>>) target_semaphore(%arg30 : memref<!tpu.dma_semaphore, #tpu.memory_space<semaphore_mem>>)
      %dma_start3A_104 = tpu.memref_slice %arg4[%add3A_101] : memref<1638400xi32, #tpu.memory_space<hbm>> -> memref<256xi32, #tpu.memory_space<hbm>>
      %dma_start3A_105 = tpu.memref_slice %arg4[%add3A_101] : memref<1638400xi32, #tpu.memory_space<hbm>> -> memref<256xi32, #tpu.memory_space<hbm>>
      tpu.enqueue_dma source(%dma_start3A_105 : memref<256xi32, #tpu.memory_space<hbm>>) target(%arg17 : memref<256xi32, #tpu.memory_space<vmem>>) target_semaphore(%arg30 : memref<!tpu.dma_semaphore, #tpu.memory_space<semaphore_mem>>)
      %mul3A_106 = arith.constant 8 : i32
      %mul3A_107 = arith.muli %mul3A_106, %scan3A_44 : i32
      %add3A_108 = arith.constant 2 : i32
      %add3A_109 = arith.addi %mul3A_107, %add3A_108 : i32
      %gt3A_110 = arith.constant 0 : i32
      %gt3A_111 = arith.cmpi sgt, %scan3A_44, %gt3A_110 : i32
      %convert_element_type3A_112 = arith.extui %gt3A_111 : i1 to i32
      %cond3A_113 = arith.constant 0 : i32
      %cond3A_114 = arith.cmpi ne, %convert_element_type3A_112, %cond3A_113 : i32
      scf.if %cond3A_114 {
        %dma_wait3A_294 = arith.constant 0 : i32
        %dma_wait3A_295 = arith.constant 0 : i32
        %dma_wait3A_296 = tpu.memref_slice %arg8[%dma_wait3A_294, %dma_wait3A_295] : memref<102400x16xf32, #tpu.memory_space<vmem_shared>> -> memref<102400x16xf32, #tpu.memory_space<vmem_shared>>
        tpu.wait_indirect_dma semaphore(%arg38 : memref<!tpu.dma_semaphore, #tpu.memory_space<semaphore_mem>>) src(%arg25 : memref<256x16xf32, #tpu.memory_space<vmem>>) dst(%dma_wait3A_296 : memref<102400x16xf32, #tpu.memory_space<vmem_shared>>)
      } else {
      }
      %dma_wait3A_115 = tpu.memref_slice %arg3[%mul3A_4] : memref<1638400xi32, #tpu.memory_space<hbm>> -> memref<256xi32, #tpu.memory_space<hbm>>
      %dma_wait3A_116 = tpu.memref_slice %arg3[%mul3A_4] : memref<1638400xi32, #tpu.memory_space<hbm>> -> memref<256xi32, #tpu.memory_space<hbm>>
      tpu.wait_dma2 semaphore(%arg29 : memref<!tpu.dma_semaphore, #tpu.memory_space<semaphore_mem>>) src(%dma_wait3A_116 : memref<256xi32, #tpu.memory_space<hbm>>) dst(%arg12 : memref<256xi32, #tpu.memory_space<vmem>>)
      %dma_wait3A_117 = tpu.memref_slice %arg4[%mul3A_4] : memref<1638400xi32, #tpu.memory_space<hbm>> -> memref<256xi32, #tpu.memory_space<hbm>>
      %dma_wait3A_118 = tpu.memref_slice %arg4[%mul3A_4] : memref<1638400xi32, #tpu.memory_space<hbm>> -> memref<256xi32, #tpu.memory_space<hbm>>
      tpu.wait_dma2 semaphore(%arg29 : memref<!tpu.dma_semaphore, #tpu.memory_space<semaphore_mem>>) src(%dma_wait3A_118 : memref<256xi32, #tpu.memory_space<hbm>>) dst(%arg16 : memref<256xi32, #tpu.memory_space<vmem>>)
      %dma_start3A_119 = arith.constant 0 : i32
      %dma_start3A_120 = arith.constant 0 : i32
      %dma_start3A_121 = tpu.memref_slice %arg2[%dma_start3A_119, %dma_start3A_120] : memref<819200x16xf32, #tpu.memory_space<hbm>> -> memref<819200x16xf32, #tpu.memory_space<hbm>>
      tpu.enqueue_indirect_dma source(%dma_start3A_121 : memref<819200x16xf32, #tpu.memory_space<hbm>>) target(%arg24 : memref<256x16xf32, #tpu.memory_space<vmem>>) offsets(%arg12 : memref<256xi32, #tpu.memory_space<vmem>>) semaphore(%arg33 : memref<!tpu.dma_semaphore, #tpu.memory_space<semaphore_mem>>)
      %dma_wait3A_122 = arith.constant 0 : i32
      %dma_wait3A_123 = arith.constant 0 : i32
      %dma_wait3A_124 = tpu.memref_slice %arg2[%dma_wait3A_122, %dma_wait3A_123] : memref<819200x16xf32, #tpu.memory_space<hbm>> -> memref<819200x16xf32, #tpu.memory_space<hbm>>
      tpu.wait_indirect_dma semaphore(%arg32 : memref<!tpu.dma_semaphore, #tpu.memory_space<semaphore_mem>>) src(%dma_wait3A_124 : memref<819200x16xf32, #tpu.memory_space<hbm>>) dst(%arg23 : memref<256x16xf32, #tpu.memory_space<vmem>>)
      %dma_start3A_125 = arith.constant 0 : i32
      %dma_start3A_126 = arith.constant 0 : i32
      %dma_start3A_127 = tpu.memref_slice %arg8[%dma_start3A_125, %dma_start3A_126] : memref<102400x16xf32, #tpu.memory_space<vmem_shared>> -> memref<102400x16xf32, #tpu.memory_space<vmem_shared>>
      tpu.enqueue_indirect_dma source(%arg23 : memref<256x16xf32, #tpu.memory_space<vmem>>) target(%dma_start3A_127 : memref<102400x16xf32, #tpu.memory_space<vmem_shared>>) offsets(%arg15 : memref<256xi32, #tpu.memory_space<vmem>>) semaphore(%arg36 : memref<!tpu.dma_semaphore, #tpu.memory_space<semaphore_mem>>) {add = true}
      %add3A_128 = arith.constant 2 : i32
      %add3A_129 = arith.addi %add3A_109, %add3A_128 : i32
      %min3A_130 = arith.constant 199 : i32
      %min3A_131 = arith.minsi %add3A_129, %min3A_130 : i32
      %mul3A_132 = arith.constant 256 : i32
      %mul3A_133 = arith.muli %min3A_131, %mul3A_132 : i32
      %add3A_134 = arith.addi %mul3A_4, %mul3A_133 : i32
      %dma_start3A_135 = tpu.memref_slice %arg3[%add3A_134] : memref<1638400xi32, #tpu.memory_space<hbm>> -> memref<256xi32, #tpu.memory_space<hbm>>
      %dma_start3A_136 = tpu.memref_slice %arg3[%add3A_134] : memref<1638400xi32, #tpu.memory_space<hbm>> -> memref<256xi32, #tpu.memory_space<hbm>>
      tpu.enqueue_dma source(%dma_start3A_136 : memref<256xi32, #tpu.memory_space<hbm>>) target(%arg10 : memref<256xi32, #tpu.memory_space<vmem>>) target_semaphore(%arg27 : memref<!tpu.dma_semaphore, #tpu.memory_space<semaphore_mem>>)
      %dma_start3A_137 = tpu.memref_slice %arg4[%add3A_134] : memref<1638400xi32, #tpu.memory_space<hbm>> -> memref<256xi32, #tpu.memory_space<hbm>>
      %dma_start3A_138 = tpu.memref_slice %arg4[%add3A_134] : memref<1638400xi32, #tpu.memory_space<hbm>> -> memref<256xi32, #tpu.memory_space<hbm>>
      tpu.enqueue_dma source(%dma_start3A_138 : memref<256xi32, #tpu.memory_space<hbm>>) target(%arg18 : memref<256xi32, #tpu.memory_space<vmem>>) target_semaphore(%arg27 : memref<!tpu.dma_semaphore, #tpu.memory_space<semaphore_mem>>)
      %mul3A_139 = arith.constant 8 : i32
      %mul3A_140 = arith.muli %mul3A_139, %scan3A_44 : i32
      %add3A_141 = arith.constant 3 : i32
      %add3A_142 = arith.addi %mul3A_140, %add3A_141 : i32
      %dma_wait3A_143 = arith.constant 0 : i32
      %dma_wait3A_144 = arith.constant 0 : i32
      %dma_wait3A_145 = tpu.memref_slice %arg8[%dma_wait3A_143, %dma_wait3A_144] : memref<102400x16xf32, #tpu.memory_space<vmem_shared>> -> memref<102400x16xf32, #tpu.memory_space<vmem_shared>>
      tpu.wait_indirect_dma semaphore(%arg35 : memref<!tpu.dma_semaphore, #tpu.memory_space<semaphore_mem>>) src(%arg22 : memref<256x16xf32, #tpu.memory_space<vmem>>) dst(%dma_wait3A_145 : memref<102400x16xf32, #tpu.memory_space<vmem_shared>>)
      %dma_wait3A_146 = tpu.memref_slice %arg3[%mul3A_4] : memref<1638400xi32, #tpu.memory_space<hbm>> -> memref<256xi32, #tpu.memory_space<hbm>>
      %dma_wait3A_147 = tpu.memref_slice %arg3[%mul3A_4] : memref<1638400xi32, #tpu.memory_space<hbm>> -> memref<256xi32, #tpu.memory_space<hbm>>
      tpu.wait_dma2 semaphore(%arg30 : memref<!tpu.dma_semaphore, #tpu.memory_space<semaphore_mem>>) src(%dma_wait3A_147 : memref<256xi32, #tpu.memory_space<hbm>>) dst(%arg13 : memref<256xi32, #tpu.memory_space<vmem>>)
      %dma_wait3A_148 = tpu.memref_slice %arg4[%mul3A_4] : memref<1638400xi32, #tpu.memory_space<hbm>> -> memref<256xi32, #tpu.memory_space<hbm>>
      %dma_wait3A_149 = tpu.memref_slice %arg4[%mul3A_4] : memref<1638400xi32, #tpu.memory_space<hbm>> -> memref<256xi32, #tpu.memory_space<hbm>>
      tpu.wait_dma2 semaphore(%arg30 : memref<!tpu.dma_semaphore, #tpu.memory_space<semaphore_mem>>) src(%dma_wait3A_149 : memref<256xi32, #tpu.memory_space<hbm>>) dst(%arg17 : memref<256xi32, #tpu.memory_space<vmem>>)
      %dma_start3A_150 = arith.constant 0 : i32
      %dma_start3A_151 = arith.constant 0 : i32
      %dma_start3A_152 = tpu.memref_slice %arg2[%dma_start3A_150, %dma_start3A_151] : memref<819200x16xf32, #tpu.memory_space<hbm>> -> memref<819200x16xf32, #tpu.memory_space<hbm>>
      tpu.enqueue_indirect_dma source(%dma_start3A_152 : memref<819200x16xf32, #tpu.memory_space<hbm>>) target(%arg25 : memref<256x16xf32, #tpu.memory_space<vmem>>) offsets(%arg13 : memref<256xi32, #tpu.memory_space<vmem>>) semaphore(%arg34 : memref<!tpu.dma_semaphore, #tpu.memory_space<semaphore_mem>>)
      %dma_wait3A_153 = arith.constant 0 : i32
      %dma_wait3A_154 = arith.constant 0 : i32
      %dma_wait3A_155 = tpu.memref_slice %arg2[%dma_wait3A_153, %dma_wait3A_154] : memref<819200x16xf32, #tpu.memory_space<hbm>> -> memref<819200x16xf32, #tpu.memory_space<hbm>>
      tpu.wait_indirect_dma semaphore(%arg33 : memref<!tpu.dma_semaphore, #tpu.memory_space<semaphore_mem>>) src(%dma_wait3A_155 : memref<819200x16xf32, #tpu.memory_space<hbm>>) dst(%arg24 : memref<256x16xf32, #tpu.memory_space<vmem>>)
      %dma_start3A_156 = arith.constant 0 : i32
      %dma_start3A_157 = arith.constant 0 : i32
      %dma_start3A_158 = tpu.memref_slice %arg8[%dma_start3A_156, %dma_start3A_157] : memref<102400x16xf32, #tpu.memory_space<vmem_shared>> -> memref<102400x16xf32, #tpu.memory_space<vmem_shared>>
      tpu.enqueue_indirect_dma source(%arg24 : memref<256x16xf32, #tpu.memory_space<vmem>>) target(%dma_start3A_158 : memref<102400x16xf32, #tpu.memory_space<vmem_shared>>) offsets(%arg16 : memref<256xi32, #tpu.memory_space<vmem>>) semaphore(%arg37 : memref<!tpu.dma_semaphore, #tpu.memory_space<semaphore_mem>>) {add = true}
      %add3A_159 = arith.constant 2 : i32
      %add3A_160 = arith.addi %add3A_142, %add3A_159 : i32
      %min3A_161 = arith.constant 199 : i32
      %min3A_162 = arith.minsi %add3A_160, %min3A_161 : i32
      %mul3A_163 = arith.constant 256 : i32
      %mul3A_164 = arith.muli %min3A_162, %mul3A_163 : i32
      %add3A_165 = arith.addi %mul3A_4, %mul3A_164 : i32
      %dma_start3A_166 = tpu.memref_slice %arg3[%add3A_165] : memref<1638400xi32, #tpu.memory_space<hbm>> -> memref<256xi32, #tpu.memory_space<hbm>>
      %dma_start3A_167 = tpu.memref_slice %arg3[%add3A_165] : memref<1638400xi32, #tpu.memory_space<hbm>> -> memref<256xi32, #tpu.memory_space<hbm>>
      tpu.enqueue_dma source(%dma_start3A_167 : memref<256xi32, #tpu.memory_space<hbm>>) target(%arg11 : memref<256xi32, #tpu.memory_space<vmem>>) target_semaphore(%arg28 : memref<!tpu.dma_semaphore, #tpu.memory_space<semaphore_mem>>)
      %dma_start3A_168 = tpu.memref_slice %arg4[%add3A_165] : memref<1638400xi32, #tpu.memory_space<hbm>> -> memref<256xi32, #tpu.memory_space<hbm>>
      %dma_start3A_169 = tpu.memref_slice %arg4[%add3A_165] : memref<1638400xi32, #tpu.memory_space<hbm>> -> memref<256xi32, #tpu.memory_space<hbm>>
      tpu.enqueue_dma source(%dma_start3A_169 : memref<256xi32, #tpu.memory_space<hbm>>) target(%arg19 : memref<256xi32, #tpu.memory_space<vmem>>) target_semaphore(%arg28 : memref<!tpu.dma_semaphore, #tpu.memory_space<semaphore_mem>>)
      %mul3A_170 = arith.constant 8 : i32
      %mul3A_171 = arith.muli %mul3A_170, %scan3A_44 : i32
      %add3A_172 = arith.constant 4 : i32
      %add3A_173 = arith.addi %mul3A_171, %add3A_172 : i32
      %dma_wait3A_174 = arith.constant 0 : i32
      %dma_wait3A_175 = arith.constant 0 : i32
      %dma_wait3A_176 = tpu.memref_slice %arg8[%dma_wait3A_174, %dma_wait3A_175] : memref<102400x16xf32, #tpu.memory_space<vmem_shared>> -> memref<102400x16xf32, #tpu.memory_space<vmem_shared>>
      tpu.wait_indirect_dma semaphore(%arg36 : memref<!tpu.dma_semaphore, #tpu.memory_space<semaphore_mem>>) src(%arg23 : memref<256x16xf32, #tpu.memory_space<vmem>>) dst(%dma_wait3A_176 : memref<102400x16xf32, #tpu.memory_space<vmem_shared>>)
      %dma_wait3A_177 = tpu.memref_slice %arg3[%mul3A_4] : memref<1638400xi32, #tpu.memory_space<hbm>> -> memref<256xi32, #tpu.memory_space<hbm>>
      %dma_wait3A_178 = tpu.memref_slice %arg3[%mul3A_4] : memref<1638400xi32, #tpu.memory_space<hbm>> -> memref<256xi32, #tpu.memory_space<hbm>>
      tpu.wait_dma2 semaphore(%arg27 : memref<!tpu.dma_semaphore, #tpu.memory_space<semaphore_mem>>) src(%dma_wait3A_178 : memref<256xi32, #tpu.memory_space<hbm>>) dst(%arg10 : memref<256xi32, #tpu.memory_space<vmem>>)
      %dma_wait3A_179 = tpu.memref_slice %arg4[%mul3A_4] : memref<1638400xi32, #tpu.memory_space<hbm>> -> memref<256xi32, #tpu.memory_space<hbm>>
      %dma_wait3A_180 = tpu.memref_slice %arg4[%mul3A_4] : memref<1638400xi32, #tpu.memory_space<hbm>> -> memref<256xi32, #tpu.memory_space<hbm>>
      tpu.wait_dma2 semaphore(%arg27 : memref<!tpu.dma_semaphore, #tpu.memory_space<semaphore_mem>>) src(%dma_wait3A_180 : memref<256xi32, #tpu.memory_space<hbm>>) dst(%arg18 : memref<256xi32, #tpu.memory_space<vmem>>)
      %dma_start3A_181 = arith.constant 0 : i32
      %dma_start3A_182 = arith.constant 0 : i32
      %dma_start3A_183 = tpu.memref_slice %arg2[%dma_start3A_181, %dma_start3A_182] : memref<819200x16xf32, #tpu.memory_space<hbm>> -> memref<819200x16xf32, #tpu.memory_space<hbm>>
      tpu.enqueue_indirect_dma source(%dma_start3A_183 : memref<819200x16xf32, #tpu.memory_space<hbm>>) target(%arg22 : memref<256x16xf32, #tpu.memory_space<vmem>>) offsets(%arg10 : memref<256xi32, #tpu.memory_space<vmem>>) semaphore(%arg31 : memref<!tpu.dma_semaphore, #tpu.memory_space<semaphore_mem>>)
      %dma_wait3A_184 = arith.constant 0 : i32
      %dma_wait3A_185 = arith.constant 0 : i32
      %dma_wait3A_186 = tpu.memref_slice %arg2[%dma_wait3A_184, %dma_wait3A_185] : memref<819200x16xf32, #tpu.memory_space<hbm>> -> memref<819200x16xf32, #tpu.memory_space<hbm>>
      tpu.wait_indirect_dma semaphore(%arg34 : memref<!tpu.dma_semaphore, #tpu.memory_space<semaphore_mem>>) src(%dma_wait3A_186 : memref<819200x16xf32, #tpu.memory_space<hbm>>) dst(%arg25 : memref<256x16xf32, #tpu.memory_space<vmem>>)
      %dma_start3A_187 = arith.constant 0 : i32
      %dma_start3A_188 = arith.constant 0 : i32
      %dma_start3A_189 = tpu.memref_slice %arg8[%dma_start3A_187, %dma_start3A_188] : memref<102400x16xf32, #tpu.memory_space<vmem_shared>> -> memref<102400x16xf32, #tpu.memory_space<vmem_shared>>
      tpu.enqueue_indirect_dma source(%arg25 : memref<256x16xf32, #tpu.memory_space<vmem>>) target(%dma_start3A_189 : memref<102400x16xf32, #tpu.memory_space<vmem_shared>>) offsets(%arg17 : memref<256xi32, #tpu.memory_space<vmem>>) semaphore(%arg38 : memref<!tpu.dma_semaphore, #tpu.memory_space<semaphore_mem>>) {add = true}
      %add3A_190 = arith.constant 2 : i32
      %add3A_191 = arith.addi %add3A_173, %add3A_190 : i32
      %min3A_192 = arith.constant 199 : i32
      %min3A_193 = arith.minsi %add3A_191, %min3A_192 : i32
      %mul3A_194 = arith.constant 256 : i32
      %mul3A_195 = arith.muli %min3A_193, %mul3A_194 : i32
      %add3A_196 = arith.addi %mul3A_4, %mul3A_195 : i32
      %dma_start3A_197 = tpu.memref_slice %arg3[%add3A_196] : memref<1638400xi32, #tpu.memory_space<hbm>> -> memref<256xi32, #tpu.memory_space<hbm>>
      %dma_start3A_198 = tpu.memref_slice %arg3[%add3A_196] : memref<1638400xi32, #tpu.memory_space<hbm>> -> memref<256xi32, #tpu.memory_space<hbm>>
      tpu.enqueue_dma source(%dma_start3A_198 : memref<256xi32, #tpu.memory_space<hbm>>) target(%arg12 : memref<256xi32, #tpu.memory_space<vmem>>) target_semaphore(%arg29 : memref<!tpu.dma_semaphore, #tpu.memory_space<semaphore_mem>>)
      %dma_start3A_199 = tpu.memref_slice %arg4[%add3A_196] : memref<1638400xi32, #tpu.memory_space<hbm>> -> memref<256xi32, #tpu.memory_space<hbm>>
      %dma_start3A_200 = tpu.memref_slice %arg4[%add3A_196] : memref<1638400xi32, #tpu.memory_space<hbm>> -> memref<256xi32, #tpu.memory_space<hbm>>
      tpu.enqueue_dma source(%dma_start3A_200 : memref<256xi32, #tpu.memory_space<hbm>>) target(%arg20 : memref<256xi32, #tpu.memory_space<vmem>>) target_semaphore(%arg29 : memref<!tpu.dma_semaphore, #tpu.memory_space<semaphore_mem>>)
      %mul3A_201 = arith.constant 8 : i32
      %mul3A_202 = arith.muli %mul3A_201, %scan3A_44 : i32
      %add3A_203 = arith.constant 5 : i32
      %add3A_204 = arith.addi %mul3A_202, %add3A_203 : i32
      %dma_wait3A_205 = arith.constant 0 : i32
      %dma_wait3A_206 = arith.constant 0 : i32
      %dma_wait3A_207 = tpu.memref_slice %arg8[%dma_wait3A_205, %dma_wait3A_206] : memref<102400x16xf32, #tpu.memory_space<vmem_shared>> -> memref<102400x16xf32, #tpu.memory_space<vmem_shared>>
      tpu.wait_indirect_dma semaphore(%arg37 : memref<!tpu.dma_semaphore, #tpu.memory_space<semaphore_mem>>) src(%arg24 : memref<256x16xf32, #tpu.memory_space<vmem>>) dst(%dma_wait3A_207 : memref<102400x16xf32, #tpu.memory_space<vmem_shared>>)
      %dma_wait3A_208 = tpu.memref_slice %arg3[%mul3A_4] : memref<1638400xi32, #tpu.memory_space<hbm>> -> memref<256xi32, #tpu.memory_space<hbm>>
      %dma_wait3A_209 = tpu.memref_slice %arg3[%mul3A_4] : memref<1638400xi32, #tpu.memory_space<hbm>> -> memref<256xi32, #tpu.memory_space<hbm>>
      tpu.wait_dma2 semaphore(%arg28 : memref<!tpu.dma_semaphore, #tpu.memory_space<semaphore_mem>>) src(%dma_wait3A_209 : memref<256xi32, #tpu.memory_space<hbm>>) dst(%arg11 : memref<256xi32, #tpu.memory_space<vmem>>)
      %dma_wait3A_210 = tpu.memref_slice %arg4[%mul3A_4] : memref<1638400xi32, #tpu.memory_space<hbm>> -> memref<256xi32, #tpu.memory_space<hbm>>
      %dma_wait3A_211 = tpu.memref_slice %arg4[%mul3A_4] : memref<1638400xi32, #tpu.memory_space<hbm>> -> memref<256xi32, #tpu.memory_space<hbm>>
      tpu.wait_dma2 semaphore(%arg28 : memref<!tpu.dma_semaphore, #tpu.memory_space<semaphore_mem>>) src(%dma_wait3A_211 : memref<256xi32, #tpu.memory_space<hbm>>) dst(%arg19 : memref<256xi32, #tpu.memory_space<vmem>>)
      %dma_start3A_212 = arith.constant 0 : i32
      %dma_start3A_213 = arith.constant 0 : i32
      %dma_start3A_214 = tpu.memref_slice %arg2[%dma_start3A_212, %dma_start3A_213] : memref<819200x16xf32, #tpu.memory_space<hbm>> -> memref<819200x16xf32, #tpu.memory_space<hbm>>
      tpu.enqueue_indirect_dma source(%dma_start3A_214 : memref<819200x16xf32, #tpu.memory_space<hbm>>) target(%arg23 : memref<256x16xf32, #tpu.memory_space<vmem>>) offsets(%arg11 : memref<256xi32, #tpu.memory_space<vmem>>) semaphore(%arg32 : memref<!tpu.dma_semaphore, #tpu.memory_space<semaphore_mem>>)
      %dma_wait3A_215 = arith.constant 0 : i32
      %dma_wait3A_216 = arith.constant 0 : i32
      %dma_wait3A_217 = tpu.memref_slice %arg2[%dma_wait3A_215, %dma_wait3A_216] : memref<819200x16xf32, #tpu.memory_space<hbm>> -> memref<819200x16xf32, #tpu.memory_space<hbm>>
      tpu.wait_indirect_dma semaphore(%arg31 : memref<!tpu.dma_semaphore, #tpu.memory_space<semaphore_mem>>) src(%dma_wait3A_217 : memref<819200x16xf32, #tpu.memory_space<hbm>>) dst(%arg22 : memref<256x16xf32, #tpu.memory_space<vmem>>)
      %dma_start3A_218 = arith.constant 0 : i32
      %dma_start3A_219 = arith.constant 0 : i32
      %dma_start3A_220 = tpu.memref_slice %arg8[%dma_start3A_218, %dma_start3A_219] : memref<102400x16xf32, #tpu.memory_space<vmem_shared>> -> memref<102400x16xf32, #tpu.memory_space<vmem_shared>>
      tpu.enqueue_indirect_dma source(%arg22 : memref<256x16xf32, #tpu.memory_space<vmem>>) target(%dma_start3A_220 : memref<102400x16xf32, #tpu.memory_space<vmem_shared>>) offsets(%arg18 : memref<256xi32, #tpu.memory_space<vmem>>) semaphore(%arg35 : memref<!tpu.dma_semaphore, #tpu.memory_space<semaphore_mem>>) {add = true}
      %add3A_221 = arith.constant 2 : i32
      %add3A_222 = arith.addi %add3A_204, %add3A_221 : i32
      %min3A_223 = arith.constant 199 : i32
      %min3A_224 = arith.minsi %add3A_222, %min3A_223 : i32
      %mul3A_225 = arith.constant 256 : i32
      %mul3A_226 = arith.muli %min3A_224, %mul3A_225 : i32
      %add3A_227 = arith.addi %mul3A_4, %mul3A_226 : i32
      %dma_start3A_228 = tpu.memref_slice %arg3[%add3A_227] : memref<1638400xi32, #tpu.memory_space<hbm>> -> memref<256xi32, #tpu.memory_space<hbm>>
      %dma_start3A_229 = tpu.memref_slice %arg3[%add3A_227] : memref<1638400xi32, #tpu.memory_space<hbm>> -> memref<256xi32, #tpu.memory_space<hbm>>
      tpu.enqueue_dma source(%dma_start3A_229 : memref<256xi32, #tpu.memory_space<hbm>>) target(%arg13 : memref<256xi32, #tpu.memory_space<vmem>>) target_semaphore(%arg30 : memref<!tpu.dma_semaphore, #tpu.memory_space<semaphore_mem>>)
      %dma_start3A_230 = tpu.memref_slice %arg4[%add3A_227] : memref<1638400xi32, #tpu.memory_space<hbm>> -> memref<256xi32, #tpu.memory_space<hbm>>
      %dma_start3A_231 = tpu.memref_slice %arg4[%add3A_227] : memref<1638400xi32, #tpu.memory_space<hbm>> -> memref<256xi32, #tpu.memory_space<hbm>>
      tpu.enqueue_dma source(%dma_start3A_231 : memref<256xi32, #tpu.memory_space<hbm>>) target(%arg21 : memref<256xi32, #tpu.memory_space<vmem>>) target_semaphore(%arg30 : memref<!tpu.dma_semaphore, #tpu.memory_space<semaphore_mem>>)
      %mul3A_232 = arith.constant 8 : i32
      %mul3A_233 = arith.muli %mul3A_232, %scan3A_44 : i32
      %add3A_234 = arith.constant 6 : i32
      %add3A_235 = arith.addi %mul3A_233, %add3A_234 : i32
      %dma_wait3A_236 = arith.constant 0 : i32
      %dma_wait3A_237 = arith.constant 0 : i32
      %dma_wait3A_238 = tpu.memref_slice %arg8[%dma_wait3A_236, %dma_wait3A_237] : memref<102400x16xf32, #tpu.memory_space<vmem_shared>> -> memref<102400x16xf32, #tpu.memory_space<vmem_shared>>
      tpu.wait_indirect_dma semaphore(%arg38 : memref<!tpu.dma_semaphore, #tpu.memory_space<semaphore_mem>>) src(%arg25 : memref<256x16xf32, #tpu.memory_space<vmem>>) dst(%dma_wait3A_238 : memref<102400x16xf32, #tpu.memory_space<vmem_shared>>)
      %dma_wait3A_239 = tpu.memref_slice %arg3[%mul3A_4] : memref<1638400xi32, #tpu.memory_space<hbm>> -> memref<256xi32, #tpu.memory_space<hbm>>
      %dma_wait3A_240 = tpu.memref_slice %arg3[%mul3A_4] : memref<1638400xi32, #tpu.memory_space<hbm>> -> memref<256xi32, #tpu.memory_space<hbm>>
      tpu.wait_dma2 semaphore(%arg29 : memref<!tpu.dma_semaphore, #tpu.memory_space<semaphore_mem>>) src(%dma_wait3A_240 : memref<256xi32, #tpu.memory_space<hbm>>) dst(%arg12 : memref<256xi32, #tpu.memory_space<vmem>>)
      %dma_wait3A_241 = tpu.memref_slice %arg4[%mul3A_4] : memref<1638400xi32, #tpu.memory_space<hbm>> -> memref<256xi32, #tpu.memory_space<hbm>>
      %dma_wait3A_242 = tpu.memref_slice %arg4[%mul3A_4] : memref<1638400xi32, #tpu.memory_space<hbm>> -> memref<256xi32, #tpu.memory_space<hbm>>
      tpu.wait_dma2 semaphore(%arg29 : memref<!tpu.dma_semaphore, #tpu.memory_space<semaphore_mem>>) src(%dma_wait3A_242 : memref<256xi32, #tpu.memory_space<hbm>>) dst(%arg20 : memref<256xi32, #tpu.memory_space<vmem>>)
      %dma_start3A_243 = arith.constant 0 : i32
      %dma_start3A_244 = arith.constant 0 : i32
      %dma_start3A_245 = tpu.memref_slice %arg2[%dma_start3A_243, %dma_start3A_244] : memref<819200x16xf32, #tpu.memory_space<hbm>> -> memref<819200x16xf32, #tpu.memory_space<hbm>>
      tpu.enqueue_indirect_dma source(%dma_start3A_245 : memref<819200x16xf32, #tpu.memory_space<hbm>>) target(%arg24 : memref<256x16xf32, #tpu.memory_space<vmem>>) offsets(%arg12 : memref<256xi32, #tpu.memory_space<vmem>>) semaphore(%arg33 : memref<!tpu.dma_semaphore, #tpu.memory_space<semaphore_mem>>)
      %dma_wait3A_246 = arith.constant 0 : i32
      %dma_wait3A_247 = arith.constant 0 : i32
      %dma_wait3A_248 = tpu.memref_slice %arg2[%dma_wait3A_246, %dma_wait3A_247] : memref<819200x16xf32, #tpu.memory_space<hbm>> -> memref<819200x16xf32, #tpu.memory_space<hbm>>
      tpu.wait_indirect_dma semaphore(%arg32 : memref<!tpu.dma_semaphore, #tpu.memory_space<semaphore_mem>>) src(%dma_wait3A_248 : memref<819200x16xf32, #tpu.memory_space<hbm>>) dst(%arg23 : memref<256x16xf32, #tpu.memory_space<vmem>>)
      %dma_start3A_249 = arith.constant 0 : i32
      %dma_start3A_250 = arith.constant 0 : i32
      %dma_start3A_251 = tpu.memref_slice %arg8[%dma_start3A_249, %dma_start3A_250] : memref<102400x16xf32, #tpu.memory_space<vmem_shared>> -> memref<102400x16xf32, #tpu.memory_space<vmem_shared>>
      tpu.enqueue_indirect_dma source(%arg23 : memref<256x16xf32, #tpu.memory_space<vmem>>) target(%dma_start3A_251 : memref<102400x16xf32, #tpu.memory_space<vmem_shared>>) offsets(%arg19 : memref<256xi32, #tpu.memory_space<vmem>>) semaphore(%arg36 : memref<!tpu.dma_semaphore, #tpu.memory_space<semaphore_mem>>) {add = true}
      %add3A_252 = arith.constant 2 : i32
      %add3A_253 = arith.addi %add3A_235, %add3A_252 : i32
      %min3A_254 = arith.constant 199 : i32
      %min3A_255 = arith.minsi %add3A_253, %min3A_254 : i32
      %mul3A_256 = arith.constant 256 : i32
      %mul3A_257 = arith.muli %min3A_255, %mul3A_256 : i32
      %add3A_258 = arith.addi %mul3A_4, %mul3A_257 : i32
      %dma_start3A_259 = tpu.memref_slice %arg3[%add3A_258] : memref<1638400xi32, #tpu.memory_space<hbm>> -> memref<256xi32, #tpu.memory_space<hbm>>
      %dma_start3A_260 = tpu.memref_slice %arg3[%add3A_258] : memref<1638400xi32, #tpu.memory_space<hbm>> -> memref<256xi32, #tpu.memory_space<hbm>>
      tpu.enqueue_dma source(%dma_start3A_260 : memref<256xi32, #tpu.memory_space<hbm>>) target(%arg10 : memref<256xi32, #tpu.memory_space<vmem>>) target_semaphore(%arg27 : memref<!tpu.dma_semaphore, #tpu.memory_space<semaphore_mem>>)
      %dma_start3A_261 = tpu.memref_slice %arg4[%add3A_258] : memref<1638400xi32, #tpu.memory_space<hbm>> -> memref<256xi32, #tpu.memory_space<hbm>>
      %dma_start3A_262 = tpu.memref_slice %arg4[%add3A_258] : memref<1638400xi32, #tpu.memory_space<hbm>> -> memref<256xi32, #tpu.memory_space<hbm>>
      tpu.enqueue_dma source(%dma_start3A_262 : memref<256xi32, #tpu.memory_space<hbm>>) target(%arg14 : memref<256xi32, #tpu.memory_space<vmem>>) target_semaphore(%arg27 : memref<!tpu.dma_semaphore, #tpu.memory_space<semaphore_mem>>)
      %mul3A_263 = arith.constant 8 : i32
      %mul3A_264 = arith.muli %mul3A_263, %scan3A_44 : i32
      %add3A_265 = arith.constant 7 : i32
      %add3A_266 = arith.addi %mul3A_264, %add3A_265 : i32
      %dma_wait3A_267 = arith.constant 0 : i32
      %dma_wait3A_268 = arith.constant 0 : i32
      %dma_wait3A_269 = tpu.memref_slice %arg8[%dma_wait3A_267, %dma_wait3A_268] : memref<102400x16xf32, #tpu.memory_space<vmem_shared>> -> memref<102400x16xf32, #tpu.memory_space<vmem_shared>>
      tpu.wait_indirect_dma semaphore(%arg35 : memref<!tpu.dma_semaphore, #tpu.memory_space<semaphore_mem>>) src(%arg22 : memref<256x16xf32, #tpu.memory_space<vmem>>) dst(%dma_wait3A_269 : memref<102400x16xf32, #tpu.memory_space<vmem_shared>>)
      %dma_wait3A_270 = tpu.memref_slice %arg3[%mul3A_4] : memref<1638400xi32, #tpu.memory_space<hbm>> -> memref<256xi32, #tpu.memory_space<hbm>>
      %dma_wait3A_271 = tpu.memref_slice %arg3[%mul3A_4] : memref<1638400xi32, #tpu.memory_space<hbm>> -> memref<256xi32, #tpu.memory_space<hbm>>
      tpu.wait_dma2 semaphore(%arg30 : memref<!tpu.dma_semaphore, #tpu.memory_space<semaphore_mem>>) src(%dma_wait3A_271 : memref<256xi32, #tpu.memory_space<hbm>>) dst(%arg13 : memref<256xi32, #tpu.memory_space<vmem>>)
      %dma_wait3A_272 = tpu.memref_slice %arg4[%mul3A_4] : memref<1638400xi32, #tpu.memory_space<hbm>> -> memref<256xi32, #tpu.memory_space<hbm>>
      %dma_wait3A_273 = tpu.memref_slice %arg4[%mul3A_4] : memref<1638400xi32, #tpu.memory_space<hbm>> -> memref<256xi32, #tpu.memory_space<hbm>>
      tpu.wait_dma2 semaphore(%arg30 : memref<!tpu.dma_semaphore, #tpu.memory_space<semaphore_mem>>) src(%dma_wait3A_273 : memref<256xi32, #tpu.memory_space<hbm>>) dst(%arg21 : memref<256xi32, #tpu.memory_space<vmem>>)
      %dma_start3A_274 = arith.constant 0 : i32
      %dma_start3A_275 = arith.constant 0 : i32
      %dma_start3A_276 = tpu.memref_slice %arg2[%dma_start3A_274, %dma_start3A_275] : memref<819200x16xf32, #tpu.memory_space<hbm>> -> memref<819200x16xf32, #tpu.memory_space<hbm>>
      tpu.enqueue_indirect_dma source(%dma_start3A_276 : memref<819200x16xf32, #tpu.memory_space<hbm>>) target(%arg25 : memref<256x16xf32, #tpu.memory_space<vmem>>) offsets(%arg13 : memref<256xi32, #tpu.memory_space<vmem>>) semaphore(%arg34 : memref<!tpu.dma_semaphore, #tpu.memory_space<semaphore_mem>>)
      %dma_wait3A_277 = arith.constant 0 : i32
      %dma_wait3A_278 = arith.constant 0 : i32
      %dma_wait3A_279 = tpu.memref_slice %arg2[%dma_wait3A_277, %dma_wait3A_278] : memref<819200x16xf32, #tpu.memory_space<hbm>> -> memref<819200x16xf32, #tpu.memory_space<hbm>>
      tpu.wait_indirect_dma semaphore(%arg33 : memref<!tpu.dma_semaphore, #tpu.memory_space<semaphore_mem>>) src(%dma_wait3A_279 : memref<819200x16xf32, #tpu.memory_space<hbm>>) dst(%arg24 : memref<256x16xf32, #tpu.memory_space<vmem>>)
      %dma_start3A_280 = arith.constant 0 : i32
      %dma_start3A_281 = arith.constant 0 : i32
      %dma_start3A_282 = tpu.memref_slice %arg8[%dma_start3A_280, %dma_start3A_281] : memref<102400x16xf32, #tpu.memory_space<vmem_shared>> -> memref<102400x16xf32, #tpu.memory_space<vmem_shared>>
      tpu.enqueue_indirect_dma source(%arg24 : memref<256x16xf32, #tpu.memory_space<vmem>>) target(%dma_start3A_282 : memref<102400x16xf32, #tpu.memory_space<vmem_shared>>) offsets(%arg20 : memref<256xi32, #tpu.memory_space<vmem>>) semaphore(%arg37 : memref<!tpu.dma_semaphore, #tpu.memory_space<semaphore_mem>>) {add = true}
      %add3A_283 = arith.constant 2 : i32
      %add3A_284 = arith.addi %add3A_266, %add3A_283 : i32
      %min3A_285 = arith.constant 199 : i32
      %min3A_286 = arith.minsi %add3A_284, %min3A_285 : i32
      %mul3A_287 = arith.constant 256 : i32
      %mul3A_288 = arith.muli %min3A_286, %mul3A_287 : i32
      %add3A_289 = arith.addi %mul3A_4, %mul3A_288 : i32
      %dma_start3A_290 = tpu.memref_slice %arg3[%add3A_289] : memref<1638400xi32, #tpu.memory_space<hbm>> -> memref<256xi32, #tpu.memory_space<hbm>>
      %dma_start3A_291 = tpu.memref_slice %arg3[%add3A_289] : memref<1638400xi32, #tpu.memory_space<hbm>> -> memref<256xi32, #tpu.memory_space<hbm>>
      tpu.enqueue_dma source(%dma_start3A_291 : memref<256xi32, #tpu.memory_space<hbm>>) target(%arg11 : memref<256xi32, #tpu.memory_space<vmem>>) target_semaphore(%arg28 : memref<!tpu.dma_semaphore, #tpu.memory_space<semaphore_mem>>)
      %dma_start3A_292 = tpu.memref_slice %arg4[%add3A_289] : memref<1638400xi32, #tpu.memory_space<hbm>> -> memref<256xi32, #tpu.memory_space<hbm>>
      %dma_start3A_293 = tpu.memref_slice %arg4[%add3A_289] : memref<1638400xi32, #tpu.memory_space<hbm>> -> memref<256xi32, #tpu.memory_space<hbm>>
      tpu.enqueue_dma source(%dma_start3A_293 : memref<256xi32, #tpu.memory_space<hbm>>) target(%arg15 : memref<256xi32, #tpu.memory_space<vmem>>) target_semaphore(%arg28 : memref<!tpu.dma_semaphore, #tpu.memory_space<semaphore_mem>>)
    }
    %scan3A_20 = arith.constant 25 : i32
    %dma_wait3A = arith.constant 0 : i32
    %dma_wait3A_21 = arith.constant 0 : i32
    %dma_wait3A_22 = tpu.memref_slice %arg2[%dma_wait3A, %dma_wait3A_21] : memref<819200x16xf32, #tpu.memory_space<hbm>> -> memref<819200x16xf32, #tpu.memory_space<hbm>>
    tpu.wait_indirect_dma semaphore(%arg34 : memref<!tpu.dma_semaphore, #tpu.memory_space<semaphore_mem>>) src(%dma_wait3A_22 : memref<819200x16xf32, #tpu.memory_space<hbm>>) dst(%arg25 : memref<256x16xf32, #tpu.memory_space<vmem>>)
    %dma_start3A_23 = arith.constant 0 : i32
    %dma_start3A_24 = arith.constant 0 : i32
    %dma_start3A_25 = tpu.memref_slice %arg8[%dma_start3A_23, %dma_start3A_24] : memref<102400x16xf32, #tpu.memory_space<vmem_shared>> -> memref<102400x16xf32, #tpu.memory_space<vmem_shared>>
    tpu.enqueue_indirect_dma source(%arg25 : memref<256x16xf32, #tpu.memory_space<vmem>>) target(%dma_start3A_25 : memref<102400x16xf32, #tpu.memory_space<vmem_shared>>) offsets(%arg21 : memref<256xi32, #tpu.memory_space<vmem>>) semaphore(%arg38 : memref<!tpu.dma_semaphore, #tpu.memory_space<semaphore_mem>>) {add = true}
    %dma_wait3A_26 = arith.constant 0 : i32
    %dma_wait3A_27 = arith.constant 0 : i32
    %dma_wait3A_28 = tpu.memref_slice %arg8[%dma_wait3A_26, %dma_wait3A_27] : memref<102400x16xf32, #tpu.memory_space<vmem_shared>> -> memref<102400x16xf32, #tpu.memory_space<vmem_shared>>
    tpu.wait_indirect_dma semaphore(%arg36 : memref<!tpu.dma_semaphore, #tpu.memory_space<semaphore_mem>>) src(%arg23 : memref<256x16xf32, #tpu.memory_space<vmem>>) dst(%dma_wait3A_28 : memref<102400x16xf32, #tpu.memory_space<vmem_shared>>)
    %dma_wait3A_29 = arith.constant 0 : i32
    %dma_wait3A_30 = arith.constant 0 : i32
    %dma_wait3A_31 = tpu.memref_slice %arg8[%dma_wait3A_29, %dma_wait3A_30] : memref<102400x16xf32, #tpu.memory_space<vmem_shared>> -> memref<102400x16xf32, #tpu.memory_space<vmem_shared>>
    tpu.wait_indirect_dma semaphore(%arg37 : memref<!tpu.dma_semaphore, #tpu.memory_space<semaphore_mem>>) src(%arg24 : memref<256x16xf32, #tpu.memory_space<vmem>>) dst(%dma_wait3A_31 : memref<102400x16xf32, #tpu.memory_space<vmem_shared>>)
    %dma_wait3A_32 = arith.constant 0 : i32
    %dma_wait3A_33 = arith.constant 0 : i32
    %dma_wait3A_34 = tpu.memref_slice %arg8[%dma_wait3A_32, %dma_wait3A_33] : memref<102400x16xf32, #tpu.memory_space<vmem_shared>> -> memref<102400x16xf32, #tpu.memory_space<vmem_shared>>
    tpu.wait_indirect_dma semaphore(%arg38 : memref<!tpu.dma_semaphore, #tpu.memory_space<semaphore_mem>>) src(%arg25 : memref<256x16xf32, #tpu.memory_space<vmem>>) dst(%dma_wait3A_34 : memref<102400x16xf32, #tpu.memory_space<vmem_shared>>)
    %dma_wait3A_35 = tpu.memref_slice %arg3[%mul3A_4] : memref<1638400xi32, #tpu.memory_space<hbm>> -> memref<256xi32, #tpu.memory_space<hbm>>
    %dma_wait3A_36 = tpu.memref_slice %arg3[%mul3A_4] : memref<1638400xi32, #tpu.memory_space<hbm>> -> memref<256xi32, #tpu.memory_space<hbm>>
    tpu.wait_dma2 semaphore(%arg27 : memref<!tpu.dma_semaphore, #tpu.memory_space<semaphore_mem>>) src(%dma_wait3A_36 : memref<256xi32, #tpu.memory_space<hbm>>) dst(%arg10 : memref<256xi32, #tpu.memory_space<vmem>>)
    %dma_wait3A_37 = tpu.memref_slice %arg4[%mul3A_4] : memref<1638400xi32, #tpu.memory_space<hbm>> -> memref<256xi32, #tpu.memory_space<hbm>>
    %dma_wait3A_38 = tpu.memref_slice %arg4[%mul3A_4] : memref<1638400xi32, #tpu.memory_space<hbm>> -> memref<256xi32, #tpu.memory_space<hbm>>
    tpu.wait_dma2 semaphore(%arg27 : memref<!tpu.dma_semaphore, #tpu.memory_space<semaphore_mem>>) src(%dma_wait3A_38 : memref<256xi32, #tpu.memory_space<hbm>>) dst(%arg14 : memref<256xi32, #tpu.memory_space<vmem>>)
    %dma_wait3A_39 = tpu.memref_slice %arg3[%mul3A_4] : memref<1638400xi32, #tpu.memory_space<hbm>> -> memref<256xi32, #tpu.memory_space<hbm>>
    %dma_wait3A_40 = tpu.memref_slice %arg3[%mul3A_4] : memref<1638400xi32, #tpu.memory_space<hbm>> -> memref<256xi32, #tpu.memory_space<hbm>>
    tpu.wait_dma2 semaphore(%arg28 : memref<!tpu.dma_semaphore, #tpu.memory_space<semaphore_mem>>) src(%dma_wait3A_40 : memref<256xi32, #tpu.memory_space<hbm>>) dst(%arg11 : memref<256xi32, #tpu.memory_space<vmem>>)
    %dma_wait3A_41 = tpu.memref_slice %arg4[%mul3A_4] : memref<1638400xi32, #tpu.memory_space<hbm>> -> memref<256xi32, #tpu.memory_space<hbm>>
    %dma_wait3A_42 = tpu.memref_slice %arg4[%mul3A_4] : memref<1638400xi32, #tpu.memory_space<hbm>> -> memref<256xi32, #tpu.memory_space<hbm>>
    tpu.wait_dma2 semaphore(%arg28 : memref<!tpu.dma_semaphore, #tpu.memory_space<semaphore_mem>>) src(%dma_wait3A_42 : memref<256xi32, #tpu.memory_space<hbm>>) dst(%arg15 : memref<256xi32, #tpu.memory_space<vmem>>)
    %barrier3A_43 = arith.constant 0 : index
    tpu.barrier barrier_id(%barrier3A_43)
    "tpu.region"() ({
      %run_scoped3A = tpu.sem_alloc : memref<!tpu.dma_semaphore, #tpu.memory_space<semaphore_mem>>
      %dma_start3A_44 = arith.constant 0 : i32
      %dma_start3A_45 = tpu.memref_slice %arg7[%arg0, %mul3A_0, %dma_start3A_44] : memref<2x102400x16xf32, #tpu.memory_space<hbm>> -> memref<1x6400x16xf32, #tpu.memory_space<hbm>>
      %dma_start3A_46 = tpu.memref_squeeze %dma_start3A_45 : memref<1x6400x16xf32, #tpu.memory_space<hbm>> -> memref<6400x16xf32, #tpu.memory_space<hbm>>
      %dma_start3A_47 = arith.constant 0 : i32
      %dma_start3A_48 = tpu.memref_slice %arg8[%mul3A_0, %dma_start3A_47] : memref<102400x16xf32, #tpu.memory_space<vmem_shared>> -> memref<6400x16xf32, #tpu.memory_space<vmem_shared>>
      tpu.enqueue_dma source(%dma_start3A_48 : memref<6400x16xf32, #tpu.memory_space<vmem_shared>>) target(%dma_start3A_46 : memref<6400x16xf32, #tpu.memory_space<hbm>>) target_semaphore(%run_scoped3A : memref<!tpu.dma_semaphore, #tpu.memory_space<semaphore_mem>>)
      %dma_wait3A_49 = arith.constant 0 : i32
      %dma_wait3A_50 = tpu.memref_slice %arg7[%arg0, %mul3A_0, %dma_wait3A_49] : memref<2x102400x16xf32, #tpu.memory_space<hbm>> -> memref<1x6400x16xf32, #tpu.memory_space<hbm>>
      %dma_wait3A_51 = tpu.memref_squeeze %dma_wait3A_50 : memref<1x6400x16xf32, #tpu.memory_space<hbm>> -> memref<6400x16xf32, #tpu.memory_space<hbm>>
      %dma_wait3A_52 = arith.constant 0 : i32
      %dma_wait3A_53 = tpu.memref_slice %arg8[%mul3A_0, %dma_wait3A_52] : memref<102400x16xf32, #tpu.memory_space<vmem_shared>> -> memref<6400x16xf32, #tpu.memory_space<vmem_shared>>
      tpu.wait_dma2 semaphore(%run_scoped3A : memref<!tpu.dma_semaphore, #tpu.memory_space<semaphore_mem>>) src(%dma_wait3A_53 : memref<6400x16xf32, #tpu.memory_space<vmem_shared>>) dst(%dma_wait3A_51 : memref<6400x16xf32, #tpu.memory_space<hbm>>)
      tpu.yield
    }) : () -> ()
    return
  }
}

#map = affine_map<(d0, d1) -> (0, 0)>
#map1 = affine_map<(d0, d1) -> (0)>
#map2 = affine_map<(d0, d1) -> (0, 0, 0)>
module attributes {stable_mosaic.version = 14 : i64} {
  func.func @body(%arg0: i32, %arg1: i32, %arg2: memref<819200x16xf32, #tpu.memory_space<hbm>>, %arg3: memref<1638400xi32, #tpu.memory_space<hbm>>, %arg4: memref<1638400xi32, #tpu.memory_space<hbm>>, %arg5: memref<6400x16xf32, #tpu.memory_space<hbm>>, %arg6: memref<6400xf32, #tpu.memory_space<hbm>>, %arg7: memref<2x102400x16xf32, #tpu.memory_space<hbm>>, %arg8: memref<2x1x102400xf32, #tpu.memory_space<hbm>>, %arg9: memref<102400x16xf32, #tpu.memory_space<vmem_shared>>, %arg10: memref<102400xf32, #tpu.memory_space<vmem_shared>>, %arg11: memref<256xi32, #tpu.memory_space<vmem>>, %arg12: memref<256xi32, #tpu.memory_space<vmem>>, %arg13: memref<256xi32, #tpu.memory_space<vmem>>, %arg14: memref<256xi32, #tpu.memory_space<vmem>>, %arg15: memref<256xi32, #tpu.memory_space<vmem>>, %arg16: memref<256xi32, #tpu.memory_space<vmem>>, %arg17: memref<256xi32, #tpu.memory_space<vmem>>, %arg18: memref<256xi32, #tpu.memory_space<vmem>>, %arg19: memref<256xi32, #tpu.memory_space<vmem>>, %arg20: memref<256xi32, #tpu.memory_space<vmem>>, %arg21: memref<256xi32, #tpu.memory_space<vmem>>, %arg22: memref<256xi32, #tpu.memory_space<vmem>>, %arg23: memref<256x16xf32, #tpu.memory_space<vmem>>, %arg24: memref<256x16xf32, #tpu.memory_space<vmem>>, %arg25: memref<256x16xf32, #tpu.memory_space<vmem>>, %arg26: memref<256x16xf32, #tpu.memory_space<vmem>>, %arg27: memref<256xf32, #tpu.memory_space<vmem>>, %arg28: memref<!tpu.dma_semaphore, #tpu.memory_space<semaphore_mem>>, %arg29: memref<!tpu.dma_semaphore, #tpu.memory_space<semaphore_mem>>, %arg30: memref<!tpu.dma_semaphore, #tpu.memory_space<semaphore_mem>>, %arg31: memref<!tpu.dma_semaphore, #tpu.memory_space<semaphore_mem>>, %arg32: memref<!tpu.dma_semaphore, #tpu.memory_space<semaphore_mem>>, %arg33: memref<!tpu.dma_semaphore, #tpu.memory_space<semaphore_mem>>, %arg34: memref<!tpu.dma_semaphore, #tpu.memory_space<semaphore_mem>>, %arg35: memref<!tpu.dma_semaphore, #tpu.memory_space<semaphore_mem>>, %arg36: memref<!tpu.dma_semaphore, #tpu.memory_space<semaphore_mem>>, %arg37: memref<!tpu.dma_semaphore, #tpu.memory_space<semaphore_mem>>, %arg38: memref<!tpu.dma_semaphore, #tpu.memory_space<semaphore_mem>>, %arg39: memref<!tpu.dma_semaphore, #tpu.memory_space<semaphore_mem>>, %arg40: memref<!tpu.dma_semaphore, #tpu.memory_space<semaphore_mem>>, %arg41: memref<!tpu.dma_semaphore, #tpu.memory_space<semaphore_mem>>, %arg42: memref<!tpu.dma_semaphore, #tpu.memory_space<semaphore_mem>>, %arg43: memref<!tpu.dma_semaphore, #tpu.memory_space<semaphore_mem>>) attributes {dimension_semantics = [#tpu.dimension_semantics<core_parallel>, #tpu.dimension_semantics<subcore_parallel>], iteration_bounds = array<i64: 2, 16>, scalar_prefetch = 0 : i64, scratch_operands = 35 : i64, tpu.core_type = #tpu.core_type<sc_vector_subcore>, window_params = [{transform_indices = #map}, {transform_indices = #map1}, {transform_indices = #map1}, {transform_indices = #map}, {transform_indices = #map1}, {transform_indices = #map2}, {transform_indices = #map2}]} {
    %mul3A = arith.constant 6400 : i32
    %mul3A_0 = arith.muli %arg1, %mul3A : i32
    "tpu.region"() ({
      %run_scoped3A_146 = tpu.sem_alloc : memref<!tpu.dma_semaphore, #tpu.memory_space<semaphore_mem>>
      %dma_start3A_147 = arith.constant 0 : i32
      %dma_start3A_148 = tpu.memref_slice %arg9[%mul3A_0, %dma_start3A_147] : memref<102400x16xf32, #tpu.memory_space<vmem_shared>> -> memref<6400x16xf32, #tpu.memory_space<vmem_shared>>
      tpu.enqueue_dma source(%arg5 : memref<6400x16xf32, #tpu.memory_space<hbm>>) target(%dma_start3A_148 : memref<6400x16xf32, #tpu.memory_space<vmem_shared>>) target_semaphore(%run_scoped3A_146 : memref<!tpu.dma_semaphore, #tpu.memory_space<semaphore_mem>>)
      %dma_wait3A_149 = arith.constant 0 : i32
      %dma_wait3A_150 = tpu.memref_slice %arg9[%mul3A_0, %dma_wait3A_149] : memref<102400x16xf32, #tpu.memory_space<vmem_shared>> -> memref<6400x16xf32, #tpu.memory_space<vmem_shared>>
      tpu.wait_dma2 semaphore(%run_scoped3A_146 : memref<!tpu.dma_semaphore, #tpu.memory_space<semaphore_mem>>) src(%arg5 : memref<6400x16xf32, #tpu.memory_space<hbm>>) dst(%dma_wait3A_150 : memref<6400x16xf32, #tpu.memory_space<vmem_shared>>)
      tpu.yield
    }) : () -> ()
    "tpu.region"() ({
      %run_scoped3A_146 = tpu.sem_alloc : memref<!tpu.dma_semaphore, #tpu.memory_space<semaphore_mem>>
      %dma_start3A_147 = tpu.memref_slice %arg10[%mul3A_0] : memref<102400xf32, #tpu.memory_space<vmem_shared>> -> memref<6400xf32, #tpu.memory_space<vmem_shared>>
      tpu.enqueue_dma source(%arg6 : memref<6400xf32, #tpu.memory_space<hbm>>) target(%dma_start3A_147 : memref<6400xf32, #tpu.memory_space<vmem_shared>>) target_semaphore(%run_scoped3A_146 : memref<!tpu.dma_semaphore, #tpu.memory_space<semaphore_mem>>)
      %dma_wait3A_148 = tpu.memref_slice %arg10[%mul3A_0] : memref<102400xf32, #tpu.memory_space<vmem_shared>> -> memref<6400xf32, #tpu.memory_space<vmem_shared>>
      tpu.wait_dma2 semaphore(%run_scoped3A_146 : memref<!tpu.dma_semaphore, #tpu.memory_space<semaphore_mem>>) src(%arg6 : memref<6400xf32, #tpu.memory_space<hbm>>) dst(%dma_wait3A_148 : memref<6400xf32, #tpu.memory_space<vmem_shared>>)
      tpu.yield
    }) : () -> ()
    %broadcast_in_dim3A = arith.constant 1.000000e+00 : f32
    %broadcast_in_dim3A_1 = vector.broadcast %broadcast_in_dim3A : f32 to vector<16xf32>
    %swap3A = arith.constant 0 : index
    %swap3A_2 = tpu.vector_load %arg27[%swap3A] {strides = array<i32>} : memref<256xf32, #tpu.memory_space<vmem>>, vector<16xf32>,
    %swap3A_3 = vector.shape_cast %swap3A_2 : vector<16xf32> to vector<16xf32>
    %swap3A_4 = vector.shape_cast %broadcast_in_dim3A_1 : vector<16xf32> to vector<16xf32>
    tpu.vector_store %arg27[%swap3A], %swap3A_4 {strides = array<i32>} : memref<256xf32, #tpu.memory_space<vmem>>, vector<16xf32>,
    %broadcast_in_dim3A_5 = arith.constant 1.000000e+00 : f32
    %broadcast_in_dim3A_6 = vector.broadcast %broadcast_in_dim3A_5 : f32 to vector<16xf32>
    %swap3A_7 = arith.constant 16 : index
    %swap3A_8 = tpu.vector_load %arg27[%swap3A_7] {strides = array<i32>} : memref<256xf32, #tpu.memory_space<vmem>>, vector<16xf32>,
    %swap3A_9 = vector.shape_cast %swap3A_8 : vector<16xf32> to vector<16xf32>
    %swap3A_10 = vector.shape_cast %broadcast_in_dim3A_6 : vector<16xf32> to vector<16xf32>
    tpu.vector_store %arg27[%swap3A_7], %swap3A_10 {strides = array<i32>} : memref<256xf32, #tpu.memory_space<vmem>>, vector<16xf32>,
    %broadcast_in_dim3A_11 = arith.constant 1.000000e+00 : f32
    %broadcast_in_dim3A_12 = vector.broadcast %broadcast_in_dim3A_11 : f32 to vector<16xf32>
    %swap3A_13 = arith.constant 32 : index
    %swap3A_14 = tpu.vector_load %arg27[%swap3A_13] {strides = array<i32>} : memref<256xf32, #tpu.memory_space<vmem>>, vector<16xf32>,
    %swap3A_15 = vector.shape_cast %swap3A_14 : vector<16xf32> to vector<16xf32>
    %swap3A_16 = vector.shape_cast %broadcast_in_dim3A_12 : vector<16xf32> to vector<16xf32>
    tpu.vector_store %arg27[%swap3A_13], %swap3A_16 {strides = array<i32>} : memref<256xf32, #tpu.memory_space<vmem>>, vector<16xf32>,
    %broadcast_in_dim3A_17 = arith.constant 1.000000e+00 : f32
    %broadcast_in_dim3A_18 = vector.broadcast %broadcast_in_dim3A_17 : f32 to vector<16xf32>
    %swap3A_19 = arith.constant 48 : index
    %swap3A_20 = tpu.vector_load %arg27[%swap3A_19] {strides = array<i32>} : memref<256xf32, #tpu.memory_space<vmem>>, vector<16xf32>,
    %swap3A_21 = vector.shape_cast %swap3A_20 : vector<16xf32> to vector<16xf32>
    %swap3A_22 = vector.shape_cast %broadcast_in_dim3A_18 : vector<16xf32> to vector<16xf32>
    tpu.vector_store %arg27[%swap3A_19], %swap3A_22 {strides = array<i32>} : memref<256xf32, #tpu.memory_space<vmem>>, vector<16xf32>,
    %broadcast_in_dim3A_23 = arith.constant 1.000000e+00 : f32
    %broadcast_in_dim3A_24 = vector.broadcast %broadcast_in_dim3A_23 : f32 to vector<16xf32>
    %swap3A_25 = arith.constant 64 : index
    %swap3A_26 = tpu.vector_load %arg27[%swap3A_25] {strides = array<i32>} : memref<256xf32, #tpu.memory_space<vmem>>, vector<16xf32>,
    %swap3A_27 = vector.shape_cast %swap3A_26 : vector<16xf32> to vector<16xf32>
    %swap3A_28 = vector.shape_cast %broadcast_in_dim3A_24 : vector<16xf32> to vector<16xf32>
    tpu.vector_store %arg27[%swap3A_25], %swap3A_28 {strides = array<i32>} : memref<256xf32, #tpu.memory_space<vmem>>, vector<16xf32>,
    %broadcast_in_dim3A_29 = arith.constant 1.000000e+00 : f32
    %broadcast_in_dim3A_30 = vector.broadcast %broadcast_in_dim3A_29 : f32 to vector<16xf32>
    %swap3A_31 = arith.constant 80 : index
    %swap3A_32 = tpu.vector_load %arg27[%swap3A_31] {strides = array<i32>} : memref<256xf32, #tpu.memory_space<vmem>>, vector<16xf32>,
    %swap3A_33 = vector.shape_cast %swap3A_32 : vector<16xf32> to vector<16xf32>
    %swap3A_34 = vector.shape_cast %broadcast_in_dim3A_30 : vector<16xf32> to vector<16xf32>
    tpu.vector_store %arg27[%swap3A_31], %swap3A_34 {strides = array<i32>} : memref<256xf32, #tpu.memory_space<vmem>>, vector<16xf32>,
    %broadcast_in_dim3A_35 = arith.constant 1.000000e+00 : f32
    %broadcast_in_dim3A_36 = vector.broadcast %broadcast_in_dim3A_35 : f32 to vector<16xf32>
    %swap3A_37 = arith.constant 96 : index
    %swap3A_38 = tpu.vector_load %arg27[%swap3A_37] {strides = array<i32>} : memref<256xf32, #tpu.memory_space<vmem>>, vector<16xf32>,
    %swap3A_39 = vector.shape_cast %swap3A_38 : vector<16xf32> to vector<16xf32>
    %swap3A_40 = vector.shape_cast %broadcast_in_dim3A_36 : vector<16xf32> to vector<16xf32>
    tpu.vector_store %arg27[%swap3A_37], %swap3A_40 {strides = array<i32>} : memref<256xf32, #tpu.memory_space<vmem>>, vector<16xf32>,
    %broadcast_in_dim3A_41 = arith.constant 1.000000e+00 : f32
    %broadcast_in_dim3A_42 = vector.broadcast %broadcast_in_dim3A_41 : f32 to vector<16xf32>
    %swap3A_43 = arith.constant 112 : index
    %swap3A_44 = tpu.vector_load %arg27[%swap3A_43] {strides = array<i32>} : memref<256xf32, #tpu.memory_space<vmem>>, vector<16xf32>,
    %swap3A_45 = vector.shape_cast %swap3A_44 : vector<16xf32> to vector<16xf32>
    %swap3A_46 = vector.shape_cast %broadcast_in_dim3A_42 : vector<16xf32> to vector<16xf32>
    tpu.vector_store %arg27[%swap3A_43], %swap3A_46 {strides = array<i32>} : memref<256xf32, #tpu.memory_space<vmem>>, vector<16xf32>,
    %broadcast_in_dim3A_47 = arith.constant 1.000000e+00 : f32
    %broadcast_in_dim3A_48 = vector.broadcast %broadcast_in_dim3A_47 : f32 to vector<16xf32>
    %swap3A_49 = arith.constant 128 : index
    %swap3A_50 = tpu.vector_load %arg27[%swap3A_49] {strides = array<i32>} : memref<256xf32, #tpu.memory_space<vmem>>, vector<16xf32>,
    %swap3A_51 = vector.shape_cast %swap3A_50 : vector<16xf32> to vector<16xf32>
    %swap3A_52 = vector.shape_cast %broadcast_in_dim3A_48 : vector<16xf32> to vector<16xf32>
    tpu.vector_store %arg27[%swap3A_49], %swap3A_52 {strides = array<i32>} : memref<256xf32, #tpu.memory_space<vmem>>, vector<16xf32>,
    %broadcast_in_dim3A_53 = arith.constant 1.000000e+00 : f32
    %broadcast_in_dim3A_54 = vector.broadcast %broadcast_in_dim3A_53 : f32 to vector<16xf32>
    %swap3A_55 = arith.constant 144 : index
    %swap3A_56 = tpu.vector_load %arg27[%swap3A_55] {strides = array<i32>} : memref<256xf32, #tpu.memory_space<vmem>>, vector<16xf32>,
    %swap3A_57 = vector.shape_cast %swap3A_56 : vector<16xf32> to vector<16xf32>
    %swap3A_58 = vector.shape_cast %broadcast_in_dim3A_54 : vector<16xf32> to vector<16xf32>
    tpu.vector_store %arg27[%swap3A_55], %swap3A_58 {strides = array<i32>} : memref<256xf32, #tpu.memory_space<vmem>>, vector<16xf32>,
    %broadcast_in_dim3A_59 = arith.constant 1.000000e+00 : f32
    %broadcast_in_dim3A_60 = vector.broadcast %broadcast_in_dim3A_59 : f32 to vector<16xf32>
    %swap3A_61 = arith.constant 160 : index
    %swap3A_62 = tpu.vector_load %arg27[%swap3A_61] {strides = array<i32>} : memref<256xf32, #tpu.memory_space<vmem>>, vector<16xf32>,
    %swap3A_63 = vector.shape_cast %swap3A_62 : vector<16xf32> to vector<16xf32>
    %swap3A_64 = vector.shape_cast %broadcast_in_dim3A_60 : vector<16xf32> to vector<16xf32>
    tpu.vector_store %arg27[%swap3A_61], %swap3A_64 {strides = array<i32>} : memref<256xf32, #tpu.memory_space<vmem>>, vector<16xf32>,
    %broadcast_in_dim3A_65 = arith.constant 1.000000e+00 : f32
    %broadcast_in_dim3A_66 = vector.broadcast %broadcast_in_dim3A_65 : f32 to vector<16xf32>
    %swap3A_67 = arith.constant 176 : index
    %swap3A_68 = tpu.vector_load %arg27[%swap3A_67] {strides = array<i32>} : memref<256xf32, #tpu.memory_space<vmem>>, vector<16xf32>,
    %swap3A_69 = vector.shape_cast %swap3A_68 : vector<16xf32> to vector<16xf32>
    %swap3A_70 = vector.shape_cast %broadcast_in_dim3A_66 : vector<16xf32> to vector<16xf32>
    tpu.vector_store %arg27[%swap3A_67], %swap3A_70 {strides = array<i32>} : memref<256xf32, #tpu.memory_space<vmem>>, vector<16xf32>,
    %broadcast_in_dim3A_71 = arith.constant 1.000000e+00 : f32
    %broadcast_in_dim3A_72 = vector.broadcast %broadcast_in_dim3A_71 : f32 to vector<16xf32>
    %swap3A_73 = arith.constant 192 : index
    %swap3A_74 = tpu.vector_load %arg27[%swap3A_73] {strides = array<i32>} : memref<256xf32, #tpu.memory_space<vmem>>, vector<16xf32>,
    %swap3A_75 = vector.shape_cast %swap3A_74 : vector<16xf32> to vector<16xf32>
    %swap3A_76 = vector.shape_cast %broadcast_in_dim3A_72 : vector<16xf32> to vector<16xf32>
    tpu.vector_store %arg27[%swap3A_73], %swap3A_76 {strides = array<i32>} : memref<256xf32, #tpu.memory_space<vmem>>, vector<16xf32>,
    %broadcast_in_dim3A_77 = arith.constant 1.000000e+00 : f32
    %broadcast_in_dim3A_78 = vector.broadcast %broadcast_in_dim3A_77 : f32 to vector<16xf32>
    %swap3A_79 = arith.constant 208 : index
    %swap3A_80 = tpu.vector_load %arg27[%swap3A_79] {strides = array<i32>} : memref<256xf32, #tpu.memory_space<vmem>>, vector<16xf32>,
    %swap3A_81 = vector.shape_cast %swap3A_80 : vector<16xf32> to vector<16xf32>
    %swap3A_82 = vector.shape_cast %broadcast_in_dim3A_78 : vector<16xf32> to vector<16xf32>
    tpu.vector_store %arg27[%swap3A_79], %swap3A_82 {strides = array<i32>} : memref<256xf32, #tpu.memory_space<vmem>>, vector<16xf32>,
    %broadcast_in_dim3A_83 = arith.constant 1.000000e+00 : f32
    %broadcast_in_dim3A_84 = vector.broadcast %broadcast_in_dim3A_83 : f32 to vector<16xf32>
    %swap3A_85 = arith.constant 224 : index
    %swap3A_86 = tpu.vector_load %arg27[%swap3A_85] {strides = array<i32>} : memref<256xf32, #tpu.memory_space<vmem>>, vector<16xf32>,
    %swap3A_87 = vector.shape_cast %swap3A_86 : vector<16xf32> to vector<16xf32>
    %swap3A_88 = vector.shape_cast %broadcast_in_dim3A_84 : vector<16xf32> to vector<16xf32>
    tpu.vector_store %arg27[%swap3A_85], %swap3A_88 {strides = array<i32>} : memref<256xf32, #tpu.memory_space<vmem>>, vector<16xf32>,
    %broadcast_in_dim3A_89 = arith.constant 1.000000e+00 : f32
    %broadcast_in_dim3A_90 = vector.broadcast %broadcast_in_dim3A_89 : f32 to vector<16xf32>
    %swap3A_91 = arith.constant 240 : index
    %swap3A_92 = tpu.vector_load %arg27[%swap3A_91] {strides = array<i32>} : memref<256xf32, #tpu.memory_space<vmem>>, vector<16xf32>,
    %swap3A_93 = vector.shape_cast %swap3A_92 : vector<16xf32> to vector<16xf32>
    %swap3A_94 = vector.shape_cast %broadcast_in_dim3A_90 : vector<16xf32> to vector<16xf32>
    tpu.vector_store %arg27[%swap3A_91], %swap3A_94 {strides = array<i32>} : memref<256xf32, #tpu.memory_space<vmem>>, vector<16xf32>,
    %barrier3A = arith.constant 0 : index
    tpu.barrier barrier_id(%barrier3A)
    %mul3A_95 = arith.constant 16 : i32
    %mul3A_96 = arith.muli %arg0, %mul3A_95 : i32
    %add3A = arith.addi %mul3A_96, %arg1 : i32
    %mul3A_97 = arith.constant 51200 : i32
    %mul3A_98 = arith.muli %add3A, %mul3A_97 : i32
    %add3A_99 = arith.constant 0 : i32
    %add3A_100 = arith.addi %mul3A_98, %add3A_99 : i32
    %dma_start3A = tpu.memref_slice %arg3[%add3A_100] : memref<1638400xi32, #tpu.memory_space<hbm>> -> memref<256xi32, #tpu.memory_space<hbm>>
    %dma_start3A_101 = tpu.memref_slice %arg3[%add3A_100] : memref<1638400xi32, #tpu.memory_space<hbm>> -> memref<256xi32, #tpu.memory_space<hbm>>
    tpu.enqueue_dma source(%dma_start3A_101 : memref<256xi32, #tpu.memory_space<hbm>>) target(%arg11 : memref<256xi32, #tpu.memory_space<vmem>>) target_semaphore(%arg28 : memref<!tpu.dma_semaphore, #tpu.memory_space<semaphore_mem>>)
    %dma_start3A_102 = tpu.memref_slice %arg4[%add3A_100] : memref<1638400xi32, #tpu.memory_space<hbm>> -> memref<256xi32, #tpu.memory_space<hbm>>
    %dma_start3A_103 = tpu.memref_slice %arg4[%add3A_100] : memref<1638400xi32, #tpu.memory_space<hbm>> -> memref<256xi32, #tpu.memory_space<hbm>>
    tpu.enqueue_dma source(%dma_start3A_103 : memref<256xi32, #tpu.memory_space<hbm>>) target(%arg15 : memref<256xi32, #tpu.memory_space<vmem>>) target_semaphore(%arg28 : memref<!tpu.dma_semaphore, #tpu.memory_space<semaphore_mem>>)
    %add3A_104 = arith.constant 256 : i32
    %add3A_105 = arith.addi %mul3A_98, %add3A_104 : i32
    %dma_start3A_106 = tpu.memref_slice %arg3[%add3A_105] : memref<1638400xi32, #tpu.memory_space<hbm>> -> memref<256xi32, #tpu.memory_space<hbm>>
    %dma_start3A_107 = tpu.memref_slice %arg3[%add3A_105] : memref<1638400xi32, #tpu.memory_space<hbm>> -> memref<256xi32, #tpu.memory_space<hbm>>
    tpu.enqueue_dma source(%dma_start3A_107 : memref<256xi32, #tpu.memory_space<hbm>>) target(%arg12 : memref<256xi32, #tpu.memory_space<vmem>>) target_semaphore(%arg29 : memref<!tpu.dma_semaphore, #tpu.memory_space<semaphore_mem>>)
    %dma_start3A_108 = tpu.memref_slice %arg4[%add3A_105] : memref<1638400xi32, #tpu.memory_space<hbm>> -> memref<256xi32, #tpu.memory_space<hbm>>
    %dma_start3A_109 = tpu.memref_slice %arg4[%add3A_105] : memref<1638400xi32, #tpu.memory_space<hbm>> -> memref<256xi32, #tpu.memory_space<hbm>>
    tpu.enqueue_dma source(%dma_start3A_109 : memref<256xi32, #tpu.memory_space<hbm>>) target(%arg16 : memref<256xi32, #tpu.memory_space<vmem>>) target_semaphore(%arg29 : memref<!tpu.dma_semaphore, #tpu.memory_space<semaphore_mem>>)
    %scan3A = arith.constant 0 : i32
    %scan3A_110 = arith.constant 0 : i32
    %scan3A_111 = arith.constant 25 : i32
    %scan3A_112 = arith.addi %scan3A_110, %scan3A_111 : i32
    %scan3A_113 = arith.constant 1 : i32
    scf.for %scan3A_146 = %scan3A_110 to %scan3A_112 step %scan3A_113  : i32 {
      %mul3A_147 = arith.constant 8 : i32
      %mul3A_148 = arith.muli %mul3A_147, %scan3A_146 : i32
      %add3A_149 = arith.constant 0 : i32
      %add3A_150 = arith.addi %mul3A_148, %add3A_149 : i32
      %gt3A = arith.constant 0 : i32
      %gt3A_151 = arith.cmpi sgt, %scan3A_146, %gt3A : i32
      %convert_element_type3A = arith.extui %gt3A_151 : i1 to i32
      %cond3A = arith.constant 0 : i32
      %cond3A_152 = arith.cmpi ne, %convert_element_type3A, %cond3A : i32
      scf.if %cond3A_152 {
        %dma_wait3A_420 = arith.constant 0 : i32
        %dma_wait3A_421 = arith.constant 0 : i32
        %dma_wait3A_422 = tpu.memref_slice %arg9[%dma_wait3A_420, %dma_wait3A_421] : memref<102400x16xf32, #tpu.memory_space<vmem_shared>> -> memref<102400x16xf32, #tpu.memory_space<vmem_shared>>
        tpu.wait_indirect_dma semaphore(%arg37 : memref<!tpu.dma_semaphore, #tpu.memory_space<semaphore_mem>>) src(%arg24 : memref<256x16xf32, #tpu.memory_space<vmem>>) dst(%dma_wait3A_422 : memref<102400x16xf32, #tpu.memory_space<vmem_shared>>)
        %dma_wait3A_423 = arith.constant 0 : i32
        %dma_wait3A_424 = tpu.memref_slice %arg10[%dma_wait3A_423] : memref<102400xf32, #tpu.memory_space<vmem_shared>> -> memref<102400xf32, #tpu.memory_space<vmem_shared>>
        tpu.wait_indirect_dma semaphore(%arg41 : memref<!tpu.dma_semaphore, #tpu.memory_space<semaphore_mem>>) src(%arg27 : memref<256xf32, #tpu.memory_space<vmem>>) dst(%dma_wait3A_424 : memref<102400xf32, #tpu.memory_space<vmem_shared>>)
      } else {
      }
      %dma_wait3A_153 = tpu.memref_slice %arg3[%mul3A_98] : memref<1638400xi32, #tpu.memory_space<hbm>> -> memref<256xi32, #tpu.memory_space<hbm>>
      %dma_wait3A_154 = tpu.memref_slice %arg3[%mul3A_98] : memref<1638400xi32, #tpu.memory_space<hbm>> -> memref<256xi32, #tpu.memory_space<hbm>>
      tpu.wait_dma2 semaphore(%arg28 : memref<!tpu.dma_semaphore, #tpu.memory_space<semaphore_mem>>) src(%dma_wait3A_154 : memref<256xi32, #tpu.memory_space<hbm>>) dst(%arg11 : memref<256xi32, #tpu.memory_space<vmem>>)
      %dma_wait3A_155 = tpu.memref_slice %arg4[%mul3A_98] : memref<1638400xi32, #tpu.memory_space<hbm>> -> memref<256xi32, #tpu.memory_space<hbm>>
      %dma_wait3A_156 = tpu.memref_slice %arg4[%mul3A_98] : memref<1638400xi32, #tpu.memory_space<hbm>> -> memref<256xi32, #tpu.memory_space<hbm>>
      tpu.wait_dma2 semaphore(%arg28 : memref<!tpu.dma_semaphore, #tpu.memory_space<semaphore_mem>>) src(%dma_wait3A_156 : memref<256xi32, #tpu.memory_space<hbm>>) dst(%arg15 : memref<256xi32, #tpu.memory_space<vmem>>)
      %dma_start3A_157 = arith.constant 0 : i32
      %dma_start3A_158 = arith.constant 0 : i32
      %dma_start3A_159 = tpu.memref_slice %arg2[%dma_start3A_157, %dma_start3A_158] : memref<819200x16xf32, #tpu.memory_space<hbm>> -> memref<819200x16xf32, #tpu.memory_space<hbm>>
      tpu.enqueue_indirect_dma source(%dma_start3A_159 : memref<819200x16xf32, #tpu.memory_space<hbm>>) target(%arg23 : memref<256x16xf32, #tpu.memory_space<vmem>>) offsets(%arg11 : memref<256xi32, #tpu.memory_space<vmem>>) semaphore(%arg32 : memref<!tpu.dma_semaphore, #tpu.memory_space<semaphore_mem>>)
      %gt3A_160 = arith.constant 0 : i32
      %gt3A_161 = arith.cmpi sgt, %scan3A_146, %gt3A_160 : i32
      %convert_element_type3A_162 = arith.extui %gt3A_161 : i1 to i32
      %cond3A_163 = arith.constant 0 : i32
      %cond3A_164 = arith.cmpi ne, %convert_element_type3A_162, %cond3A_163 : i32
      scf.if %cond3A_164 {
        %dma_wait3A_420 = arith.constant 0 : i32
        %dma_wait3A_421 = arith.constant 0 : i32
        %dma_wait3A_422 = tpu.memref_slice %arg2[%dma_wait3A_420, %dma_wait3A_421] : memref<819200x16xf32, #tpu.memory_space<hbm>> -> memref<819200x16xf32, #tpu.memory_space<hbm>>
        tpu.wait_indirect_dma semaphore(%arg35 : memref<!tpu.dma_semaphore, #tpu.memory_space<semaphore_mem>>) src(%dma_wait3A_422 : memref<819200x16xf32, #tpu.memory_space<hbm>>) dst(%arg26 : memref<256x16xf32, #tpu.memory_space<vmem>>)
        %dma_start3A_423 = arith.constant 0 : i32
        %dma_start3A_424 = arith.constant 0 : i32
        %dma_start3A_425 = tpu.memref_slice %arg9[%dma_start3A_423, %dma_start3A_424] : memref<102400x16xf32, #tpu.memory_space<vmem_shared>> -> memref<102400x16xf32, #tpu.memory_space<vmem_shared>>
        tpu.enqueue_indirect_dma source(%arg26 : memref<256x16xf32, #tpu.memory_space<vmem>>) target(%dma_start3A_425 : memref<102400x16xf32, #tpu.memory_space<vmem_shared>>) offsets(%arg22 : memref<256xi32, #tpu.memory_space<vmem>>) semaphore(%arg39 : memref<!tpu.dma_semaphore, #tpu.memory_space<semaphore_mem>>) {add = true}
        %dma_start3A_426 = arith.constant 0 : i32
        %dma_start3A_427 = tpu.memref_slice %arg10[%dma_start3A_426] : memref<102400xf32, #tpu.memory_space<vmem_shared>> -> memref<102400xf32, #tpu.memory_space<vmem_shared>>
        tpu.enqueue_indirect_dma source(%arg27 : memref<256xf32, #tpu.memory_space<vmem>>) target(%dma_start3A_427 : memref<102400xf32, #tpu.memory_space<vmem_shared>>) offsets(%arg22 : memref<256xi32, #tpu.memory_space<vmem>>) semaphore(%arg43 : memref<!tpu.dma_semaphore, #tpu.memory_space<semaphore_mem>>) {add = true}
      } else {
      }
      %add3A_165 = arith.constant 2 : i32
      %add3A_166 = arith.addi %add3A_150, %add3A_165 : i32
      %min3A = arith.constant 199 : i32
      %min3A_167 = arith.minsi %add3A_166, %min3A : i32
      %mul3A_168 = arith.constant 256 : i32
      %mul3A_169 = arith.muli %min3A_167, %mul3A_168 : i32
      %add3A_170 = arith.addi %mul3A_98, %mul3A_169 : i32
      %dma_start3A_171 = tpu.memref_slice %arg3[%add3A_170] : memref<1638400xi32, #tpu.memory_space<hbm>> -> memref<256xi32, #tpu.memory_space<hbm>>
      %dma_start3A_172 = tpu.memref_slice %arg3[%add3A_170] : memref<1638400xi32, #tpu.memory_space<hbm>> -> memref<256xi32, #tpu.memory_space<hbm>>
      tpu.enqueue_dma source(%dma_start3A_172 : memref<256xi32, #tpu.memory_space<hbm>>) target(%arg13 : memref<256xi32, #tpu.memory_space<vmem>>) target_semaphore(%arg30 : memref<!tpu.dma_semaphore, #tpu.memory_space<semaphore_mem>>)
      %dma_start3A_173 = tpu.memref_slice %arg4[%add3A_170] : memref<1638400xi32, #tpu.memory_space<hbm>> -> memref<256xi32, #tpu.memory_space<hbm>>
      %dma_start3A_174 = tpu.memref_slice %arg4[%add3A_170] : memref<1638400xi32, #tpu.memory_space<hbm>> -> memref<256xi32, #tpu.memory_space<hbm>>
      tpu.enqueue_dma source(%dma_start3A_174 : memref<256xi32, #tpu.memory_space<hbm>>) target(%arg17 : memref<256xi32, #tpu.memory_space<vmem>>) target_semaphore(%arg30 : memref<!tpu.dma_semaphore, #tpu.memory_space<semaphore_mem>>)
      %mul3A_175 = arith.constant 8 : i32
      %mul3A_176 = arith.muli %mul3A_175, %scan3A_146 : i32
      %add3A_177 = arith.constant 1 : i32
      %add3A_178 = arith.addi %mul3A_176, %add3A_177 : i32
      %gt3A_179 = arith.constant 0 : i32
      %gt3A_180 = arith.cmpi sgt, %scan3A_146, %gt3A_179 : i32
      %convert_element_type3A_181 = arith.extui %gt3A_180 : i1 to i32
      %cond3A_182 = arith.constant 0 : i32
      %cond3A_183 = arith.cmpi ne, %convert_element_type3A_181, %cond3A_182 : i32
      scf.if %cond3A_183 {
        %dma_wait3A_420 = arith.constant 0 : i32
        %dma_wait3A_421 = arith.constant 0 : i32
        %dma_wait3A_422 = tpu.memref_slice %arg9[%dma_wait3A_420, %dma_wait3A_421] : memref<102400x16xf32, #tpu.memory_space<vmem_shared>> -> memref<102400x16xf32, #tpu.memory_space<vmem_shared>>
        tpu.wait_indirect_dma semaphore(%arg38 : memref<!tpu.dma_semaphore, #tpu.memory_space<semaphore_mem>>) src(%arg25 : memref<256x16xf32, #tpu.memory_space<vmem>>) dst(%dma_wait3A_422 : memref<102400x16xf32, #tpu.memory_space<vmem_shared>>)
        %dma_wait3A_423 = arith.constant 0 : i32
        %dma_wait3A_424 = tpu.memref_slice %arg10[%dma_wait3A_423] : memref<102400xf32, #tpu.memory_space<vmem_shared>> -> memref<102400xf32, #tpu.memory_space<vmem_shared>>
        tpu.wait_indirect_dma semaphore(%arg42 : memref<!tpu.dma_semaphore, #tpu.memory_space<semaphore_mem>>) src(%arg27 : memref<256xf32, #tpu.memory_space<vmem>>) dst(%dma_wait3A_424 : memref<102400xf32, #tpu.memory_space<vmem_shared>>)
      } else {
      }
      %dma_wait3A_184 = tpu.memref_slice %arg3[%mul3A_98] : memref<1638400xi32, #tpu.memory_space<hbm>> -> memref<256xi32, #tpu.memory_space<hbm>>
      %dma_wait3A_185 = tpu.memref_slice %arg3[%mul3A_98] : memref<1638400xi32, #tpu.memory_space<hbm>> -> memref<256xi32, #tpu.memory_space<hbm>>
      tpu.wait_dma2 semaphore(%arg29 : memref<!tpu.dma_semaphore, #tpu.memory_space<semaphore_mem>>) src(%dma_wait3A_185 : memref<256xi32, #tpu.memory_space<hbm>>) dst(%arg12 : memref<256xi32, #tpu.memory_space<vmem>>)
      %dma_wait3A_186 = tpu.memref_slice %arg4[%mul3A_98] : memref<1638400xi32, #tpu.memory_space<hbm>> -> memref<256xi32, #tpu.memory_space<hbm>>
      %dma_wait3A_187 = tpu.memref_slice %arg4[%mul3A_98] : memref<1638400xi32, #tpu.memory_space<hbm>> -> memref<256xi32, #tpu.memory_space<hbm>>
      tpu.wait_dma2 semaphore(%arg29 : memref<!tpu.dma_semaphore, #tpu.memory_space<semaphore_mem>>) src(%dma_wait3A_187 : memref<256xi32, #tpu.memory_space<hbm>>) dst(%arg16 : memref<256xi32, #tpu.memory_space<vmem>>)
      %dma_start3A_188 = arith.constant 0 : i32
      %dma_start3A_189 = arith.constant 0 : i32
      %dma_start3A_190 = tpu.memref_slice %arg2[%dma_start3A_188, %dma_start3A_189] : memref<819200x16xf32, #tpu.memory_space<hbm>> -> memref<819200x16xf32, #tpu.memory_space<hbm>>
      tpu.enqueue_indirect_dma source(%dma_start3A_190 : memref<819200x16xf32, #tpu.memory_space<hbm>>) target(%arg24 : memref<256x16xf32, #tpu.memory_space<vmem>>) offsets(%arg12 : memref<256xi32, #tpu.memory_space<vmem>>) semaphore(%arg33 : memref<!tpu.dma_semaphore, #tpu.memory_space<semaphore_mem>>)
      %dma_wait3A_191 = arith.constant 0 : i32
      %dma_wait3A_192 = arith.constant 0 : i32
      %dma_wait3A_193 = tpu.memref_slice %arg2[%dma_wait3A_191, %dma_wait3A_192] : memref<819200x16xf32, #tpu.memory_space<hbm>> -> memref<819200x16xf32, #tpu.memory_space<hbm>>
      tpu.wait_indirect_dma semaphore(%arg32 : memref<!tpu.dma_semaphore, #tpu.memory_space<semaphore_mem>>) src(%dma_wait3A_193 : memref<819200x16xf32, #tpu.memory_space<hbm>>) dst(%arg23 : memref<256x16xf32, #tpu.memory_space<vmem>>)
      %dma_start3A_194 = arith.constant 0 : i32
      %dma_start3A_195 = arith.constant 0 : i32
      %dma_start3A_196 = tpu.memref_slice %arg9[%dma_start3A_194, %dma_start3A_195] : memref<102400x16xf32, #tpu.memory_space<vmem_shared>> -> memref<102400x16xf32, #tpu.memory_space<vmem_shared>>
      tpu.enqueue_indirect_dma source(%arg23 : memref<256x16xf32, #tpu.memory_space<vmem>>) target(%dma_start3A_196 : memref<102400x16xf32, #tpu.memory_space<vmem_shared>>) offsets(%arg15 : memref<256xi32, #tpu.memory_space<vmem>>) semaphore(%arg36 : memref<!tpu.dma_semaphore, #tpu.memory_space<semaphore_mem>>) {add = true}
      %dma_start3A_197 = arith.constant 0 : i32
      %dma_start3A_198 = tpu.memref_slice %arg10[%dma_start3A_197] : memref<102400xf32, #tpu.memory_space<vmem_shared>> -> memref<102400xf32, #tpu.memory_space<vmem_shared>>
      tpu.enqueue_indirect_dma source(%arg27 : memref<256xf32, #tpu.memory_space<vmem>>) target(%dma_start3A_198 : memref<102400xf32, #tpu.memory_space<vmem_shared>>) offsets(%arg15 : memref<256xi32, #tpu.memory_space<vmem>>) semaphore(%arg40 : memref<!tpu.dma_semaphore, #tpu.memory_space<semaphore_mem>>) {add = true}
      %add3A_199 = arith.constant 2 : i32
      %add3A_200 = arith.addi %add3A_178, %add3A_199 : i32
      %min3A_201 = arith.constant 199 : i32
      %min3A_202 = arith.minsi %add3A_200, %min3A_201 : i32
      %mul3A_203 = arith.constant 256 : i32
      %mul3A_204 = arith.muli %min3A_202, %mul3A_203 : i32
      %add3A_205 = arith.addi %mul3A_98, %mul3A_204 : i32
      %dma_start3A_206 = tpu.memref_slice %arg3[%add3A_205] : memref<1638400xi32, #tpu.memory_space<hbm>> -> memref<256xi32, #tpu.memory_space<hbm>>
      %dma_start3A_207 = tpu.memref_slice %arg3[%add3A_205] : memref<1638400xi32, #tpu.memory_space<hbm>> -> memref<256xi32, #tpu.memory_space<hbm>>
      tpu.enqueue_dma source(%dma_start3A_207 : memref<256xi32, #tpu.memory_space<hbm>>) target(%arg14 : memref<256xi32, #tpu.memory_space<vmem>>) target_semaphore(%arg31 : memref<!tpu.dma_semaphore, #tpu.memory_space<semaphore_mem>>)
      %dma_start3A_208 = tpu.memref_slice %arg4[%add3A_205] : memref<1638400xi32, #tpu.memory_space<hbm>> -> memref<256xi32, #tpu.memory_space<hbm>>
      %dma_start3A_209 = tpu.memref_slice %arg4[%add3A_205] : memref<1638400xi32, #tpu.memory_space<hbm>> -> memref<256xi32, #tpu.memory_space<hbm>>
      tpu.enqueue_dma source(%dma_start3A_209 : memref<256xi32, #tpu.memory_space<hbm>>) target(%arg18 : memref<256xi32, #tpu.memory_space<vmem>>) target_semaphore(%arg31 : memref<!tpu.dma_semaphore, #tpu.memory_space<semaphore_mem>>)
      %mul3A_210 = arith.constant 8 : i32
      %mul3A_211 = arith.muli %mul3A_210, %scan3A_146 : i32
      %add3A_212 = arith.constant 2 : i32
      %add3A_213 = arith.addi %mul3A_211, %add3A_212 : i32
      %gt3A_214 = arith.constant 0 : i32
      %gt3A_215 = arith.cmpi sgt, %scan3A_146, %gt3A_214 : i32
      %convert_element_type3A_216 = arith.extui %gt3A_215 : i1 to i32
      %cond3A_217 = arith.constant 0 : i32
      %cond3A_218 = arith.cmpi ne, %convert_element_type3A_216, %cond3A_217 : i32
      scf.if %cond3A_218 {
        %dma_wait3A_420 = arith.constant 0 : i32
        %dma_wait3A_421 = arith.constant 0 : i32
        %dma_wait3A_422 = tpu.memref_slice %arg9[%dma_wait3A_420, %dma_wait3A_421] : memref<102400x16xf32, #tpu.memory_space<vmem_shared>> -> memref<102400x16xf32, #tpu.memory_space<vmem_shared>>
        tpu.wait_indirect_dma semaphore(%arg39 : memref<!tpu.dma_semaphore, #tpu.memory_space<semaphore_mem>>) src(%arg26 : memref<256x16xf32, #tpu.memory_space<vmem>>) dst(%dma_wait3A_422 : memref<102400x16xf32, #tpu.memory_space<vmem_shared>>)
        %dma_wait3A_423 = arith.constant 0 : i32
        %dma_wait3A_424 = tpu.memref_slice %arg10[%dma_wait3A_423] : memref<102400xf32, #tpu.memory_space<vmem_shared>> -> memref<102400xf32, #tpu.memory_space<vmem_shared>>
        tpu.wait_indirect_dma semaphore(%arg43 : memref<!tpu.dma_semaphore, #tpu.memory_space<semaphore_mem>>) src(%arg27 : memref<256xf32, #tpu.memory_space<vmem>>) dst(%dma_wait3A_424 : memref<102400xf32, #tpu.memory_space<vmem_shared>>)
      } else {
      }
      %dma_wait3A_219 = tpu.memref_slice %arg3[%mul3A_98] : memref<1638400xi32, #tpu.memory_space<hbm>> -> memref<256xi32, #tpu.memory_space<hbm>>
      %dma_wait3A_220 = tpu.memref_slice %arg3[%mul3A_98] : memref<1638400xi32, #tpu.memory_space<hbm>> -> memref<256xi32, #tpu.memory_space<hbm>>
      tpu.wait_dma2 semaphore(%arg30 : memref<!tpu.dma_semaphore, #tpu.memory_space<semaphore_mem>>) src(%dma_wait3A_220 : memref<256xi32, #tpu.memory_space<hbm>>) dst(%arg13 : memref<256xi32, #tpu.memory_space<vmem>>)
      %dma_wait3A_221 = tpu.memref_slice %arg4[%mul3A_98] : memref<1638400xi32, #tpu.memory_space<hbm>> -> memref<256xi32, #tpu.memory_space<hbm>>
      %dma_wait3A_222 = tpu.memref_slice %arg4[%mul3A_98] : memref<1638400xi32, #tpu.memory_space<hbm>> -> memref<256xi32, #tpu.memory_space<hbm>>
      tpu.wait_dma2 semaphore(%arg30 : memref<!tpu.dma_semaphore, #tpu.memory_space<semaphore_mem>>) src(%dma_wait3A_222 : memref<256xi32, #tpu.memory_space<hbm>>) dst(%arg17 : memref<256xi32, #tpu.memory_space<vmem>>)
      %dma_start3A_223 = arith.constant 0 : i32
      %dma_start3A_224 = arith.constant 0 : i32
      %dma_start3A_225 = tpu.memref_slice %arg2[%dma_start3A_223, %dma_start3A_224] : memref<819200x16xf32, #tpu.memory_space<hbm>> -> memref<819200x16xf32, #tpu.memory_space<hbm>>
      tpu.enqueue_indirect_dma source(%dma_start3A_225 : memref<819200x16xf32, #tpu.memory_space<hbm>>) target(%arg25 : memref<256x16xf32, #tpu.memory_space<vmem>>) offsets(%arg13 : memref<256xi32, #tpu.memory_space<vmem>>) semaphore(%arg34 : memref<!tpu.dma_semaphore, #tpu.memory_space<semaphore_mem>>)
      %dma_wait3A_226 = arith.constant 0 : i32
      %dma_wait3A_227 = arith.constant 0 : i32
      %dma_wait3A_228 = tpu.memref_slice %arg2[%dma_wait3A_226, %dma_wait3A_227] : memref<819200x16xf32, #tpu.memory_space<hbm>> -> memref<819200x16xf32, #tpu.memory_space<hbm>>
      tpu.wait_indirect_dma semaphore(%arg33 : memref<!tpu.dma_semaphore, #tpu.memory_space<semaphore_mem>>) src(%dma_wait3A_228 : memref<819200x16xf32, #tpu.memory_space<hbm>>) dst(%arg24 : memref<256x16xf32, #tpu.memory_space<vmem>>)
      %dma_start3A_229 = arith.constant 0 : i32
      %dma_start3A_230 = arith.constant 0 : i32
      %dma_start3A_231 = tpu.memref_slice %arg9[%dma_start3A_229, %dma_start3A_230] : memref<102400x16xf32, #tpu.memory_space<vmem_shared>> -> memref<102400x16xf32, #tpu.memory_space<vmem_shared>>
      tpu.enqueue_indirect_dma source(%arg24 : memref<256x16xf32, #tpu.memory_space<vmem>>) target(%dma_start3A_231 : memref<102400x16xf32, #tpu.memory_space<vmem_shared>>) offsets(%arg16 : memref<256xi32, #tpu.memory_space<vmem>>) semaphore(%arg37 : memref<!tpu.dma_semaphore, #tpu.memory_space<semaphore_mem>>) {add = true}
      %dma_start3A_232 = arith.constant 0 : i32
      %dma_start3A_233 = tpu.memref_slice %arg10[%dma_start3A_232] : memref<102400xf32, #tpu.memory_space<vmem_shared>> -> memref<102400xf32, #tpu.memory_space<vmem_shared>>
      tpu.enqueue_indirect_dma source(%arg27 : memref<256xf32, #tpu.memory_space<vmem>>) target(%dma_start3A_233 : memref<102400xf32, #tpu.memory_space<vmem_shared>>) offsets(%arg16 : memref<256xi32, #tpu.memory_space<vmem>>) semaphore(%arg41 : memref<!tpu.dma_semaphore, #tpu.memory_space<semaphore_mem>>) {add = true}
      %add3A_234 = arith.constant 2 : i32
      %add3A_235 = arith.addi %add3A_213, %add3A_234 : i32
      %min3A_236 = arith.constant 199 : i32
      %min3A_237 = arith.minsi %add3A_235, %min3A_236 : i32
      %mul3A_238 = arith.constant 256 : i32
      %mul3A_239 = arith.muli %min3A_237, %mul3A_238 : i32
      %add3A_240 = arith.addi %mul3A_98, %mul3A_239 : i32
      %dma_start3A_241 = tpu.memref_slice %arg3[%add3A_240] : memref<1638400xi32, #tpu.memory_space<hbm>> -> memref<256xi32, #tpu.memory_space<hbm>>
      %dma_start3A_242 = tpu.memref_slice %arg3[%add3A_240] : memref<1638400xi32, #tpu.memory_space<hbm>> -> memref<256xi32, #tpu.memory_space<hbm>>
      tpu.enqueue_dma source(%dma_start3A_242 : memref<256xi32, #tpu.memory_space<hbm>>) target(%arg11 : memref<256xi32, #tpu.memory_space<vmem>>) target_semaphore(%arg28 : memref<!tpu.dma_semaphore, #tpu.memory_space<semaphore_mem>>)
      %dma_start3A_243 = tpu.memref_slice %arg4[%add3A_240] : memref<1638400xi32, #tpu.memory_space<hbm>> -> memref<256xi32, #tpu.memory_space<hbm>>
      %dma_start3A_244 = tpu.memref_slice %arg4[%add3A_240] : memref<1638400xi32, #tpu.memory_space<hbm>> -> memref<256xi32, #tpu.memory_space<hbm>>
      tpu.enqueue_dma source(%dma_start3A_244 : memref<256xi32, #tpu.memory_space<hbm>>) target(%arg19 : memref<256xi32, #tpu.memory_space<vmem>>) target_semaphore(%arg28 : memref<!tpu.dma_semaphore, #tpu.memory_space<semaphore_mem>>)
      %mul3A_245 = arith.constant 8 : i32
      %mul3A_246 = arith.muli %mul3A_245, %scan3A_146 : i32
      %add3A_247 = arith.constant 3 : i32
      %add3A_248 = arith.addi %mul3A_246, %add3A_247 : i32
      %dma_wait3A_249 = arith.constant 0 : i32
      %dma_wait3A_250 = arith.constant 0 : i32
      %dma_wait3A_251 = tpu.memref_slice %arg9[%dma_wait3A_249, %dma_wait3A_250] : memref<102400x16xf32, #tpu.memory_space<vmem_shared>> -> memref<102400x16xf32, #tpu.memory_space<vmem_shared>>
      tpu.wait_indirect_dma semaphore(%arg36 : memref<!tpu.dma_semaphore, #tpu.memory_space<semaphore_mem>>) src(%arg23 : memref<256x16xf32, #tpu.memory_space<vmem>>) dst(%dma_wait3A_251 : memref<102400x16xf32, #tpu.memory_space<vmem_shared>>)
      %dma_wait3A_252 = arith.constant 0 : i32
      %dma_wait3A_253 = tpu.memref_slice %arg10[%dma_wait3A_252] : memref<102400xf32, #tpu.memory_space<vmem_shared>> -> memref<102400xf32, #tpu.memory_space<vmem_shared>>
      tpu.wait_indirect_dma semaphore(%arg40 : memref<!tpu.dma_semaphore, #tpu.memory_space<semaphore_mem>>) src(%arg27 : memref<256xf32, #tpu.memory_space<vmem>>) dst(%dma_wait3A_253 : memref<102400xf32, #tpu.memory_space<vmem_shared>>)
      %dma_wait3A_254 = tpu.memref_slice %arg3[%mul3A_98] : memref<1638400xi32, #tpu.memory_space<hbm>> -> memref<256xi32, #tpu.memory_space<hbm>>
      %dma_wait3A_255 = tpu.memref_slice %arg3[%mul3A_98] : memref<1638400xi32, #tpu.memory_space<hbm>> -> memref<256xi32, #tpu.memory_space<hbm>>
      tpu.wait_dma2 semaphore(%arg31 : memref<!tpu.dma_semaphore, #tpu.memory_space<semaphore_mem>>) src(%dma_wait3A_255 : memref<256xi32, #tpu.memory_space<hbm>>) dst(%arg14 : memref<256xi32, #tpu.memory_space<vmem>>)
      %dma_wait3A_256 = tpu.memref_slice %arg4[%mul3A_98] : memref<1638400xi32, #tpu.memory_space<hbm>> -> memref<256xi32, #tpu.memory_space<hbm>>
      %dma_wait3A_257 = tpu.memref_slice %arg4[%mul3A_98] : memref<1638400xi32, #tpu.memory_space<hbm>> -> memref<256xi32, #tpu.memory_space<hbm>>
      tpu.wait_dma2 semaphore(%arg31 : memref<!tpu.dma_semaphore, #tpu.memory_space<semaphore_mem>>) src(%dma_wait3A_257 : memref<256xi32, #tpu.memory_space<hbm>>) dst(%arg18 : memref<256xi32, #tpu.memory_space<vmem>>)
      %dma_start3A_258 = arith.constant 0 : i32
      %dma_start3A_259 = arith.constant 0 : i32
      %dma_start3A_260 = tpu.memref_slice %arg2[%dma_start3A_258, %dma_start3A_259] : memref<819200x16xf32, #tpu.memory_space<hbm>> -> memref<819200x16xf32, #tpu.memory_space<hbm>>
      tpu.enqueue_indirect_dma source(%dma_start3A_260 : memref<819200x16xf32, #tpu.memory_space<hbm>>) target(%arg26 : memref<256x16xf32, #tpu.memory_space<vmem>>) offsets(%arg14 : memref<256xi32, #tpu.memory_space<vmem>>) semaphore(%arg35 : memref<!tpu.dma_semaphore, #tpu.memory_space<semaphore_mem>>)
      %dma_wait3A_261 = arith.constant 0 : i32
      %dma_wait3A_262 = arith.constant 0 : i32
      %dma_wait3A_263 = tpu.memref_slice %arg2[%dma_wait3A_261, %dma_wait3A_262] : memref<819200x16xf32, #tpu.memory_space<hbm>> -> memref<819200x16xf32, #tpu.memory_space<hbm>>
      tpu.wait_indirect_dma semaphore(%arg34 : memref<!tpu.dma_semaphore, #tpu.memory_space<semaphore_mem>>) src(%dma_wait3A_263 : memref<819200x16xf32, #tpu.memory_space<hbm>>) dst(%arg25 : memref<256x16xf32, #tpu.memory_space<vmem>>)
      %dma_start3A_264 = arith.constant 0 : i32
      %dma_start3A_265 = arith.constant 0 : i32
      %dma_start3A_266 = tpu.memref_slice %arg9[%dma_start3A_264, %dma_start3A_265] : memref<102400x16xf32, #tpu.memory_space<vmem_shared>> -> memref<102400x16xf32, #tpu.memory_space<vmem_shared>>
      tpu.enqueue_indirect_dma source(%arg25 : memref<256x16xf32, #tpu.memory_space<vmem>>) target(%dma_start3A_266 : memref<102400x16xf32, #tpu.memory_space<vmem_shared>>) offsets(%arg17 : memref<256xi32, #tpu.memory_space<vmem>>) semaphore(%arg38 : memref<!tpu.dma_semaphore, #tpu.memory_space<semaphore_mem>>) {add = true}
      %dma_start3A_267 = arith.constant 0 : i32
      %dma_start3A_268 = tpu.memref_slice %arg10[%dma_start3A_267] : memref<102400xf32, #tpu.memory_space<vmem_shared>> -> memref<102400xf32, #tpu.memory_space<vmem_shared>>
      tpu.enqueue_indirect_dma source(%arg27 : memref<256xf32, #tpu.memory_space<vmem>>) target(%dma_start3A_268 : memref<102400xf32, #tpu.memory_space<vmem_shared>>) offsets(%arg17 : memref<256xi32, #tpu.memory_space<vmem>>) semaphore(%arg42 : memref<!tpu.dma_semaphore, #tpu.memory_space<semaphore_mem>>) {add = true}
      %add3A_269 = arith.constant 2 : i32
      %add3A_270 = arith.addi %add3A_248, %add3A_269 : i32
      %min3A_271 = arith.constant 199 : i32
      %min3A_272 = arith.minsi %add3A_270, %min3A_271 : i32
      %mul3A_273 = arith.constant 256 : i32
      %mul3A_274 = arith.muli %min3A_272, %mul3A_273 : i32
      %add3A_275 = arith.addi %mul3A_98, %mul3A_274 : i32
      %dma_start3A_276 = tpu.memref_slice %arg3[%add3A_275] : memref<1638400xi32, #tpu.memory_space<hbm>> -> memref<256xi32, #tpu.memory_space<hbm>>
      %dma_start3A_277 = tpu.memref_slice %arg3[%add3A_275] : memref<1638400xi32, #tpu.memory_space<hbm>> -> memref<256xi32, #tpu.memory_space<hbm>>
      tpu.enqueue_dma source(%dma_start3A_277 : memref<256xi32, #tpu.memory_space<hbm>>) target(%arg12 : memref<256xi32, #tpu.memory_space<vmem>>) target_semaphore(%arg29 : memref<!tpu.dma_semaphore, #tpu.memory_space<semaphore_mem>>)
      %dma_start3A_278 = tpu.memref_slice %arg4[%add3A_275] : memref<1638400xi32, #tpu.memory_space<hbm>> -> memref<256xi32, #tpu.memory_space<hbm>>
      %dma_start3A_279 = tpu.memref_slice %arg4[%add3A_275] : memref<1638400xi32, #tpu.memory_space<hbm>> -> memref<256xi32, #tpu.memory_space<hbm>>
      tpu.enqueue_dma source(%dma_start3A_279 : memref<256xi32, #tpu.memory_space<hbm>>) target(%arg20 : memref<256xi32, #tpu.memory_space<vmem>>) target_semaphore(%arg29 : memref<!tpu.dma_semaphore, #tpu.memory_space<semaphore_mem>>)
      %mul3A_280 = arith.constant 8 : i32
      %mul3A_281 = arith.muli %mul3A_280, %scan3A_146 : i32
      %add3A_282 = arith.constant 4 : i32
      %add3A_283 = arith.addi %mul3A_281, %add3A_282 : i32
      %dma_wait3A_284 = arith.constant 0 : i32
      %dma_wait3A_285 = arith.constant 0 : i32
      %dma_wait3A_286 = tpu.memref_slice %arg9[%dma_wait3A_284, %dma_wait3A_285] : memref<102400x16xf32, #tpu.memory_space<vmem_shared>> -> memref<102400x16xf32, #tpu.memory_space<vmem_shared>>
      tpu.wait_indirect_dma semaphore(%arg37 : memref<!tpu.dma_semaphore, #tpu.memory_space<semaphore_mem>>) src(%arg24 : memref<256x16xf32, #tpu.memory_space<vmem>>) dst(%dma_wait3A_286 : memref<102400x16xf32, #tpu.memory_space<vmem_shared>>)
      %dma_wait3A_287 = arith.constant 0 : i32
      %dma_wait3A_288 = tpu.memref_slice %arg10[%dma_wait3A_287] : memref<102400xf32, #tpu.memory_space<vmem_shared>> -> memref<102400xf32, #tpu.memory_space<vmem_shared>>
      tpu.wait_indirect_dma semaphore(%arg41 : memref<!tpu.dma_semaphore, #tpu.memory_space<semaphore_mem>>) src(%arg27 : memref<256xf32, #tpu.memory_space<vmem>>) dst(%dma_wait3A_288 : memref<102400xf32, #tpu.memory_space<vmem_shared>>)
      %dma_wait3A_289 = tpu.memref_slice %arg3[%mul3A_98] : memref<1638400xi32, #tpu.memory_space<hbm>> -> memref<256xi32, #tpu.memory_space<hbm>>
      %dma_wait3A_290 = tpu.memref_slice %arg3[%mul3A_98] : memref<1638400xi32, #tpu.memory_space<hbm>> -> memref<256xi32, #tpu.memory_space<hbm>>
      tpu.wait_dma2 semaphore(%arg28 : memref<!tpu.dma_semaphore, #tpu.memory_space<semaphore_mem>>) src(%dma_wait3A_290 : memref<256xi32, #tpu.memory_space<hbm>>) dst(%arg11 : memref<256xi32, #tpu.memory_space<vmem>>)
      %dma_wait3A_291 = tpu.memref_slice %arg4[%mul3A_98] : memref<1638400xi32, #tpu.memory_space<hbm>> -> memref<256xi32, #tpu.memory_space<hbm>>
      %dma_wait3A_292 = tpu.memref_slice %arg4[%mul3A_98] : memref<1638400xi32, #tpu.memory_space<hbm>> -> memref<256xi32, #tpu.memory_space<hbm>>
      tpu.wait_dma2 semaphore(%arg28 : memref<!tpu.dma_semaphore, #tpu.memory_space<semaphore_mem>>) src(%dma_wait3A_292 : memref<256xi32, #tpu.memory_space<hbm>>) dst(%arg19 : memref<256xi32, #tpu.memory_space<vmem>>)
      %dma_start3A_293 = arith.constant 0 : i32
      %dma_start3A_294 = arith.constant 0 : i32
      %dma_start3A_295 = tpu.memref_slice %arg2[%dma_start3A_293, %dma_start3A_294] : memref<819200x16xf32, #tpu.memory_space<hbm>> -> memref<819200x16xf32, #tpu.memory_space<hbm>>
      tpu.enqueue_indirect_dma source(%dma_start3A_295 : memref<819200x16xf32, #tpu.memory_space<hbm>>) target(%arg23 : memref<256x16xf32, #tpu.memory_space<vmem>>) offsets(%arg11 : memref<256xi32, #tpu.memory_space<vmem>>) semaphore(%arg32 : memref<!tpu.dma_semaphore, #tpu.memory_space<semaphore_mem>>)
      %dma_wait3A_296 = arith.constant 0 : i32
      %dma_wait3A_297 = arith.constant 0 : i32
      %dma_wait3A_298 = tpu.memref_slice %arg2[%dma_wait3A_296, %dma_wait3A_297] : memref<819200x16xf32, #tpu.memory_space<hbm>> -> memref<819200x16xf32, #tpu.memory_space<hbm>>
      tpu.wait_indirect_dma semaphore(%arg35 : memref<!tpu.dma_semaphore, #tpu.memory_space<semaphore_mem>>) src(%dma_wait3A_298 : memref<819200x16xf32, #tpu.memory_space<hbm>>) dst(%arg26 : memref<256x16xf32, #tpu.memory_space<vmem>>)
      %dma_start3A_299 = arith.constant 0 : i32
      %dma_start3A_300 = arith.constant 0 : i32
      %dma_start3A_301 = tpu.memref_slice %arg9[%dma_start3A_299, %dma_start3A_300] : memref<102400x16xf32, #tpu.memory_space<vmem_shared>> -> memref<102400x16xf32, #tpu.memory_space<vmem_shared>>
      tpu.enqueue_indirect_dma source(%arg26 : memref<256x16xf32, #tpu.memory_space<vmem>>) target(%dma_start3A_301 : memref<102400x16xf32, #tpu.memory_space<vmem_shared>>) offsets(%arg18 : memref<256xi32, #tpu.memory_space<vmem>>) semaphore(%arg39 : memref<!tpu.dma_semaphore, #tpu.memory_space<semaphore_mem>>) {add = true}
      %dma_start3A_302 = arith.constant 0 : i32
      %dma_start3A_303 = tpu.memref_slice %arg10[%dma_start3A_302] : memref<102400xf32, #tpu.memory_space<vmem_shared>> -> memref<102400xf32, #tpu.memory_space<vmem_shared>>
      tpu.enqueue_indirect_dma source(%arg27 : memref<256xf32, #tpu.memory_space<vmem>>) target(%dma_start3A_303 : memref<102400xf32, #tpu.memory_space<vmem_shared>>) offsets(%arg18 : memref<256xi32, #tpu.memory_space<vmem>>) semaphore(%arg43 : memref<!tpu.dma_semaphore, #tpu.memory_space<semaphore_mem>>) {add = true}
      %add3A_304 = arith.constant 2 : i32
      %add3A_305 = arith.addi %add3A_283, %add3A_304 : i32
      %min3A_306 = arith.constant 199 : i32
      %min3A_307 = arith.minsi %add3A_305, %min3A_306 : i32
      %mul3A_308 = arith.constant 256 : i32
      %mul3A_309 = arith.muli %min3A_307, %mul3A_308 : i32
      %add3A_310 = arith.addi %mul3A_98, %mul3A_309 : i32
      %dma_start3A_311 = tpu.memref_slice %arg3[%add3A_310] : memref<1638400xi32, #tpu.memory_space<hbm>> -> memref<256xi32, #tpu.memory_space<hbm>>
      %dma_start3A_312 = tpu.memref_slice %arg3[%add3A_310] : memref<1638400xi32, #tpu.memory_space<hbm>> -> memref<256xi32, #tpu.memory_space<hbm>>
      tpu.enqueue_dma source(%dma_start3A_312 : memref<256xi32, #tpu.memory_space<hbm>>) target(%arg13 : memref<256xi32, #tpu.memory_space<vmem>>) target_semaphore(%arg30 : memref<!tpu.dma_semaphore, #tpu.memory_space<semaphore_mem>>)
      %dma_start3A_313 = tpu.memref_slice %arg4[%add3A_310] : memref<1638400xi32, #tpu.memory_space<hbm>> -> memref<256xi32, #tpu.memory_space<hbm>>
      %dma_start3A_314 = tpu.memref_slice %arg4[%add3A_310] : memref<1638400xi32, #tpu.memory_space<hbm>> -> memref<256xi32, #tpu.memory_space<hbm>>
      tpu.enqueue_dma source(%dma_start3A_314 : memref<256xi32, #tpu.memory_space<hbm>>) target(%arg21 : memref<256xi32, #tpu.memory_space<vmem>>) target_semaphore(%arg30 : memref<!tpu.dma_semaphore, #tpu.memory_space<semaphore_mem>>)
      %mul3A_315 = arith.constant 8 : i32
      %mul3A_316 = arith.muli %mul3A_315, %scan3A_146 : i32
      %add3A_317 = arith.constant 5 : i32
      %add3A_318 = arith.addi %mul3A_316, %add3A_317 : i32
      %dma_wait3A_319 = arith.constant 0 : i32
      %dma_wait3A_320 = arith.constant 0 : i32
      %dma_wait3A_321 = tpu.memref_slice %arg9[%dma_wait3A_319, %dma_wait3A_320] : memref<102400x16xf32, #tpu.memory_space<vmem_shared>> -> memref<102400x16xf32, #tpu.memory_space<vmem_shared>>
      tpu.wait_indirect_dma semaphore(%arg38 : memref<!tpu.dma_semaphore, #tpu.memory_space<semaphore_mem>>) src(%arg25 : memref<256x16xf32, #tpu.memory_space<vmem>>) dst(%dma_wait3A_321 : memref<102400x16xf32, #tpu.memory_space<vmem_shared>>)
      %dma_wait3A_322 = arith.constant 0 : i32
      %dma_wait3A_323 = tpu.memref_slice %arg10[%dma_wait3A_322] : memref<102400xf32, #tpu.memory_space<vmem_shared>> -> memref<102400xf32, #tpu.memory_space<vmem_shared>>
      tpu.wait_indirect_dma semaphore(%arg42 : memref<!tpu.dma_semaphore, #tpu.memory_space<semaphore_mem>>) src(%arg27 : memref<256xf32, #tpu.memory_space<vmem>>) dst(%dma_wait3A_323 : memref<102400xf32, #tpu.memory_space<vmem_shared>>)
      %dma_wait3A_324 = tpu.memref_slice %arg3[%mul3A_98] : memref<1638400xi32, #tpu.memory_space<hbm>> -> memref<256xi32, #tpu.memory_space<hbm>>
      %dma_wait3A_325 = tpu.memref_slice %arg3[%mul3A_98] : memref<1638400xi32, #tpu.memory_space<hbm>> -> memref<256xi32, #tpu.memory_space<hbm>>
      tpu.wait_dma2 semaphore(%arg29 : memref<!tpu.dma_semaphore, #tpu.memory_space<semaphore_mem>>) src(%dma_wait3A_325 : memref<256xi32, #tpu.memory_space<hbm>>) dst(%arg12 : memref<256xi32, #tpu.memory_space<vmem>>)
      %dma_wait3A_326 = tpu.memref_slice %arg4[%mul3A_98] : memref<1638400xi32, #tpu.memory_space<hbm>> -> memref<256xi32, #tpu.memory_space<hbm>>
      %dma_wait3A_327 = tpu.memref_slice %arg4[%mul3A_98] : memref<1638400xi32, #tpu.memory_space<hbm>> -> memref<256xi32, #tpu.memory_space<hbm>>
      tpu.wait_dma2 semaphore(%arg29 : memref<!tpu.dma_semaphore, #tpu.memory_space<semaphore_mem>>) src(%dma_wait3A_327 : memref<256xi32, #tpu.memory_space<hbm>>) dst(%arg20 : memref<256xi32, #tpu.memory_space<vmem>>)
      %dma_start3A_328 = arith.constant 0 : i32
      %dma_start3A_329 = arith.constant 0 : i32
      %dma_start3A_330 = tpu.memref_slice %arg2[%dma_start3A_328, %dma_start3A_329] : memref<819200x16xf32, #tpu.memory_space<hbm>> -> memref<819200x16xf32, #tpu.memory_space<hbm>>
      tpu.enqueue_indirect_dma source(%dma_start3A_330 : memref<819200x16xf32, #tpu.memory_space<hbm>>) target(%arg24 : memref<256x16xf32, #tpu.memory_space<vmem>>) offsets(%arg12 : memref<256xi32, #tpu.memory_space<vmem>>) semaphore(%arg33 : memref<!tpu.dma_semaphore, #tpu.memory_space<semaphore_mem>>)
      %dma_wait3A_331 = arith.constant 0 : i32
      %dma_wait3A_332 = arith.constant 0 : i32
      %dma_wait3A_333 = tpu.memref_slice %arg2[%dma_wait3A_331, %dma_wait3A_332] : memref<819200x16xf32, #tpu.memory_space<hbm>> -> memref<819200x16xf32, #tpu.memory_space<hbm>>
      tpu.wait_indirect_dma semaphore(%arg32 : memref<!tpu.dma_semaphore, #tpu.memory_space<semaphore_mem>>) src(%dma_wait3A_333 : memref<819200x16xf32, #tpu.memory_space<hbm>>) dst(%arg23 : memref<256x16xf32, #tpu.memory_space<vmem>>)
      %dma_start3A_334 = arith.constant 0 : i32
      %dma_start3A_335 = arith.constant 0 : i32
      %dma_start3A_336 = tpu.memref_slice %arg9[%dma_start3A_334, %dma_start3A_335] : memref<102400x16xf32, #tpu.memory_space<vmem_shared>> -> memref<102400x16xf32, #tpu.memory_space<vmem_shared>>
      tpu.enqueue_indirect_dma source(%arg23 : memref<256x16xf32, #tpu.memory_space<vmem>>) target(%dma_start3A_336 : memref<102400x16xf32, #tpu.memory_space<vmem_shared>>) offsets(%arg19 : memref<256xi32, #tpu.memory_space<vmem>>) semaphore(%arg36 : memref<!tpu.dma_semaphore, #tpu.memory_space<semaphore_mem>>) {add = true}
      %dma_start3A_337 = arith.constant 0 : i32
      %dma_start3A_338 = tpu.memref_slice %arg10[%dma_start3A_337] : memref<102400xf32, #tpu.memory_space<vmem_shared>> -> memref<102400xf32, #tpu.memory_space<vmem_shared>>
      tpu.enqueue_indirect_dma source(%arg27 : memref<256xf32, #tpu.memory_space<vmem>>) target(%dma_start3A_338 : memref<102400xf32, #tpu.memory_space<vmem_shared>>) offsets(%arg19 : memref<256xi32, #tpu.memory_space<vmem>>) semaphore(%arg40 : memref<!tpu.dma_semaphore, #tpu.memory_space<semaphore_mem>>) {add = true}
      %add3A_339 = arith.constant 2 : i32
      %add3A_340 = arith.addi %add3A_318, %add3A_339 : i32
      %min3A_341 = arith.constant 199 : i32
      %min3A_342 = arith.minsi %add3A_340, %min3A_341 : i32
      %mul3A_343 = arith.constant 256 : i32
      %mul3A_344 = arith.muli %min3A_342, %mul3A_343 : i32
      %add3A_345 = arith.addi %mul3A_98, %mul3A_344 : i32
      %dma_start3A_346 = tpu.memref_slice %arg3[%add3A_345] : memref<1638400xi32, #tpu.memory_space<hbm>> -> memref<256xi32, #tpu.memory_space<hbm>>
      %dma_start3A_347 = tpu.memref_slice %arg3[%add3A_345] : memref<1638400xi32, #tpu.memory_space<hbm>> -> memref<256xi32, #tpu.memory_space<hbm>>
      tpu.enqueue_dma source(%dma_start3A_347 : memref<256xi32, #tpu.memory_space<hbm>>) target(%arg14 : memref<256xi32, #tpu.memory_space<vmem>>) target_semaphore(%arg31 : memref<!tpu.dma_semaphore, #tpu.memory_space<semaphore_mem>>)
      %dma_start3A_348 = tpu.memref_slice %arg4[%add3A_345] : memref<1638400xi32, #tpu.memory_space<hbm>> -> memref<256xi32, #tpu.memory_space<hbm>>
      %dma_start3A_349 = tpu.memref_slice %arg4[%add3A_345] : memref<1638400xi32, #tpu.memory_space<hbm>> -> memref<256xi32, #tpu.memory_space<hbm>>
      tpu.enqueue_dma source(%dma_start3A_349 : memref<256xi32, #tpu.memory_space<hbm>>) target(%arg22 : memref<256xi32, #tpu.memory_space<vmem>>) target_semaphore(%arg31 : memref<!tpu.dma_semaphore, #tpu.memory_space<semaphore_mem>>)
      %mul3A_350 = arith.constant 8 : i32
      %mul3A_351 = arith.muli %mul3A_350, %scan3A_146 : i32
      %add3A_352 = arith.constant 6 : i32
      %add3A_353 = arith.addi %mul3A_351, %add3A_352 : i32
      %dma_wait3A_354 = arith.constant 0 : i32
      %dma_wait3A_355 = arith.constant 0 : i32
      %dma_wait3A_356 = tpu.memref_slice %arg9[%dma_wait3A_354, %dma_wait3A_355] : memref<102400x16xf32, #tpu.memory_space<vmem_shared>> -> memref<102400x16xf32, #tpu.memory_space<vmem_shared>>
      tpu.wait_indirect_dma semaphore(%arg39 : memref<!tpu.dma_semaphore, #tpu.memory_space<semaphore_mem>>) src(%arg26 : memref<256x16xf32, #tpu.memory_space<vmem>>) dst(%dma_wait3A_356 : memref<102400x16xf32, #tpu.memory_space<vmem_shared>>)
      %dma_wait3A_357 = arith.constant 0 : i32
      %dma_wait3A_358 = tpu.memref_slice %arg10[%dma_wait3A_357] : memref<102400xf32, #tpu.memory_space<vmem_shared>> -> memref<102400xf32, #tpu.memory_space<vmem_shared>>
      tpu.wait_indirect_dma semaphore(%arg43 : memref<!tpu.dma_semaphore, #tpu.memory_space<semaphore_mem>>) src(%arg27 : memref<256xf32, #tpu.memory_space<vmem>>) dst(%dma_wait3A_358 : memref<102400xf32, #tpu.memory_space<vmem_shared>>)
      %dma_wait3A_359 = tpu.memref_slice %arg3[%mul3A_98] : memref<1638400xi32, #tpu.memory_space<hbm>> -> memref<256xi32, #tpu.memory_space<hbm>>
      %dma_wait3A_360 = tpu.memref_slice %arg3[%mul3A_98] : memref<1638400xi32, #tpu.memory_space<hbm>> -> memref<256xi32, #tpu.memory_space<hbm>>
      tpu.wait_dma2 semaphore(%arg30 : memref<!tpu.dma_semaphore, #tpu.memory_space<semaphore_mem>>) src(%dma_wait3A_360 : memref<256xi32, #tpu.memory_space<hbm>>) dst(%arg13 : memref<256xi32, #tpu.memory_space<vmem>>)
      %dma_wait3A_361 = tpu.memref_slice %arg4[%mul3A_98] : memref<1638400xi32, #tpu.memory_space<hbm>> -> memref<256xi32, #tpu.memory_space<hbm>>
      %dma_wait3A_362 = tpu.memref_slice %arg4[%mul3A_98] : memref<1638400xi32, #tpu.memory_space<hbm>> -> memref<256xi32, #tpu.memory_space<hbm>>
      tpu.wait_dma2 semaphore(%arg30 : memref<!tpu.dma_semaphore, #tpu.memory_space<semaphore_mem>>) src(%dma_wait3A_362 : memref<256xi32, #tpu.memory_space<hbm>>) dst(%arg21 : memref<256xi32, #tpu.memory_space<vmem>>)
      %dma_start3A_363 = arith.constant 0 : i32
      %dma_start3A_364 = arith.constant 0 : i32
      %dma_start3A_365 = tpu.memref_slice %arg2[%dma_start3A_363, %dma_start3A_364] : memref<819200x16xf32, #tpu.memory_space<hbm>> -> memref<819200x16xf32, #tpu.memory_space<hbm>>
      tpu.enqueue_indirect_dma source(%dma_start3A_365 : memref<819200x16xf32, #tpu.memory_space<hbm>>) target(%arg25 : memref<256x16xf32, #tpu.memory_space<vmem>>) offsets(%arg13 : memref<256xi32, #tpu.memory_space<vmem>>) semaphore(%arg34 : memref<!tpu.dma_semaphore, #tpu.memory_space<semaphore_mem>>)
      %dma_wait3A_366 = arith.constant 0 : i32
      %dma_wait3A_367 = arith.constant 0 : i32
      %dma_wait3A_368 = tpu.memref_slice %arg2[%dma_wait3A_366, %dma_wait3A_367] : memref<819200x16xf32, #tpu.memory_space<hbm>> -> memref<819200x16xf32, #tpu.memory_space<hbm>>
      tpu.wait_indirect_dma semaphore(%arg33 : memref<!tpu.dma_semaphore, #tpu.memory_space<semaphore_mem>>) src(%dma_wait3A_368 : memref<819200x16xf32, #tpu.memory_space<hbm>>) dst(%arg24 : memref<256x16xf32, #tpu.memory_space<vmem>>)
      %dma_start3A_369 = arith.constant 0 : i32
      %dma_start3A_370 = arith.constant 0 : i32
      %dma_start3A_371 = tpu.memref_slice %arg9[%dma_start3A_369, %dma_start3A_370] : memref<102400x16xf32, #tpu.memory_space<vmem_shared>> -> memref<102400x16xf32, #tpu.memory_space<vmem_shared>>
      tpu.enqueue_indirect_dma source(%arg24 : memref<256x16xf32, #tpu.memory_space<vmem>>) target(%dma_start3A_371 : memref<102400x16xf32, #tpu.memory_space<vmem_shared>>) offsets(%arg20 : memref<256xi32, #tpu.memory_space<vmem>>) semaphore(%arg37 : memref<!tpu.dma_semaphore, #tpu.memory_space<semaphore_mem>>) {add = true}
      %dma_start3A_372 = arith.constant 0 : i32
      %dma_start3A_373 = tpu.memref_slice %arg10[%dma_start3A_372] : memref<102400xf32, #tpu.memory_space<vmem_shared>> -> memref<102400xf32, #tpu.memory_space<vmem_shared>>
      tpu.enqueue_indirect_dma source(%arg27 : memref<256xf32, #tpu.memory_space<vmem>>) target(%dma_start3A_373 : memref<102400xf32, #tpu.memory_space<vmem_shared>>) offsets(%arg20 : memref<256xi32, #tpu.memory_space<vmem>>) semaphore(%arg41 : memref<!tpu.dma_semaphore, #tpu.memory_space<semaphore_mem>>) {add = true}
      %add3A_374 = arith.constant 2 : i32
      %add3A_375 = arith.addi %add3A_353, %add3A_374 : i32
      %min3A_376 = arith.constant 199 : i32
      %min3A_377 = arith.minsi %add3A_375, %min3A_376 : i32
      %mul3A_378 = arith.constant 256 : i32
      %mul3A_379 = arith.muli %min3A_377, %mul3A_378 : i32
      %add3A_380 = arith.addi %mul3A_98, %mul3A_379 : i32
      %dma_start3A_381 = tpu.memref_slice %arg3[%add3A_380] : memref<1638400xi32, #tpu.memory_space<hbm>> -> memref<256xi32, #tpu.memory_space<hbm>>
      %dma_start3A_382 = tpu.memref_slice %arg3[%add3A_380] : memref<1638400xi32, #tpu.memory_space<hbm>> -> memref<256xi32, #tpu.memory_space<hbm>>
      tpu.enqueue_dma source(%dma_start3A_382 : memref<256xi32, #tpu.memory_space<hbm>>) target(%arg11 : memref<256xi32, #tpu.memory_space<vmem>>) target_semaphore(%arg28 : memref<!tpu.dma_semaphore, #tpu.memory_space<semaphore_mem>>)
      %dma_start3A_383 = tpu.memref_slice %arg4[%add3A_380] : memref<1638400xi32, #tpu.memory_space<hbm>> -> memref<256xi32, #tpu.memory_space<hbm>>
      %dma_start3A_384 = tpu.memref_slice %arg4[%add3A_380] : memref<1638400xi32, #tpu.memory_space<hbm>> -> memref<256xi32, #tpu.memory_space<hbm>>
      tpu.enqueue_dma source(%dma_start3A_384 : memref<256xi32, #tpu.memory_space<hbm>>) target(%arg15 : memref<256xi32, #tpu.memory_space<vmem>>) target_semaphore(%arg28 : memref<!tpu.dma_semaphore, #tpu.memory_space<semaphore_mem>>)
      %mul3A_385 = arith.constant 8 : i32
      %mul3A_386 = arith.muli %mul3A_385, %scan3A_146 : i32
      %add3A_387 = arith.constant 7 : i32
      %add3A_388 = arith.addi %mul3A_386, %add3A_387 : i32
      %dma_wait3A_389 = arith.constant 0 : i32
      %dma_wait3A_390 = arith.constant 0 : i32
      %dma_wait3A_391 = tpu.memref_slice %arg9[%dma_wait3A_389, %dma_wait3A_390] : memref<102400x16xf32, #tpu.memory_space<vmem_shared>> -> memref<102400x16xf32, #tpu.memory_space<vmem_shared>>
      tpu.wait_indirect_dma semaphore(%arg36 : memref<!tpu.dma_semaphore, #tpu.memory_space<semaphore_mem>>) src(%arg23 : memref<256x16xf32, #tpu.memory_space<vmem>>) dst(%dma_wait3A_391 : memref<102400x16xf32, #tpu.memory_space<vmem_shared>>)
      %dma_wait3A_392 = arith.constant 0 : i32
      %dma_wait3A_393 = tpu.memref_slice %arg10[%dma_wait3A_392] : memref<102400xf32, #tpu.memory_space<vmem_shared>> -> memref<102400xf32, #tpu.memory_space<vmem_shared>>
      tpu.wait_indirect_dma semaphore(%arg40 : memref<!tpu.dma_semaphore, #tpu.memory_space<semaphore_mem>>) src(%arg27 : memref<256xf32, #tpu.memory_space<vmem>>) dst(%dma_wait3A_393 : memref<102400xf32, #tpu.memory_space<vmem_shared>>)
      %dma_wait3A_394 = tpu.memref_slice %arg3[%mul3A_98] : memref<1638400xi32, #tpu.memory_space<hbm>> -> memref<256xi32, #tpu.memory_space<hbm>>
      %dma_wait3A_395 = tpu.memref_slice %arg3[%mul3A_98] : memref<1638400xi32, #tpu.memory_space<hbm>> -> memref<256xi32, #tpu.memory_space<hbm>>
      tpu.wait_dma2 semaphore(%arg31 : memref<!tpu.dma_semaphore, #tpu.memory_space<semaphore_mem>>) src(%dma_wait3A_395 : memref<256xi32, #tpu.memory_space<hbm>>) dst(%arg14 : memref<256xi32, #tpu.memory_space<vmem>>)
      %dma_wait3A_396 = tpu.memref_slice %arg4[%mul3A_98] : memref<1638400xi32, #tpu.memory_space<hbm>> -> memref<256xi32, #tpu.memory_space<hbm>>
      %dma_wait3A_397 = tpu.memref_slice %arg4[%mul3A_98] : memref<1638400xi32, #tpu.memory_space<hbm>> -> memref<256xi32, #tpu.memory_space<hbm>>
      tpu.wait_dma2 semaphore(%arg31 : memref<!tpu.dma_semaphore, #tpu.memory_space<semaphore_mem>>) src(%dma_wait3A_397 : memref<256xi32, #tpu.memory_space<hbm>>) dst(%arg22 : memref<256xi32, #tpu.memory_space<vmem>>)
      %dma_start3A_398 = arith.constant 0 : i32
      %dma_start3A_399 = arith.constant 0 : i32
      %dma_start3A_400 = tpu.memref_slice %arg2[%dma_start3A_398, %dma_start3A_399] : memref<819200x16xf32, #tpu.memory_space<hbm>> -> memref<819200x16xf32, #tpu.memory_space<hbm>>
      tpu.enqueue_indirect_dma source(%dma_start3A_400 : memref<819200x16xf32, #tpu.memory_space<hbm>>) target(%arg26 : memref<256x16xf32, #tpu.memory_space<vmem>>) offsets(%arg14 : memref<256xi32, #tpu.memory_space<vmem>>) semaphore(%arg35 : memref<!tpu.dma_semaphore, #tpu.memory_space<semaphore_mem>>)
      %dma_wait3A_401 = arith.constant 0 : i32
      %dma_wait3A_402 = arith.constant 0 : i32
      %dma_wait3A_403 = tpu.memref_slice %arg2[%dma_wait3A_401, %dma_wait3A_402] : memref<819200x16xf32, #tpu.memory_space<hbm>> -> memref<819200x16xf32, #tpu.memory_space<hbm>>
      tpu.wait_indirect_dma semaphore(%arg34 : memref<!tpu.dma_semaphore, #tpu.memory_space<semaphore_mem>>) src(%dma_wait3A_403 : memref<819200x16xf32, #tpu.memory_space<hbm>>) dst(%arg25 : memref<256x16xf32, #tpu.memory_space<vmem>>)
      %dma_start3A_404 = arith.constant 0 : i32
      %dma_start3A_405 = arith.constant 0 : i32
      %dma_start3A_406 = tpu.memref_slice %arg9[%dma_start3A_404, %dma_start3A_405] : memref<102400x16xf32, #tpu.memory_space<vmem_shared>> -> memref<102400x16xf32, #tpu.memory_space<vmem_shared>>
      tpu.enqueue_indirect_dma source(%arg25 : memref<256x16xf32, #tpu.memory_space<vmem>>) target(%dma_start3A_406 : memref<102400x16xf32, #tpu.memory_space<vmem_shared>>) offsets(%arg21 : memref<256xi32, #tpu.memory_space<vmem>>) semaphore(%arg38 : memref<!tpu.dma_semaphore, #tpu.memory_space<semaphore_mem>>) {add = true}
      %dma_start3A_407 = arith.constant 0 : i32
      %dma_start3A_408 = tpu.memref_slice %arg10[%dma_start3A_407] : memref<102400xf32, #tpu.memory_space<vmem_shared>> -> memref<102400xf32, #tpu.memory_space<vmem_shared>>
      tpu.enqueue_indirect_dma source(%arg27 : memref<256xf32, #tpu.memory_space<vmem>>) target(%dma_start3A_408 : memref<102400xf32, #tpu.memory_space<vmem_shared>>) offsets(%arg21 : memref<256xi32, #tpu.memory_space<vmem>>) semaphore(%arg42 : memref<!tpu.dma_semaphore, #tpu.memory_space<semaphore_mem>>) {add = true}
      %add3A_409 = arith.constant 2 : i32
      %add3A_410 = arith.addi %add3A_388, %add3A_409 : i32
      %min3A_411 = arith.constant 199 : i32
      %min3A_412 = arith.minsi %add3A_410, %min3A_411 : i32
      %mul3A_413 = arith.constant 256 : i32
      %mul3A_414 = arith.muli %min3A_412, %mul3A_413 : i32
      %add3A_415 = arith.addi %mul3A_98, %mul3A_414 : i32
      %dma_start3A_416 = tpu.memref_slice %arg3[%add3A_415] : memref<1638400xi32, #tpu.memory_space<hbm>> -> memref<256xi32, #tpu.memory_space<hbm>>
      %dma_start3A_417 = tpu.memref_slice %arg3[%add3A_415] : memref<1638400xi32, #tpu.memory_space<hbm>> -> memref<256xi32, #tpu.memory_space<hbm>>
      tpu.enqueue_dma source(%dma_start3A_417 : memref<256xi32, #tpu.memory_space<hbm>>) target(%arg12 : memref<256xi32, #tpu.memory_space<vmem>>) target_semaphore(%arg29 : memref<!tpu.dma_semaphore, #tpu.memory_space<semaphore_mem>>)
      %dma_start3A_418 = tpu.memref_slice %arg4[%add3A_415] : memref<1638400xi32, #tpu.memory_space<hbm>> -> memref<256xi32, #tpu.memory_space<hbm>>
      %dma_start3A_419 = tpu.memref_slice %arg4[%add3A_415] : memref<1638400xi32, #tpu.memory_space<hbm>> -> memref<256xi32, #tpu.memory_space<hbm>>
      tpu.enqueue_dma source(%dma_start3A_419 : memref<256xi32, #tpu.memory_space<hbm>>) target(%arg16 : memref<256xi32, #tpu.memory_space<vmem>>) target_semaphore(%arg29 : memref<!tpu.dma_semaphore, #tpu.memory_space<semaphore_mem>>)
    }
    %scan3A_114 = arith.constant 25 : i32
    %dma_wait3A = arith.constant 0 : i32
    %dma_wait3A_115 = arith.constant 0 : i32
    %dma_wait3A_116 = tpu.memref_slice %arg2[%dma_wait3A, %dma_wait3A_115] : memref<819200x16xf32, #tpu.memory_space<hbm>> -> memref<819200x16xf32, #tpu.memory_space<hbm>>
    tpu.wait_indirect_dma semaphore(%arg35 : memref<!tpu.dma_semaphore, #tpu.memory_space<semaphore_mem>>) src(%dma_wait3A_116 : memref<819200x16xf32, #tpu.memory_space<hbm>>) dst(%arg26 : memref<256x16xf32, #tpu.memory_space<vmem>>)
    %dma_start3A_117 = arith.constant 0 : i32
    %dma_start3A_118 = arith.constant 0 : i32
    %dma_start3A_119 = tpu.memref_slice %arg9[%dma_start3A_117, %dma_start3A_118] : memref<102400x16xf32, #tpu.memory_space<vmem_shared>> -> memref<102400x16xf32, #tpu.memory_space<vmem_shared>>
    tpu.enqueue_indirect_dma source(%arg26 : memref<256x16xf32, #tpu.memory_space<vmem>>) target(%dma_start3A_119 : memref<102400x16xf32, #tpu.memory_space<vmem_shared>>) offsets(%arg22 : memref<256xi32, #tpu.memory_space<vmem>>) semaphore(%arg39 : memref<!tpu.dma_semaphore, #tpu.memory_space<semaphore_mem>>) {add = true}
    %dma_start3A_120 = arith.constant 0 : i32
    %dma_start3A_121 = tpu.memref_slice %arg10[%dma_start3A_120] : memref<102400xf32, #tpu.memory_space<vmem_shared>> -> memref<102400xf32, #tpu.memory_space<vmem_shared>>
    tpu.enqueue_indirect_dma source(%arg27 : memref<256xf32, #tpu.memory_space<vmem>>) target(%dma_start3A_121 : memref<102400xf32, #tpu.memory_space<vmem_shared>>) offsets(%arg22 : memref<256xi32, #tpu.memory_space<vmem>>) semaphore(%arg43 : memref<!tpu.dma_semaphore, #tpu.memory_space<semaphore_mem>>) {add = true}
    %dma_wait3A_122 = arith.constant 0 : i32
    %dma_wait3A_123 = arith.constant 0 : i32
    %dma_wait3A_124 = tpu.memref_slice %arg9[%dma_wait3A_122, %dma_wait3A_123] : memref<102400x16xf32, #tpu.memory_space<vmem_shared>> -> memref<102400x16xf32, #tpu.memory_space<vmem_shared>>
    tpu.wait_indirect_dma semaphore(%arg37 : memref<!tpu.dma_semaphore, #tpu.memory_space<semaphore_mem>>) src(%arg24 : memref<256x16xf32, #tpu.memory_space<vmem>>) dst(%dma_wait3A_124 : memref<102400x16xf32, #tpu.memory_space<vmem_shared>>)
    %dma_wait3A_125 = arith.constant 0 : i32
    %dma_wait3A_126 = tpu.memref_slice %arg10[%dma_wait3A_125] : memref<102400xf32, #tpu.memory_space<vmem_shared>> -> memref<102400xf32, #tpu.memory_space<vmem_shared>>
    tpu.wait_indirect_dma semaphore(%arg41 : memref<!tpu.dma_semaphore, #tpu.memory_space<semaphore_mem>>) src(%arg27 : memref<256xf32, #tpu.memory_space<vmem>>) dst(%dma_wait3A_126 : memref<102400xf32, #tpu.memory_space<vmem_shared>>)
    %dma_wait3A_127 = arith.constant 0 : i32
    %dma_wait3A_128 = arith.constant 0 : i32
    %dma_wait3A_129 = tpu.memref_slice %arg9[%dma_wait3A_127, %dma_wait3A_128] : memref<102400x16xf32, #tpu.memory_space<vmem_shared>> -> memref<102400x16xf32, #tpu.memory_space<vmem_shared>>
    tpu.wait_indirect_dma semaphore(%arg38 : memref<!tpu.dma_semaphore, #tpu.memory_space<semaphore_mem>>) src(%arg25 : memref<256x16xf32, #tpu.memory_space<vmem>>) dst(%dma_wait3A_129 : memref<102400x16xf32, #tpu.memory_space<vmem_shared>>)
    %dma_wait3A_130 = arith.constant 0 : i32
    %dma_wait3A_131 = tpu.memref_slice %arg10[%dma_wait3A_130] : memref<102400xf32, #tpu.memory_space<vmem_shared>> -> memref<102400xf32, #tpu.memory_space<vmem_shared>>
    tpu.wait_indirect_dma semaphore(%arg42 : memref<!tpu.dma_semaphore, #tpu.memory_space<semaphore_mem>>) src(%arg27 : memref<256xf32, #tpu.memory_space<vmem>>) dst(%dma_wait3A_131 : memref<102400xf32, #tpu.memory_space<vmem_shared>>)
    %dma_wait3A_132 = arith.constant 0 : i32
    %dma_wait3A_133 = arith.constant 0 : i32
    %dma_wait3A_134 = tpu.memref_slice %arg9[%dma_wait3A_132, %dma_wait3A_133] : memref<102400x16xf32, #tpu.memory_space<vmem_shared>> -> memref<102400x16xf32, #tpu.memory_space<vmem_shared>>
    tpu.wait_indirect_dma semaphore(%arg39 : memref<!tpu.dma_semaphore, #tpu.memory_space<semaphore_mem>>) src(%arg26 : memref<256x16xf32, #tpu.memory_space<vmem>>) dst(%dma_wait3A_134 : memref<102400x16xf32, #tpu.memory_space<vmem_shared>>)
    %dma_wait3A_135 = arith.constant 0 : i32
    %dma_wait3A_136 = tpu.memref_slice %arg10[%dma_wait3A_135] : memref<102400xf32, #tpu.memory_space<vmem_shared>> -> memref<102400xf32, #tpu.memory_space<vmem_shared>>
    tpu.wait_indirect_dma semaphore(%arg43 : memref<!tpu.dma_semaphore, #tpu.memory_space<semaphore_mem>>) src(%arg27 : memref<256xf32, #tpu.memory_space<vmem>>) dst(%dma_wait3A_136 : memref<102400xf32, #tpu.memory_space<vmem_shared>>)
    %dma_wait3A_137 = tpu.memref_slice %arg3[%mul3A_98] : memref<1638400xi32, #tpu.memory_space<hbm>> -> memref<256xi32, #tpu.memory_space<hbm>>
    %dma_wait3A_138 = tpu.memref_slice %arg3[%mul3A_98] : memref<1638400xi32, #tpu.memory_space<hbm>> -> memref<256xi32, #tpu.memory_space<hbm>>
    tpu.wait_dma2 semaphore(%arg28 : memref<!tpu.dma_semaphore, #tpu.memory_space<semaphore_mem>>) src(%dma_wait3A_138 : memref<256xi32, #tpu.memory_space<hbm>>) dst(%arg11 : memref<256xi32, #tpu.memory_space<vmem>>)
    %dma_wait3A_139 = tpu.memref_slice %arg4[%mul3A_98] : memref<1638400xi32, #tpu.memory_space<hbm>> -> memref<256xi32, #tpu.memory_space<hbm>>
    %dma_wait3A_140 = tpu.memref_slice %arg4[%mul3A_98] : memref<1638400xi32, #tpu.memory_space<hbm>> -> memref<256xi32, #tpu.memory_space<hbm>>
    tpu.wait_dma2 semaphore(%arg28 : memref<!tpu.dma_semaphore, #tpu.memory_space<semaphore_mem>>) src(%dma_wait3A_140 : memref<256xi32, #tpu.memory_space<hbm>>) dst(%arg15 : memref<256xi32, #tpu.memory_space<vmem>>)
    %dma_wait3A_141 = tpu.memref_slice %arg3[%mul3A_98] : memref<1638400xi32, #tpu.memory_space<hbm>> -> memref<256xi32, #tpu.memory_space<hbm>>
    %dma_wait3A_142 = tpu.memref_slice %arg3[%mul3A_98] : memref<1638400xi32, #tpu.memory_space<hbm>> -> memref<256xi32, #tpu.memory_space<hbm>>
    tpu.wait_dma2 semaphore(%arg29 : memref<!tpu.dma_semaphore, #tpu.memory_space<semaphore_mem>>) src(%dma_wait3A_142 : memref<256xi32, #tpu.memory_space<hbm>>) dst(%arg12 : memref<256xi32, #tpu.memory_space<vmem>>)
    %dma_wait3A_143 = tpu.memref_slice %arg4[%mul3A_98] : memref<1638400xi32, #tpu.memory_space<hbm>> -> memref<256xi32, #tpu.memory_space<hbm>>
    %dma_wait3A_144 = tpu.memref_slice %arg4[%mul3A_98] : memref<1638400xi32, #tpu.memory_space<hbm>> -> memref<256xi32, #tpu.memory_space<hbm>>
    tpu.wait_dma2 semaphore(%arg29 : memref<!tpu.dma_semaphore, #tpu.memory_space<semaphore_mem>>) src(%dma_wait3A_144 : memref<256xi32, #tpu.memory_space<hbm>>) dst(%arg16 : memref<256xi32, #tpu.memory_space<vmem>>)
    %barrier3A_145 = arith.constant 0 : index
    tpu.barrier barrier_id(%barrier3A_145)
    "tpu.region"() ({
      %run_scoped3A_146 = tpu.sem_alloc : memref<!tpu.dma_semaphore, #tpu.memory_space<semaphore_mem>>
      %dma_start3A_147 = arith.constant 0 : i32
      %dma_start3A_148 = tpu.memref_slice %arg7[%arg0, %mul3A_0, %dma_start3A_147] : memref<2x102400x16xf32, #tpu.memory_space<hbm>> -> memref<1x6400x16xf32, #tpu.memory_space<hbm>>
      %dma_start3A_149 = tpu.memref_squeeze %dma_start3A_148 : memref<1x6400x16xf32, #tpu.memory_space<hbm>> -> memref<6400x16xf32, #tpu.memory_space<hbm>>
      %dma_start3A_150 = arith.constant 0 : i32
      %dma_start3A_151 = tpu.memref_slice %arg9[%mul3A_0, %dma_start3A_150] : memref<102400x16xf32, #tpu.memory_space<vmem_shared>> -> memref<6400x16xf32, #tpu.memory_space<vmem_shared>>
      tpu.enqueue_dma source(%dma_start3A_151 : memref<6400x16xf32, #tpu.memory_space<vmem_shared>>) target(%dma_start3A_149 : memref<6400x16xf32, #tpu.memory_space<hbm>>) target_semaphore(%run_scoped3A_146 : memref<!tpu.dma_semaphore, #tpu.memory_space<semaphore_mem>>)
      %dma_wait3A_152 = arith.constant 0 : i32
      %dma_wait3A_153 = tpu.memref_slice %arg7[%arg0, %mul3A_0, %dma_wait3A_152] : memref<2x102400x16xf32, #tpu.memory_space<hbm>> -> memref<1x6400x16xf32, #tpu.memory_space<hbm>>
      %dma_wait3A_154 = tpu.memref_squeeze %dma_wait3A_153 : memref<1x6400x16xf32, #tpu.memory_space<hbm>> -> memref<6400x16xf32, #tpu.memory_space<hbm>>
      %dma_wait3A_155 = arith.constant 0 : i32
      %dma_wait3A_156 = tpu.memref_slice %arg9[%mul3A_0, %dma_wait3A_155] : memref<102400x16xf32, #tpu.memory_space<vmem_shared>> -> memref<6400x16xf32, #tpu.memory_space<vmem_shared>>
      tpu.wait_dma2 semaphore(%run_scoped3A_146 : memref<!tpu.dma_semaphore, #tpu.memory_space<semaphore_mem>>) src(%dma_wait3A_156 : memref<6400x16xf32, #tpu.memory_space<vmem_shared>>) dst(%dma_wait3A_154 : memref<6400x16xf32, #tpu.memory_space<hbm>>)
      tpu.yield
    }) : () -> ()
    %run_scoped3A = arith.constant 0 : i32
    "tpu.region"() ({
      %run_scoped3A_146 = tpu.sem_alloc : memref<!tpu.dma_semaphore, #tpu.memory_space<semaphore_mem>>
      %dma_start3A_147 = tpu.memref_slice %arg8[%arg0, %run_scoped3A, %mul3A_0] : memref<2x1x102400xf32, #tpu.memory_space<hbm>> -> memref<1x1x6400xf32, #tpu.memory_space<hbm>>
      %dma_start3A_148 = tpu.memref_squeeze %dma_start3A_147 : memref<1x1x6400xf32, #tpu.memory_space<hbm>> -> memref<6400xf32, #tpu.memory_space<hbm>>
      %dma_start3A_149 = tpu.memref_slice %arg10[%mul3A_0] : memref<102400xf32, #tpu.memory_space<vmem_shared>> -> memref<6400xf32, #tpu.memory_space<vmem_shared>>
      tpu.enqueue_dma source(%dma_start3A_149 : memref<6400xf32, #tpu.memory_space<vmem_shared>>) target(%dma_start3A_148 : memref<6400xf32, #tpu.memory_space<hbm>>) target_semaphore(%run_scoped3A_146 : memref<!tpu.dma_semaphore, #tpu.memory_space<semaphore_mem>>)
      %dma_wait3A_150 = tpu.memref_slice %arg8[%arg0, %run_scoped3A, %mul3A_0] : memref<2x1x102400xf32, #tpu.memory_space<hbm>> -> memref<1x1x6400xf32, #tpu.memory_space<hbm>>
      %dma_wait3A_151 = tpu.memref_squeeze %dma_wait3A_150 : memref<1x1x6400xf32, #tpu.memory_space<hbm>> -> memref<6400xf32, #tpu.memory_space<hbm>>
      %dma_wait3A_152 = tpu.memref_slice %arg10[%mul3A_0] : memref<102400xf32, #tpu.memory_space<vmem_shared>> -> memref<6400xf32, #tpu.memory_space<vmem_shared>>
      tpu.wait_dma2 semaphore(%run_scoped3A_146 : memref<!tpu.dma_semaphore, #tpu.memory_space<semaphore_mem>>) src(%dma_wait3A_152 : memref<6400xf32, #tpu.memory_space<vmem_shared>>) dst(%dma_wait3A_151 : memref<6400xf32, #tpu.memory_space<hbm>>)
      tpu.yield
    }) : () -> ()
    return
  }
}

module attributes {stable_mosaic.version = 14 : i64} {
  func.func @_gidx_body(%arg0: i32, %arg1: memref<1600x128xi32, #tpu.memory_space<vmem>>, %arg2: memref<1600x128xi32, #tpu.memory_space<vmem>>, %arg3: memref<1600x128xi32, #tpu.memory_space<vmem>>, %arg4: memref<1600x128xi32, #tpu.memory_space<vmem>>) attributes {dimension_semantics = [#tpu.dimension_semantics<arbitrary>], iteration_bounds = array<i64: 8>, scalar_prefetch = 0 : i64, scratch_operands = 0 : i64, tpu.core_type = #tpu.core_type<tc>, window_params = [{transform_indices = @transform_0, window_bounds = array<i64: 1600, 128>}, {transform_indices = @transform_1, window_bounds = array<i64: 1600, 128>}, {transform_indices = @transform_2, window_bounds = array<i64: 1600, 128>}, {transform_indices = @transform_3, window_bounds = array<i64: 1600, 128>}]} {
    %get3A = arith.constant 0 : index
    %get3A_0 = arith.constant 0 : index
    %get3A_1 = vector.load %arg1[%get3A, %get3A_0] : memref<1600x128xi32, #tpu.memory_space<vmem>>, vector<1600x128xi32>
    %mul3A = arith.constant 8 : i32
    %mul3A_2 = vector.broadcast %mul3A : i32 to vector<1600x128xi32>
    %mul3A_3 = arith.muli %get3A_1, %mul3A_2 : vector<1600x128xi32>
    %get3A_4 = arith.constant 0 : index
    %get3A_5 = arith.constant 0 : index
    %get3A_6 = vector.load %arg2[%get3A_4, %get3A_5] : memref<1600x128xi32, #tpu.memory_space<vmem>>, vector<1600x128xi32>
    %add3A = arith.addi %mul3A_3, %get3A_6 : vector<1600x128xi32>
    %swap3A = arith.constant 0 : index
    %swap3A_7 = arith.constant 0 : index
    %swap3A_8 = vector.load %arg3[%swap3A, %swap3A_7] : memref<1600x128xi32, #tpu.memory_space<vmem>>, vector<1600x128xi32>
    tpu.vector_store %arg3[%swap3A, %swap3A_7], %add3A {strides = array<i32>} : memref<1600x128xi32, #tpu.memory_space<vmem>>, vector<1600x128xi32>,
    %get3A_9 = arith.constant 0 : index
    %get3A_10 = arith.constant 0 : index
    %get3A_11 = vector.load %arg2[%get3A_9, %get3A_10] : memref<1600x128xi32, #tpu.memory_space<vmem>>, vector<1600x128xi32>
    %mul3A_12 = arith.constant 102400 : i32
    %mul3A_13 = vector.broadcast %mul3A_12 : i32 to vector<1600x128xi32>
    %mul3A_14 = arith.muli %get3A_11, %mul3A_13 : vector<1600x128xi32>
    %get3A_15 = arith.constant 0 : index
    %get3A_16 = arith.constant 0 : index
    %get3A_17 = vector.load %arg1[%get3A_15, %get3A_16] : memref<1600x128xi32, #tpu.memory_space<vmem>>, vector<1600x128xi32>
    %add3A_18 = arith.addi %mul3A_14, %get3A_17 : vector<1600x128xi32>
    %swap3A_19 = arith.constant 0 : index
    %swap3A_20 = arith.constant 0 : index
    %swap3A_21 = vector.load %arg4[%swap3A_19, %swap3A_20] : memref<1600x128xi32, #tpu.memory_space<vmem>>, vector<1600x128xi32>
    tpu.vector_store %arg4[%swap3A_19, %swap3A_20], %add3A_18 {strides = array<i32>} : memref<1600x128xi32, #tpu.memory_space<vmem>>, vector<1600x128xi32>,
    return
  }
  func.func @transform_0(%arg0: i32) -> (i32, i32) {
    %c0_i32 = arith.constant 0 : i32
    %c0_i32_0 = arith.constant 0 : i32
    return %arg0, %c0_i32 : i32, i32
  }
  func.func @transform_1(%arg0: i32) -> (i32, i32) {
    %c0_i32 = arith.constant 0 : i32
    %c0_i32_0 = arith.constant 0 : i32
    return %arg0, %c0_i32 : i32, i32
  }
  func.func @transform_2(%arg0: i32) -> (i32, i32) {
    %c0_i32 = arith.constant 0 : i32
    %c0_i32_0 = arith.constant 0 : i32
    return %arg0, %c0_i32 : i32, i32
  }
  func.func @transform_3(%arg0: i32) -> (i32, i32) {
    %c0_i32 = arith.constant 0 : i32
    %c0_i32_0 = arith.constant 0 : i32
    return %arg0, %c0_i32 : i32, i32
  }
}

module attributes {stable_mosaic.version = 14 : i64} {
  func.func @_rel_body(%arg0: memref<8x8xf32, #tpu.memory_space<vmem>>, %arg1: memref<64x1xf32, #tpu.memory_space<vmem>>, %arg2: memref<64x1xi32, #tpu.memory_space<vmem>>, %arg3: memref<64x1xi32, #tpu.memory_space<vmem>>, %arg4: memref<8x16xf32, #tpu.memory_space<vmem>>, %arg5: memref<1x16xf32, #tpu.memory_space<vmem>>, %arg6: memref<8x16xf32, #tpu.memory_space<vmem>>) attributes {dimension_semantics = [], scalar_prefetch = 0 : i64, scratch_operands = 0 : i64, tpu.core_type = #tpu.core_type<tc>} {
    %get3A = arith.constant 0 : index
    %get3A_0 = arith.constant 0 : index
    %get3A_1 = vector.load %arg0[%get3A, %get3A_0] : memref<8x8xf32, #tpu.memory_space<vmem>>, vector<8x8xf32>
    %get3A_2 = arith.constant 0 : index
    %get3A_3 = arith.constant 0 : index
    %get3A_4 = vector.load %arg1[%get3A_2, %get3A_3] : memref<64x1xf32, #tpu.memory_space<vmem>>, vector<64x1xf32>
    %iota3A = tpu.iota {dimensions = array<i32: 1>} : vector<64x8xi32>
    %get3A_5 = arith.constant 0 : index
    %get3A_6 = arith.constant 0 : index
    %get3A_7 = vector.load %arg2[%get3A_5, %get3A_6] : memref<64x1xi32, #tpu.memory_space<vmem>>, vector<64x1xi32>
    %eq3A = vector.broadcast %get3A_7 : vector<64x1xi32> to vector<64x8xi32>
    %eq3A_8 = arith.cmpi eq, %eq3A, %iota3A : vector<64x8xi32>
    %convert_element_type3A = arith.extui %eq3A_8 : vector<64x8xi1> to vector<64x8xi32>
    %convert_element_type3A_9 = arith.sitofp %convert_element_type3A : vector<64x8xi32> to vector<64x8xf32>
    %get3A_10 = arith.constant 0 : index
    %get3A_11 = arith.constant 0 : index
    %get3A_12 = vector.load %arg3[%get3A_10, %get3A_11] : memref<64x1xi32, #tpu.memory_space<vmem>>, vector<64x1xi32>
    %eq3A_13 = vector.broadcast %get3A_12 : vector<64x1xi32> to vector<64x8xi32>
    %eq3A_14 = arith.cmpi eq, %eq3A_13, %iota3A : vector<64x8xi32>
    %convert_element_type3A_15 = arith.extui %eq3A_14 : vector<64x8xi1> to vector<64x8xi32>
    %convert_element_type3A_16 = arith.sitofp %convert_element_type3A_15 : vector<64x8xi32> to vector<64x8xf32>
    %broadcast_in_dim3A = arith.constant 1.000000e+00 : f32
    %broadcast_in_dim3A_17 = vector.broadcast %broadcast_in_dim3A : f32 to vector<64x1xf32>
    %dot_general3A = arith.constant dense<0.000000e+00> : vector<8x1xf32>
    %dot_general3A_18 = tpu.matmul %convert_element_type3A_16, %broadcast_in_dim3A_17, %dot_general3A {dimension_numbers = #tpu.dot_dimension_numbers<[0], [0], [1], [1], [0, 1, 1, 1], [], []>, transpose_lhs_hint = false} : vector<64x8xf32>, vector<64x1xf32>, vector<8x1xf32> -> vector<8x1xf32>
    %max3A = arith.constant 1.000000e+00 : f32
    %max3A_19 = vector.broadcast %max3A : f32 to vector<8x1xf32>
    %max3A_20 = arith.maximumf %dot_general3A_18, %max3A_19 : vector<8x1xf32>
    %div3A = arith.constant 1.000000e+00 : f32
    %div3A_21 = vector.broadcast %div3A : f32 to vector<8x1xf32>
    %div3A_22 = arith.divf %div3A_21, %max3A_20 : vector<8x1xf32>
    %dot_general3A_23 = arith.constant dense<0.000000e+00> : vector<64x8xf32>
    %dot_general3A_24 = tpu.matmul %convert_element_type3A_9, %get3A_1, %dot_general3A_23 {dimension_numbers = #tpu.dot_dimension_numbers<[1], [0], [0], [1], [0, 0, 1, 1], [], []>, transpose_lhs_hint = false} : vector<64x8xf32>, vector<8x8xf32>, vector<64x8xf32> -> vector<64x8xf32>
    %mul3A = vector.broadcast %get3A_4 : vector<64x1xf32> to vector<64x8xf32>
    %mul3A_25 = arith.mulf %dot_general3A_24, %mul3A : vector<64x8xf32>
    %dot_general3A_26 = arith.constant dense<0.000000e+00> : vector<8x8xf32>
    %dot_general3A_27 = tpu.matmul %convert_element_type3A_16, %mul3A_25, %dot_general3A_26 {dimension_numbers = #tpu.dot_dimension_numbers<[0], [0], [1], [1], [0, 1, 1, 1], [], []>, transpose_lhs_hint = false} : vector<64x8xf32>, vector<64x8xf32>, vector<8x8xf32> -> vector<8x8xf32>
    %mul3A_28 = vector.broadcast %div3A_22 : vector<8x1xf32> to vector<8x8xf32>
    %mul3A_29 = arith.mulf %dot_general3A_27, %mul3A_28 : vector<8x8xf32>
    %add3A = arith.addf %mul3A_29, %get3A_1 : vector<8x8xf32>
    %max3A_30 = arith.constant 0.000000e+00 : f32
    %max3A_31 = vector.broadcast %max3A_30 : f32 to vector<8x8xf32>
    %max3A_32 = arith.maximumf %add3A, %max3A_31 : vector<8x8xf32>
    %dot_general3A_33 = arith.constant dense<0.000000e+00> : vector<64x8xf32>
    %dot_general3A_34 = tpu.matmul %convert_element_type3A_9, %max3A_32, %dot_general3A_33 {dimension_numbers = #tpu.dot_dimension_numbers<[1], [0], [0], [1], [0, 0, 1, 1], [], []>, transpose_lhs_hint = false} : vector<64x8xf32>, vector<8x8xf32>, vector<64x8xf32> -> vector<64x8xf32>
    %mul3A_35 = vector.broadcast %get3A_4 : vector<64x1xf32> to vector<64x8xf32>
    %mul3A_36 = arith.mulf %dot_general3A_34, %mul3A_35 : vector<64x8xf32>
    %dot_general3A_37 = arith.constant dense<0.000000e+00> : vector<8x8xf32>
    %dot_general3A_38 = tpu.matmul %convert_element_type3A_16, %mul3A_36, %dot_general3A_37 {dimension_numbers = #tpu.dot_dimension_numbers<[0], [0], [1], [1], [0, 1, 1, 1], [], []>, transpose_lhs_hint = false} : vector<64x8xf32>, vector<64x8xf32>, vector<8x8xf32> -> vector<8x8xf32>
    %mul3A_39 = vector.broadcast %div3A_22 : vector<8x1xf32> to vector<8x8xf32>
    %mul3A_40 = arith.mulf %dot_general3A_38, %mul3A_39 : vector<8x8xf32>
    %add3A_41 = arith.addf %mul3A_40, %max3A_32 : vector<8x8xf32>
    %max3A_42 = arith.constant 0.000000e+00 : f32
    %max3A_43 = vector.broadcast %max3A_42 : f32 to vector<8x8xf32>
    %max3A_44 = arith.maximumf %add3A_41, %max3A_43 : vector<8x8xf32>
    %get3A_45 = arith.constant 0 : index
    %get3A_46 = arith.constant 0 : index
    %get3A_47 = vector.load %arg4[%get3A_45, %get3A_46] : memref<8x16xf32, #tpu.memory_space<vmem>>, vector<8x16xf32>
    %dot_general3A_48 = arith.constant dense<0.000000e+00> : vector<8x16xf32>
    %dot_general3A_49 = tpu.matmul %max3A_44, %get3A_47, %dot_general3A_48 {dimension_numbers = #tpu.dot_dimension_numbers<[1], [0], [0], [1], [0, 0, 1, 1], [], []>, transpose_lhs_hint = false} : vector<8x8xf32>, vector<8x16xf32>, vector<8x16xf32> -> vector<8x16xf32>
    %get3A_50 = arith.constant 0 : index
    %get3A_51 = arith.constant 0 : index
    %get3A_52 = vector.load %arg5[%get3A_50, %get3A_51] : memref<1x16xf32, #tpu.memory_space<vmem>>, vector<1x16xf32>
    %add3A_53 = vector.broadcast %get3A_52 : vector<1x16xf32> to vector<8x16xf32>
    %add3A_54 = arith.addf %dot_general3A_49, %add3A_53 : vector<8x16xf32>
    %swap3A = arith.constant 0 : index
    %swap3A_55 = arith.constant 0 : index
    %swap3A_56 = vector.load %arg6[%swap3A, %swap3A_55] : memref<8x16xf32, #tpu.memory_space<vmem>>, vector<8x16xf32>
    tpu.vector_store %arg6[%swap3A, %swap3A_55], %add3A_54 {strides = array<i32>} : memref<8x16xf32, #tpu.memory_space<vmem>>, vector<8x16xf32>,
    return
  }
}

module attributes {stable_mosaic.version = 14 : i64} {
  func.func @_embed_body(%arg0: i32, %arg1: memref<2000x128xf32, #tpu.memory_space<vmem>>, %arg2: memref<128x16xf32, #tpu.memory_space<vmem>>, %arg3: memref<8x16xf32, #tpu.memory_space<vmem>>, %arg4: memref<2000x128xf32, #tpu.memory_space<vmem>>) attributes {dimension_semantics = [#tpu.dimension_semantics<arbitrary>], iteration_bounds = array<i64: 50>, scalar_prefetch = 0 : i64, scratch_operands = 0 : i64, tpu.core_type = #tpu.core_type<tc>, window_params = [{transform_indices = @transform_0, window_bounds = array<i64: 2000, 128>}, {pipeline_mode = #tpu.pipeline_mode<synchronous>, transform_indices = @transform_1, window_bounds = array<i64: 128, 16>}, {pipeline_mode = #tpu.pipeline_mode<synchronous>, transform_indices = @transform_2, window_bounds = array<i64: 8, 16>}, {transform_indices = @transform_3, window_bounds = array<i64: 2000, 128>}]} {
    %get3A = arith.constant 0 : index
    %get3A_0 = arith.constant 0 : index
    %get3A_1 = vector.load %arg2[%get3A, %get3A_0] : memref<128x16xf32, #tpu.memory_space<vmem>>, vector<128x16xf32>
    %get3A_2 = arith.constant 0 : index
    %get3A_3 = arith.constant 0 : index
    %get3A_4 = vector.load %arg3[%get3A_2, %get3A_3] : memref<8x16xf32, #tpu.memory_space<vmem>>, vector<8x16xf32>
    %slice3A = vector.extract_strided_slice %get3A_4 {offsets = [0, 0], sizes = [1, 16], strides = [1, 1]} : vector<8x16xf32> to vector<1x16xf32>
    %squeeze3A = vector.shape_cast %slice3A : vector<1x16xf32> to vector<16xf32>
    %broadcast_in_dim3A = vector.shape_cast %squeeze3A : vector<16xf32> to vector<1x16xf32>
    %mul3A = vector.broadcast %broadcast_in_dim3A : vector<1x16xf32> to vector<128x16xf32>
    %mul3A_5 = arith.mulf %get3A_1, %mul3A : vector<128x16xf32>
    %slice3A_6 = vector.extract_strided_slice %get3A_4 {offsets = [1, 0], sizes = [1, 16], strides = [1, 1]} : vector<8x16xf32> to vector<1x16xf32>
    %squeeze3A_7 = vector.shape_cast %slice3A_6 : vector<1x16xf32> to vector<16xf32>
    %broadcast_in_dim3A_8 = vector.shape_cast %squeeze3A_7 : vector<16xf32> to vector<1x16xf32>
    %mul3A_9 = vector.broadcast %broadcast_in_dim3A_8 : vector<1x16xf32> to vector<128x16xf32>
    %mul3A_10 = arith.mulf %get3A_1, %mul3A_9 : vector<128x16xf32>
    %slice3A_11 = vector.extract_strided_slice %get3A_4 {offsets = [2, 0], sizes = [1, 16], strides = [1, 1]} : vector<8x16xf32> to vector<1x16xf32>
    %squeeze3A_12 = vector.shape_cast %slice3A_11 : vector<1x16xf32> to vector<16xf32>
    %broadcast_in_dim3A_13 = vector.shape_cast %squeeze3A_12 : vector<16xf32> to vector<1x16xf32>
    %mul3A_14 = vector.broadcast %broadcast_in_dim3A_13 : vector<1x16xf32> to vector<128x16xf32>
    %mul3A_15 = arith.mulf %get3A_1, %mul3A_14 : vector<128x16xf32>
    %slice3A_16 = vector.extract_strided_slice %get3A_4 {offsets = [3, 0], sizes = [1, 16], strides = [1, 1]} : vector<8x16xf32> to vector<1x16xf32>
    %squeeze3A_17 = vector.shape_cast %slice3A_16 : vector<1x16xf32> to vector<16xf32>
    %broadcast_in_dim3A_18 = vector.shape_cast %squeeze3A_17 : vector<16xf32> to vector<1x16xf32>
    %mul3A_19 = vector.broadcast %broadcast_in_dim3A_18 : vector<1x16xf32> to vector<128x16xf32>
    %mul3A_20 = arith.mulf %get3A_1, %mul3A_19 : vector<128x16xf32>
    %slice3A_21 = vector.extract_strided_slice %get3A_4 {offsets = [4, 0], sizes = [1, 16], strides = [1, 1]} : vector<8x16xf32> to vector<1x16xf32>
    %squeeze3A_22 = vector.shape_cast %slice3A_21 : vector<1x16xf32> to vector<16xf32>
    %broadcast_in_dim3A_23 = vector.shape_cast %squeeze3A_22 : vector<16xf32> to vector<1x16xf32>
    %mul3A_24 = vector.broadcast %broadcast_in_dim3A_23 : vector<1x16xf32> to vector<128x16xf32>
    %mul3A_25 = arith.mulf %get3A_1, %mul3A_24 : vector<128x16xf32>
    %slice3A_26 = vector.extract_strided_slice %get3A_4 {offsets = [5, 0], sizes = [1, 16], strides = [1, 1]} : vector<8x16xf32> to vector<1x16xf32>
    %squeeze3A_27 = vector.shape_cast %slice3A_26 : vector<1x16xf32> to vector<16xf32>
    %broadcast_in_dim3A_28 = vector.shape_cast %squeeze3A_27 : vector<16xf32> to vector<1x16xf32>
    %mul3A_29 = vector.broadcast %broadcast_in_dim3A_28 : vector<1x16xf32> to vector<128x16xf32>
    %mul3A_30 = arith.mulf %get3A_1, %mul3A_29 : vector<128x16xf32>
    %slice3A_31 = vector.extract_strided_slice %get3A_4 {offsets = [6, 0], sizes = [1, 16], strides = [1, 1]} : vector<8x16xf32> to vector<1x16xf32>
    %squeeze3A_32 = vector.shape_cast %slice3A_31 : vector<1x16xf32> to vector<16xf32>
    %broadcast_in_dim3A_33 = vector.shape_cast %squeeze3A_32 : vector<16xf32> to vector<1x16xf32>
    %mul3A_34 = vector.broadcast %broadcast_in_dim3A_33 : vector<1x16xf32> to vector<128x16xf32>
    %mul3A_35 = arith.mulf %get3A_1, %mul3A_34 : vector<128x16xf32>
    %slice3A_36 = vector.extract_strided_slice %get3A_4 {offsets = [7, 0], sizes = [1, 16], strides = [1, 1]} : vector<8x16xf32> to vector<1x16xf32>
    %squeeze3A_37 = vector.shape_cast %slice3A_36 : vector<1x16xf32> to vector<16xf32>
    %broadcast_in_dim3A_38 = vector.shape_cast %squeeze3A_37 : vector<16xf32> to vector<1x16xf32>
    %mul3A_39 = vector.broadcast %broadcast_in_dim3A_38 : vector<1x16xf32> to vector<128x16xf32>
    %mul3A_40 = arith.mulf %get3A_1, %mul3A_39 : vector<128x16xf32>
    %concatenate3A = tpu.concatenate %mul3A_5, %mul3A_10, %mul3A_15, %mul3A_20, %mul3A_25, %mul3A_30, %mul3A_35, %mul3A_40 in 1 : vector<128x16xf32>, vector<128x16xf32>, vector<128x16xf32>, vector<128x16xf32>, vector<128x16xf32>, vector<128x16xf32>, vector<128x16xf32>, vector<128x16xf32> -> vector<128x128xf32>
    %get3A_41 = arith.constant 0 : index
    %get3A_42 = arith.constant 0 : index
    %get3A_43 = vector.load %arg1[%get3A_41, %get3A_42] : memref<2000x128xf32, #tpu.memory_space<vmem>>, vector<2000x128xf32>
    %dot_general3A = arith.constant dense<0.000000e+00> : vector<2000x128xf32>
    %dot_general3A_44 = tpu.matmul %get3A_43, %concatenate3A, %dot_general3A {dimension_numbers = #tpu.dot_dimension_numbers<[1], [0], [0], [1], [0, 0, 1, 1], [], []>, transpose_lhs_hint = false} : vector<2000x128xf32>, vector<128x128xf32>, vector<2000x128xf32> -> vector<2000x128xf32>
    %swap3A = arith.constant 0 : index
    %swap3A_45 = arith.constant 0 : index
    %swap3A_46 = vector.load %arg4[%swap3A, %swap3A_45] : memref<2000x128xf32, #tpu.memory_space<vmem>>, vector<2000x128xf32>
    tpu.vector_store %arg4[%swap3A, %swap3A_45], %dot_general3A_44 {strides = array<i32>} : memref<2000x128xf32, #tpu.memory_space<vmem>>, vector<2000x128xf32>,
    return
  }
  func.func @transform_0(%arg0: i32) -> (i32, i32) {
    %c0_i32 = arith.constant 0 : i32
    %c0_i32_0 = arith.constant 0 : i32
    return %arg0, %c0_i32 : i32, i32
  }
  func.func @transform_1(%arg0: i32) -> (i32, i32) {
    %c0_i32 = arith.constant 0 : i32
    %c0_i32_0 = arith.constant 0 : i32
    %c0_i32_1 = arith.constant 0 : i32
    return %c0_i32, %c0_i32_0 : i32, i32
  }
  func.func @transform_2(%arg0: i32) -> (i32, i32) {
    %c0_i32 = arith.constant 0 : i32
    %c0_i32_0 = arith.constant 0 : i32
    %c0_i32_1 = arith.constant 0 : i32
    return %c0_i32, %c0_i32_0 : i32, i32
  }
  func.func @transform_3(%arg0: i32) -> (i32, i32) {
    %c0_i32 = arith.constant 0 : i32
    %c0_i32_0 = arith.constant 0 : i32
    return %arg0, %c0_i32 : i32, i32
  }
}

module attributes {stable_mosaic.version = 14 : i64} {
  func.func @_epi1_body(%arg0: i32, %arg1: memref<2x1280x128xf32, #tpu.memory_space<vmem>>, %arg2: memref<2x1280x8xf32, #tpu.memory_space<vmem>>, %arg3: memref<1x16xf32, #tpu.memory_space<vmem>>, %arg4: memref<8x16xf32, #tpu.memory_space<vmem>>, %arg5: memref<8x1280x128xf32, #tpu.memory_space<vmem>>) attributes {dimension_semantics = [#tpu.dimension_semantics<arbitrary>], iteration_bounds = array<i64: 10>, scalar_prefetch = 0 : i64, scratch_operands = 0 : i64, tpu.core_type = #tpu.core_type<tc>, window_params = [{transform_indices = @transform_0, window_bounds = array<i64: 2, 1280, 128>}, {transform_indices = @transform_1, window_bounds = array<i64: 2, 1280, 8>}, {pipeline_mode = #tpu.pipeline_mode<synchronous>, transform_indices = @transform_2, window_bounds = array<i64: 1, 16>}, {pipeline_mode = #tpu.pipeline_mode<synchronous>, transform_indices = @transform_3, window_bounds = array<i64: 8, 16>}, {transform_indices = @transform_4, window_bounds = array<i64: 8, 1280, 128>}]} {
    %get3A = arith.constant 0 : index
    %get3A_0 = arith.constant 0 : index
    %get3A_1 = arith.constant 0 : index
    %get3A_2 = vector.load %arg1[%get3A, %get3A_0, %get3A_1] : memref<2x1280x128xf32, #tpu.memory_space<vmem>>, vector<1x1280x128xf32>
    %get3A_3 = vector.shape_cast %get3A_2 : vector<1x1280x128xf32> to vector<1280x128xf32>
    %get3A_4 = arith.constant 1 : index
    %get3A_5 = arith.constant 0 : index
    %get3A_6 = arith.constant 0 : index
    %get3A_7 = vector.load %arg1[%get3A_4, %get3A_5, %get3A_6] : memref<2x1280x128xf32, #tpu.memory_space<vmem>>, vector<1x1280x128xf32>
    %get3A_8 = vector.shape_cast %get3A_7 : vector<1x1280x128xf32> to vector<1280x128xf32>
    %add3A = arith.addf %get3A_3, %get3A_8 : vector<1280x128xf32>
    %get3A_9 = arith.constant 0 : index
    %get3A_10 = arith.constant 0 : index
    %get3A_11 = arith.constant 0 : index
    %get3A_12 = vector.load %arg2[%get3A_9, %get3A_10, %get3A_11] : memref<2x1280x8xf32, #tpu.memory_space<vmem>>, vector<1x1280x8xf32>
    %get3A_13 = vector.shape_cast %get3A_12 : vector<1x1280x8xf32> to vector<1280x8xf32>
    %get3A_14 = arith.constant 1 : index
    %get3A_15 = arith.constant 0 : index
    %get3A_16 = arith.constant 0 : index
    %get3A_17 = vector.load %arg2[%get3A_14, %get3A_15, %get3A_16] : memref<2x1280x8xf32, #tpu.memory_space<vmem>>, vector<1x1280x8xf32>
    %get3A_18 = vector.shape_cast %get3A_17 : vector<1x1280x8xf32> to vector<1280x8xf32>
    %add3A_19 = arith.addf %get3A_13, %get3A_18 : vector<1280x8xf32>
    %iota3A = tpu.iota {dimensions = array<i32: 0>} : vector<8x128xi32>
    %iota3A_20 = tpu.iota {dimensions = array<i32: 1>} : vector<8x128xi32>
    %jit3A = arith.constant 16 : i32
    %div3A = vector.broadcast %jit3A : i32 to vector<8x128xi32>
    %div3A_21 = arith.divsi %iota3A_20, %div3A : vector<8x128xi32>
    %sign3A = arith.constant 0 : i32
    %sign3A_22 = vector.broadcast %sign3A : i32 to vector<8x128xi32>
    %sign3A_23 = arith.cmpi sgt, %iota3A_20, %sign3A_22 : vector<8x128xi32>
    %sign3A_24 = arith.extui %sign3A_23 : vector<8x128xi1> to vector<8x128xi32>
    %sign3A_25 = arith.constant 0 : i32
    %sign3A_26 = vector.broadcast %sign3A_25 : i32 to vector<8x128xi32>
    %sign3A_27 = arith.cmpi slt, %iota3A_20, %sign3A_26 : vector<8x128xi32>
    %sign3A_28 = arith.extui %sign3A_27 : vector<8x128xi1> to vector<8x128xi32>
    %sign3A_29 = arith.subi %sign3A_24, %sign3A_28 : vector<8x128xi32>
    %sign3A_30 = arith.constant 0 : i32
    %sign3A_31 = arith.cmpi sgt, %jit3A, %sign3A_30 : i32
    %sign3A_32 = arith.extui %sign3A_31 : i1 to i32
    %sign3A_33 = arith.constant 0 : i32
    %sign3A_34 = arith.cmpi slt, %jit3A, %sign3A_33 : i32
    %sign3A_35 = arith.extui %sign3A_34 : i1 to i32
    %sign3A_36 = arith.subi %sign3A_32, %sign3A_35 : i32
    %ne3A = vector.broadcast %sign3A_36 : i32 to vector<8x128xi32>
    %ne3A_37 = arith.cmpi ne, %sign3A_29, %ne3A : vector<8x128xi32>
    %rem3A = vector.broadcast %jit3A : i32 to vector<8x128xi32>
    %rem3A_38 = arith.remsi %iota3A_20, %rem3A : vector<8x128xi32>
    %ne3A_39 = arith.constant 0 : i32
    %ne3A_40 = vector.broadcast %ne3A_39 : i32 to vector<8x128xi32>
    %ne3A_41 = arith.cmpi ne, %rem3A_38, %ne3A_40 : vector<8x128xi32>
    %and3A = arith.andi %ne3A_37, %ne3A_41 : vector<8x128xi1>
    %sub3A = arith.constant 1 : i32
    %sub3A_42 = vector.broadcast %sub3A : i32 to vector<8x128xi32>
    %sub3A_43 = arith.subi %div3A_21, %sub3A_42 : vector<8x128xi32>
    %select_n3A = arith.select %and3A, %sub3A_43, %div3A_21 : vector<8x128xi1>, vector<8x128xi32>
    %eq3A = arith.cmpi eq, %select_n3A, %iota3A : vector<8x128xi32>
    %convert_element_type3A = arith.extui %eq3A : vector<8x128xi1> to vector<8x128xi32>
    %convert_element_type3A_44 = arith.sitofp %convert_element_type3A : vector<8x128xi32> to vector<8x128xf32>
    %dot_general3A = arith.constant dense<0.000000e+00> : vector<1280x128xf32>
    %dot_general3A_45 = tpu.matmul %add3A_19, %convert_element_type3A_44, %dot_general3A {dimension_numbers = #tpu.dot_dimension_numbers<[1], [0], [0], [1], [0, 0, 1, 1], [], []>, transpose_lhs_hint = false} : vector<1280x8xf32>, vector<8x128xf32>, vector<1280x128xf32> -> vector<1280x128xf32>
    %get3A_46 = arith.constant 0 : index
    %get3A_47 = arith.constant 0 : index
    %get3A_48 = vector.load %arg3[%get3A_46, %get3A_47] : memref<1x16xf32, #tpu.memory_space<vmem>>, vector<1x16xf32>
    %concatenate3A = tpu.concatenate %get3A_48, %get3A_48, %get3A_48, %get3A_48, %get3A_48, %get3A_48, %get3A_48, %get3A_48 in 1 : vector<1x16xf32>, vector<1x16xf32>, vector<1x16xf32>, vector<1x16xf32>, vector<1x16xf32>, vector<1x16xf32>, vector<1x16xf32>, vector<1x16xf32> -> vector<1x128xf32>
    %max3A = arith.constant 1.000000e+00 : f32
    %max3A_49 = vector.broadcast %max3A : f32 to vector<1280x128xf32>
    %max3A_50 = arith.maximumf %dot_general3A_45, %max3A_49 : vector<1280x128xf32>
    %div3A_51 = arith.divf %add3A, %max3A_50 : vector<1280x128xf32>
    %add3A_52 = vector.broadcast %concatenate3A : vector<1x128xf32> to vector<1280x128xf32>
    %add3A_53 = arith.addf %div3A_51, %add3A_52 : vector<1280x128xf32>
    %tanh3A = math.tanh %add3A_53 : vector<1280x128xf32>
    %get3A_54 = arith.constant 0 : index
    %get3A_55 = arith.constant 0 : index
    %get3A_56 = vector.load %arg4[%get3A_54, %get3A_55] : memref<8x16xf32, #tpu.memory_space<vmem>>, vector<8x16xf32>
    %slice3A = vector.extract_strided_slice %get3A_56 {offsets = [0, 0], sizes = [1, 16], strides = [1, 1]} : vector<8x16xf32> to vector<1x16xf32>
    %squeeze3A = vector.shape_cast %slice3A : vector<1x16xf32> to vector<16xf32>
    %broadcast_in_dim3A = vector.shape_cast %squeeze3A : vector<16xf32> to vector<1x16xf32>
    %concatenate3A_57 = tpu.concatenate %broadcast_in_dim3A, %broadcast_in_dim3A, %broadcast_in_dim3A, %broadcast_in_dim3A, %broadcast_in_dim3A, %broadcast_in_dim3A, %broadcast_in_dim3A, %broadcast_in_dim3A in 1 : vector<1x16xf32>, vector<1x16xf32>, vector<1x16xf32>, vector<1x16xf32>, vector<1x16xf32>, vector<1x16xf32>, vector<1x16xf32>, vector<1x16xf32> -> vector<1x128xf32>
    %mul3A = vector.broadcast %concatenate3A_57 : vector<1x128xf32> to vector<1280x128xf32>
    %mul3A_58 = arith.mulf %tanh3A, %mul3A : vector<1280x128xf32>
    %swap3A = arith.constant 0 : index
    %swap3A_59 = arith.constant 0 : index
    %swap3A_60 = arith.constant 0 : index
    %swap3A_61 = vector.load %arg5[%swap3A, %swap3A_59, %swap3A_60] : memref<8x1280x128xf32, #tpu.memory_space<vmem>>, vector<1x1280x128xf32>
    %swap3A_62 = vector.shape_cast %swap3A_61 : vector<1x1280x128xf32> to vector<1280x128xf32>
    %swap3A_63 = vector.shape_cast %mul3A_58 : vector<1280x128xf32> to vector<1x1280x128xf32>
    tpu.vector_store %arg5[%swap3A, %swap3A_59, %swap3A_60], %swap3A_63 {strides = array<i32>} : memref<8x1280x128xf32, #tpu.memory_space<vmem>>, vector<1x1280x128xf32>,
    %slice3A_64 = vector.extract_strided_slice %get3A_56 {offsets = [1, 0], sizes = [1, 16], strides = [1, 1]} : vector<8x16xf32> to vector<1x16xf32>
    %squeeze3A_65 = vector.shape_cast %slice3A_64 : vector<1x16xf32> to vector<16xf32>
    %broadcast_in_dim3A_66 = vector.shape_cast %squeeze3A_65 : vector<16xf32> to vector<1x16xf32>
    %concatenate3A_67 = tpu.concatenate %broadcast_in_dim3A_66, %broadcast_in_dim3A_66, %broadcast_in_dim3A_66, %broadcast_in_dim3A_66, %broadcast_in_dim3A_66, %broadcast_in_dim3A_66, %broadcast_in_dim3A_66, %broadcast_in_dim3A_66 in 1 : vector<1x16xf32>, vector<1x16xf32>, vector<1x16xf32>, vector<1x16xf32>, vector<1x16xf32>, vector<1x16xf32>, vector<1x16xf32>, vector<1x16xf32> -> vector<1x128xf32>
    %mul3A_68 = vector.broadcast %concatenate3A_67 : vector<1x128xf32> to vector<1280x128xf32>
    %mul3A_69 = arith.mulf %tanh3A, %mul3A_68 : vector<1280x128xf32>
    %swap3A_70 = arith.constant 1 : index
    %swap3A_71 = arith.constant 0 : index
    %swap3A_72 = arith.constant 0 : index
    %swap3A_73 = vector.load %arg5[%swap3A_70, %swap3A_71, %swap3A_72] : memref<8x1280x128xf32, #tpu.memory_space<vmem>>, vector<1x1280x128xf32>
    %swap3A_74 = vector.shape_cast %swap3A_73 : vector<1x1280x128xf32> to vector<1280x128xf32>
    %swap3A_75 = vector.shape_cast %mul3A_69 : vector<1280x128xf32> to vector<1x1280x128xf32>
    tpu.vector_store %arg5[%swap3A_70, %swap3A_71, %swap3A_72], %swap3A_75 {strides = array<i32>} : memref<8x1280x128xf32, #tpu.memory_space<vmem>>, vector<1x1280x128xf32>,
    %slice3A_76 = vector.extract_strided_slice %get3A_56 {offsets = [2, 0], sizes = [1, 16], strides = [1, 1]} : vector<8x16xf32> to vector<1x16xf32>
    %squeeze3A_77 = vector.shape_cast %slice3A_76 : vector<1x16xf32> to vector<16xf32>
    %broadcast_in_dim3A_78 = vector.shape_cast %squeeze3A_77 : vector<16xf32> to vector<1x16xf32>
    %concatenate3A_79 = tpu.concatenate %broadcast_in_dim3A_78, %broadcast_in_dim3A_78, %broadcast_in_dim3A_78, %broadcast_in_dim3A_78, %broadcast_in_dim3A_78, %broadcast_in_dim3A_78, %broadcast_in_dim3A_78, %broadcast_in_dim3A_78 in 1 : vector<1x16xf32>, vector<1x16xf32>, vector<1x16xf32>, vector<1x16xf32>, vector<1x16xf32>, vector<1x16xf32>, vector<1x16xf32>, vector<1x16xf32> -> vector<1x128xf32>
    %mul3A_80 = vector.broadcast %concatenate3A_79 : vector<1x128xf32> to vector<1280x128xf32>
    %mul3A_81 = arith.mulf %tanh3A, %mul3A_80 : vector<1280x128xf32>
    %swap3A_82 = arith.constant 2 : index
    %swap3A_83 = arith.constant 0 : index
    %swap3A_84 = arith.constant 0 : index
    %swap3A_85 = vector.load %arg5[%swap3A_82, %swap3A_83, %swap3A_84] : memref<8x1280x128xf32, #tpu.memory_space<vmem>>, vector<1x1280x128xf32>
    %swap3A_86 = vector.shape_cast %swap3A_85 : vector<1x1280x128xf32> to vector<1280x128xf32>
    %swap3A_87 = vector.shape_cast %mul3A_81 : vector<1280x128xf32> to vector<1x1280x128xf32>
    tpu.vector_store %arg5[%swap3A_82, %swap3A_83, %swap3A_84], %swap3A_87 {strides = array<i32>} : memref<8x1280x128xf32, #tpu.memory_space<vmem>>, vector<1x1280x128xf32>,
    %slice3A_88 = vector.extract_strided_slice %get3A_56 {offsets = [3, 0], sizes = [1, 16], strides = [1, 1]} : vector<8x16xf32> to vector<1x16xf32>
    %squeeze3A_89 = vector.shape_cast %slice3A_88 : vector<1x16xf32> to vector<16xf32>
    %broadcast_in_dim3A_90 = vector.shape_cast %squeeze3A_89 : vector<16xf32> to vector<1x16xf32>
    %concatenate3A_91 = tpu.concatenate %broadcast_in_dim3A_90, %broadcast_in_dim3A_90, %broadcast_in_dim3A_90, %broadcast_in_dim3A_90, %broadcast_in_dim3A_90, %broadcast_in_dim3A_90, %broadcast_in_dim3A_90, %broadcast_in_dim3A_90 in 1 : vector<1x16xf32>, vector<1x16xf32>, vector<1x16xf32>, vector<1x16xf32>, vector<1x16xf32>, vector<1x16xf32>, vector<1x16xf32>, vector<1x16xf32> -> vector<1x128xf32>
    %mul3A_92 = vector.broadcast %concatenate3A_91 : vector<1x128xf32> to vector<1280x128xf32>
    %mul3A_93 = arith.mulf %tanh3A, %mul3A_92 : vector<1280x128xf32>
    %swap3A_94 = arith.constant 3 : index
    %swap3A_95 = arith.constant 0 : index
    %swap3A_96 = arith.constant 0 : index
    %swap3A_97 = vector.load %arg5[%swap3A_94, %swap3A_95, %swap3A_96] : memref<8x1280x128xf32, #tpu.memory_space<vmem>>, vector<1x1280x128xf32>
    %swap3A_98 = vector.shape_cast %swap3A_97 : vector<1x1280x128xf32> to vector<1280x128xf32>
    %swap3A_99 = vector.shape_cast %mul3A_93 : vector<1280x128xf32> to vector<1x1280x128xf32>
    tpu.vector_store %arg5[%swap3A_94, %swap3A_95, %swap3A_96], %swap3A_99 {strides = array<i32>} : memref<8x1280x128xf32, #tpu.memory_space<vmem>>, vector<1x1280x128xf32>,
    %slice3A_100 = vector.extract_strided_slice %get3A_56 {offsets = [4, 0], sizes = [1, 16], strides = [1, 1]} : vector<8x16xf32> to vector<1x16xf32>
    %squeeze3A_101 = vector.shape_cast %slice3A_100 : vector<1x16xf32> to vector<16xf32>
    %broadcast_in_dim3A_102 = vector.shape_cast %squeeze3A_101 : vector<16xf32> to vector<1x16xf32>
    %concatenate3A_103 = tpu.concatenate %broadcast_in_dim3A_102, %broadcast_in_dim3A_102, %broadcast_in_dim3A_102, %broadcast_in_dim3A_102, %broadcast_in_dim3A_102, %broadcast_in_dim3A_102, %broadcast_in_dim3A_102, %broadcast_in_dim3A_102 in 1 : vector<1x16xf32>, vector<1x16xf32>, vector<1x16xf32>, vector<1x16xf32>, vector<1x16xf32>, vector<1x16xf32>, vector<1x16xf32>, vector<1x16xf32> -> vector<1x128xf32>
    %mul3A_104 = vector.broadcast %concatenate3A_103 : vector<1x128xf32> to vector<1280x128xf32>
    %mul3A_105 = arith.mulf %tanh3A, %mul3A_104 : vector<1280x128xf32>
    %swap3A_106 = arith.constant 4 : index
    %swap3A_107 = arith.constant 0 : index
    %swap3A_108 = arith.constant 0 : index
    %swap3A_109 = vector.load %arg5[%swap3A_106, %swap3A_107, %swap3A_108] : memref<8x1280x128xf32, #tpu.memory_space<vmem>>, vector<1x1280x128xf32>
    %swap3A_110 = vector.shape_cast %swap3A_109 : vector<1x1280x128xf32> to vector<1280x128xf32>
    %swap3A_111 = vector.shape_cast %mul3A_105 : vector<1280x128xf32> to vector<1x1280x128xf32>
    tpu.vector_store %arg5[%swap3A_106, %swap3A_107, %swap3A_108], %swap3A_111 {strides = array<i32>} : memref<8x1280x128xf32, #tpu.memory_space<vmem>>, vector<1x1280x128xf32>,
    %slice3A_112 = vector.extract_strided_slice %get3A_56 {offsets = [5, 0], sizes = [1, 16], strides = [1, 1]} : vector<8x16xf32> to vector<1x16xf32>
    %squeeze3A_113 = vector.shape_cast %slice3A_112 : vector<1x16xf32> to vector<16xf32>
    %broadcast_in_dim3A_114 = vector.shape_cast %squeeze3A_113 : vector<16xf32> to vector<1x16xf32>
    %concatenate3A_115 = tpu.concatenate %broadcast_in_dim3A_114, %broadcast_in_dim3A_114, %broadcast_in_dim3A_114, %broadcast_in_dim3A_114, %broadcast_in_dim3A_114, %broadcast_in_dim3A_114, %broadcast_in_dim3A_114, %broadcast_in_dim3A_114 in 1 : vector<1x16xf32>, vector<1x16xf32>, vector<1x16xf32>, vector<1x16xf32>, vector<1x16xf32>, vector<1x16xf32>, vector<1x16xf32>, vector<1x16xf32> -> vector<1x128xf32>
    %mul3A_116 = vector.broadcast %concatenate3A_115 : vector<1x128xf32> to vector<1280x128xf32>
    %mul3A_117 = arith.mulf %tanh3A, %mul3A_116 : vector<1280x128xf32>
    %swap3A_118 = arith.constant 5 : index
    %swap3A_119 = arith.constant 0 : index
    %swap3A_120 = arith.constant 0 : index
    %swap3A_121 = vector.load %arg5[%swap3A_118, %swap3A_119, %swap3A_120] : memref<8x1280x128xf32, #tpu.memory_space<vmem>>, vector<1x1280x128xf32>
    %swap3A_122 = vector.shape_cast %swap3A_121 : vector<1x1280x128xf32> to vector<1280x128xf32>
    %swap3A_123 = vector.shape_cast %mul3A_117 : vector<1280x128xf32> to vector<1x1280x128xf32>
    tpu.vector_store %arg5[%swap3A_118, %swap3A_119, %swap3A_120], %swap3A_123 {strides = array<i32>} : memref<8x1280x128xf32, #tpu.memory_space<vmem>>, vector<1x1280x128xf32>,
    %slice3A_124 = vector.extract_strided_slice %get3A_56 {offsets = [6, 0], sizes = [1, 16], strides = [1, 1]} : vector<8x16xf32> to vector<1x16xf32>
    %squeeze3A_125 = vector.shape_cast %slice3A_124 : vector<1x16xf32> to vector<16xf32>
    %broadcast_in_dim3A_126 = vector.shape_cast %squeeze3A_125 : vector<16xf32> to vector<1x16xf32>
    %concatenate3A_127 = tpu.concatenate %broadcast_in_dim3A_126, %broadcast_in_dim3A_126, %broadcast_in_dim3A_126, %broadcast_in_dim3A_126, %broadcast_in_dim3A_126, %broadcast_in_dim3A_126, %broadcast_in_dim3A_126, %broadcast_in_dim3A_126 in 1 : vector<1x16xf32>, vector<1x16xf32>, vector<1x16xf32>, vector<1x16xf32>, vector<1x16xf32>, vector<1x16xf32>, vector<1x16xf32>, vector<1x16xf32> -> vector<1x128xf32>
    %mul3A_128 = vector.broadcast %concatenate3A_127 : vector<1x128xf32> to vector<1280x128xf32>
    %mul3A_129 = arith.mulf %tanh3A, %mul3A_128 : vector<1280x128xf32>
    %swap3A_130 = arith.constant 6 : index
    %swap3A_131 = arith.constant 0 : index
    %swap3A_132 = arith.constant 0 : index
    %swap3A_133 = vector.load %arg5[%swap3A_130, %swap3A_131, %swap3A_132] : memref<8x1280x128xf32, #tpu.memory_space<vmem>>, vector<1x1280x128xf32>
    %swap3A_134 = vector.shape_cast %swap3A_133 : vector<1x1280x128xf32> to vector<1280x128xf32>
    %swap3A_135 = vector.shape_cast %mul3A_129 : vector<1280x128xf32> to vector<1x1280x128xf32>
    tpu.vector_store %arg5[%swap3A_130, %swap3A_131, %swap3A_132], %swap3A_135 {strides = array<i32>} : memref<8x1280x128xf32, #tpu.memory_space<vmem>>, vector<1x1280x128xf32>,
    %slice3A_136 = vector.extract_strided_slice %get3A_56 {offsets = [7, 0], sizes = [1, 16], strides = [1, 1]} : vector<8x16xf32> to vector<1x16xf32>
    %squeeze3A_137 = vector.shape_cast %slice3A_136 : vector<1x16xf32> to vector<16xf32>
    %broadcast_in_dim3A_138 = vector.shape_cast %squeeze3A_137 : vector<16xf32> to vector<1x16xf32>
    %concatenate3A_139 = tpu.concatenate %broadcast_in_dim3A_138, %broadcast_in_dim3A_138, %broadcast_in_dim3A_138, %broadcast_in_dim3A_138, %broadcast_in_dim3A_138, %broadcast_in_dim3A_138, %broadcast_in_dim3A_138, %broadcast_in_dim3A_138 in 1 : vector<1x16xf32>, vector<1x16xf32>, vector<1x16xf32>, vector<1x16xf32>, vector<1x16xf32>, vector<1x16xf32>, vector<1x16xf32>, vector<1x16xf32> -> vector<1x128xf32>
    %mul3A_140 = vector.broadcast %concatenate3A_139 : vector<1x128xf32> to vector<1280x128xf32>
    %mul3A_141 = arith.mulf %tanh3A, %mul3A_140 : vector<1280x128xf32>
    %swap3A_142 = arith.constant 7 : index
    %swap3A_143 = arith.constant 0 : index
    %swap3A_144 = arith.constant 0 : index
    %swap3A_145 = vector.load %arg5[%swap3A_142, %swap3A_143, %swap3A_144] : memref<8x1280x128xf32, #tpu.memory_space<vmem>>, vector<1x1280x128xf32>
    %swap3A_146 = vector.shape_cast %swap3A_145 : vector<1x1280x128xf32> to vector<1280x128xf32>
    %swap3A_147 = vector.shape_cast %mul3A_141 : vector<1280x128xf32> to vector<1x1280x128xf32>
    tpu.vector_store %arg5[%swap3A_142, %swap3A_143, %swap3A_144], %swap3A_147 {strides = array<i32>} : memref<8x1280x128xf32, #tpu.memory_space<vmem>>, vector<1x1280x128xf32>,
    return
  }
  func.func @transform_0(%arg0: i32) -> (i32, i32, i32) {
    %c0_i32 = arith.constant 0 : i32
    %c0_i32_0 = arith.constant 0 : i32
    %c0_i32_1 = arith.constant 0 : i32
    return %c0_i32, %arg0, %c0_i32_0 : i32, i32, i32
  }
  func.func @transform_1(%arg0: i32) -> (i32, i32, i32) {
    %c0_i32 = arith.constant 0 : i32
    %c0_i32_0 = arith.constant 0 : i32
    %c0_i32_1 = arith.constant 0 : i32
    return %c0_i32, %arg0, %c0_i32_0 : i32, i32, i32
  }
  func.func @transform_2(%arg0: i32) -> (i32, i32) {
    %c0_i32 = arith.constant 0 : i32
    %c0_i32_0 = arith.constant 0 : i32
    %c0_i32_1 = arith.constant 0 : i32
    return %c0_i32, %c0_i32_0 : i32, i32
  }
  func.func @transform_3(%arg0: i32) -> (i32, i32) {
    %c0_i32 = arith.constant 0 : i32
    %c0_i32_0 = arith.constant 0 : i32
    %c0_i32_1 = arith.constant 0 : i32
    return %c0_i32, %c0_i32_0 : i32, i32
  }
  func.func @transform_4(%arg0: i32) -> (i32, i32, i32) {
    %c0_i32 = arith.constant 0 : i32
    %c0_i32_0 = arith.constant 0 : i32
    %c0_i32_1 = arith.constant 0 : i32
    return %c0_i32, %arg0, %c0_i32_0 : i32, i32, i32
  }
}

module attributes {stable_mosaic.version = 14 : i64} {
  func.func @_final_body(%arg0: i32, %arg1: memref<2x1280x128xf32, #tpu.memory_space<vmem>>, %arg2: memref<2x1280x8xf32, #tpu.memory_space<vmem>>, %arg3: memref<1x16xf32, #tpu.memory_space<vmem>>, %arg4: memref<16x16xf32, #tpu.memory_space<vmem>>, %arg5: memref<1x16xf32, #tpu.memory_space<vmem>>, %arg6: memref<1280x128xf32, #tpu.memory_space<vmem>>) attributes {dimension_semantics = [#tpu.dimension_semantics<arbitrary>], iteration_bounds = array<i64: 10>, scalar_prefetch = 0 : i64, scratch_operands = 0 : i64, tpu.core_type = #tpu.core_type<tc>, window_params = [{transform_indices = @transform_0, window_bounds = array<i64: 2, 1280, 128>}, {transform_indices = @transform_1, window_bounds = array<i64: 2, 1280, 8>}, {pipeline_mode = #tpu.pipeline_mode<synchronous>, transform_indices = @transform_2, window_bounds = array<i64: 1, 16>}, {pipeline_mode = #tpu.pipeline_mode<synchronous>, transform_indices = @transform_3, window_bounds = array<i64: 16, 16>}, {pipeline_mode = #tpu.pipeline_mode<synchronous>, transform_indices = @transform_4, window_bounds = array<i64: 1, 16>}, {transform_indices = @transform_5, window_bounds = array<i64: 1280, 128>}]} {
    %get3A = arith.constant 0 : index
    %get3A_0 = arith.constant 0 : index
    %get3A_1 = arith.constant 0 : index
    %get3A_2 = vector.load %arg1[%get3A, %get3A_0, %get3A_1] : memref<2x1280x128xf32, #tpu.memory_space<vmem>>, vector<1x1280x128xf32>
    %get3A_3 = vector.shape_cast %get3A_2 : vector<1x1280x128xf32> to vector<1280x128xf32>
    %get3A_4 = arith.constant 1 : index
    %get3A_5 = arith.constant 0 : index
    %get3A_6 = arith.constant 0 : index
    %get3A_7 = vector.load %arg1[%get3A_4, %get3A_5, %get3A_6] : memref<2x1280x128xf32, #tpu.memory_space<vmem>>, vector<1x1280x128xf32>
    %get3A_8 = vector.shape_cast %get3A_7 : vector<1x1280x128xf32> to vector<1280x128xf32>
    %add3A = arith.addf %get3A_3, %get3A_8 : vector<1280x128xf32>
    %get3A_9 = arith.constant 0 : index
    %get3A_10 = arith.constant 0 : index
    %get3A_11 = arith.constant 0 : index
    %get3A_12 = vector.load %arg2[%get3A_9, %get3A_10, %get3A_11] : memref<2x1280x8xf32, #tpu.memory_space<vmem>>, vector<1x1280x8xf32>
    %get3A_13 = vector.shape_cast %get3A_12 : vector<1x1280x8xf32> to vector<1280x8xf32>
    %get3A_14 = arith.constant 1 : index
    %get3A_15 = arith.constant 0 : index
    %get3A_16 = arith.constant 0 : index
    %get3A_17 = vector.load %arg2[%get3A_14, %get3A_15, %get3A_16] : memref<2x1280x8xf32, #tpu.memory_space<vmem>>, vector<1x1280x8xf32>
    %get3A_18 = vector.shape_cast %get3A_17 : vector<1x1280x8xf32> to vector<1280x8xf32>
    %add3A_19 = arith.addf %get3A_13, %get3A_18 : vector<1280x8xf32>
    %iota3A = tpu.iota {dimensions = array<i32: 0>} : vector<8x128xi32>
    %iota3A_20 = tpu.iota {dimensions = array<i32: 1>} : vector<8x128xi32>
    %jit3A = arith.constant 16 : i32
    %div3A = vector.broadcast %jit3A : i32 to vector<8x128xi32>
    %div3A_21 = arith.divsi %iota3A_20, %div3A : vector<8x128xi32>
    %sign3A = arith.constant 0 : i32
    %sign3A_22 = vector.broadcast %sign3A : i32 to vector<8x128xi32>
    %sign3A_23 = arith.cmpi sgt, %iota3A_20, %sign3A_22 : vector<8x128xi32>
    %sign3A_24 = arith.extui %sign3A_23 : vector<8x128xi1> to vector<8x128xi32>
    %sign3A_25 = arith.constant 0 : i32
    %sign3A_26 = vector.broadcast %sign3A_25 : i32 to vector<8x128xi32>
    %sign3A_27 = arith.cmpi slt, %iota3A_20, %sign3A_26 : vector<8x128xi32>
    %sign3A_28 = arith.extui %sign3A_27 : vector<8x128xi1> to vector<8x128xi32>
    %sign3A_29 = arith.subi %sign3A_24, %sign3A_28 : vector<8x128xi32>
    %sign3A_30 = arith.constant 0 : i32
    %sign3A_31 = arith.cmpi sgt, %jit3A, %sign3A_30 : i32
    %sign3A_32 = arith.extui %sign3A_31 : i1 to i32
    %sign3A_33 = arith.constant 0 : i32
    %sign3A_34 = arith.cmpi slt, %jit3A, %sign3A_33 : i32
    %sign3A_35 = arith.extui %sign3A_34 : i1 to i32
    %sign3A_36 = arith.subi %sign3A_32, %sign3A_35 : i32
    %ne3A = vector.broadcast %sign3A_36 : i32 to vector<8x128xi32>
    %ne3A_37 = arith.cmpi ne, %sign3A_29, %ne3A : vector<8x128xi32>
    %rem3A = vector.broadcast %jit3A : i32 to vector<8x128xi32>
    %rem3A_38 = arith.remsi %iota3A_20, %rem3A : vector<8x128xi32>
    %ne3A_39 = arith.constant 0 : i32
    %ne3A_40 = vector.broadcast %ne3A_39 : i32 to vector<8x128xi32>
    %ne3A_41 = arith.cmpi ne, %rem3A_38, %ne3A_40 : vector<8x128xi32>
    %and3A = arith.andi %ne3A_37, %ne3A_41 : vector<8x128xi1>
    %sub3A = arith.constant 1 : i32
    %sub3A_42 = vector.broadcast %sub3A : i32 to vector<8x128xi32>
    %sub3A_43 = arith.subi %div3A_21, %sub3A_42 : vector<8x128xi32>
    %select_n3A = arith.select %and3A, %sub3A_43, %div3A_21 : vector<8x128xi1>, vector<8x128xi32>
    %eq3A = arith.cmpi eq, %select_n3A, %iota3A : vector<8x128xi32>
    %convert_element_type3A = arith.extui %eq3A : vector<8x128xi1> to vector<8x128xi32>
    %convert_element_type3A_44 = arith.sitofp %convert_element_type3A : vector<8x128xi32> to vector<8x128xf32>
    %dot_general3A = arith.constant dense<0.000000e+00> : vector<1280x128xf32>
    %dot_general3A_45 = tpu.matmul %add3A_19, %convert_element_type3A_44, %dot_general3A {dimension_numbers = #tpu.dot_dimension_numbers<[1], [0], [0], [1], [0, 0, 1, 1], [], []>, transpose_lhs_hint = false} : vector<1280x8xf32>, vector<8x128xf32>, vector<1280x128xf32> -> vector<1280x128xf32>
    %get3A_46 = arith.constant 0 : index
    %get3A_47 = arith.constant 0 : index
    %get3A_48 = vector.load %arg3[%get3A_46, %get3A_47] : memref<1x16xf32, #tpu.memory_space<vmem>>, vector<1x16xf32>
    %concatenate3A = tpu.concatenate %get3A_48, %get3A_48, %get3A_48, %get3A_48, %get3A_48, %get3A_48, %get3A_48, %get3A_48 in 1 : vector<1x16xf32>, vector<1x16xf32>, vector<1x16xf32>, vector<1x16xf32>, vector<1x16xf32>, vector<1x16xf32>, vector<1x16xf32>, vector<1x16xf32> -> vector<1x128xf32>
    %max3A = arith.constant 1.000000e+00 : f32
    %max3A_49 = vector.broadcast %max3A : f32 to vector<1280x128xf32>
    %max3A_50 = arith.maximumf %dot_general3A_45, %max3A_49 : vector<1280x128xf32>
    %div3A_51 = arith.divf %add3A, %max3A_50 : vector<1280x128xf32>
    %add3A_52 = vector.broadcast %concatenate3A : vector<1x128xf32> to vector<1280x128xf32>
    %add3A_53 = arith.addf %div3A_51, %add3A_52 : vector<1280x128xf32>
    %tanh3A = math.tanh %add3A_53 : vector<1280x128xf32>
    %get3A_54 = arith.constant 0 : index
    %get3A_55 = arith.constant 0 : index
    %get3A_56 = vector.load %arg4[%get3A_54, %get3A_55] : memref<16x16xf32, #tpu.memory_space<vmem>>, vector<16x16xf32>
    %concatenate3A_57 = tpu.concatenate %get3A_56, %get3A_56, %get3A_56, %get3A_56, %get3A_56, %get3A_56, %get3A_56, %get3A_56 in 1 : vector<16x16xf32>, vector<16x16xf32>, vector<16x16xf32>, vector<16x16xf32>, vector<16x16xf32>, vector<16x16xf32>, vector<16x16xf32>, vector<16x16xf32> -> vector<16x128xf32>
    %concatenate3A_58 = tpu.concatenate %concatenate3A_57, %concatenate3A_57, %concatenate3A_57, %concatenate3A_57, %concatenate3A_57, %concatenate3A_57, %concatenate3A_57, %concatenate3A_57 in 0 : vector<16x128xf32>, vector<16x128xf32>, vector<16x128xf32>, vector<16x128xf32>, vector<16x128xf32>, vector<16x128xf32>, vector<16x128xf32>, vector<16x128xf32> -> vector<128x128xf32>
    %iota3A_59 = tpu.iota {dimensions = array<i32: 0>} : vector<128x128xi32>
    %iota3A_60 = tpu.iota {dimensions = array<i32: 1>} : vector<128x128xi32>
    %jit3A_61 = arith.constant 16 : i32
    %div3A_62 = vector.broadcast %jit3A_61 : i32 to vector<128x128xi32>
    %div3A_63 = arith.divsi %iota3A_59, %div3A_62 : vector<128x128xi32>
    %sign3A_64 = arith.constant 0 : i32
    %sign3A_65 = vector.broadcast %sign3A_64 : i32 to vector<128x128xi32>
    %sign3A_66 = arith.cmpi sgt, %iota3A_59, %sign3A_65 : vector<128x128xi32>
    %sign3A_67 = arith.extui %sign3A_66 : vector<128x128xi1> to vector<128x128xi32>
    %sign3A_68 = arith.constant 0 : i32
    %sign3A_69 = vector.broadcast %sign3A_68 : i32 to vector<128x128xi32>
    %sign3A_70 = arith.cmpi slt, %iota3A_59, %sign3A_69 : vector<128x128xi32>
    %sign3A_71 = arith.extui %sign3A_70 : vector<128x128xi1> to vector<128x128xi32>
    %sign3A_72 = arith.subi %sign3A_67, %sign3A_71 : vector<128x128xi32>
    %sign3A_73 = arith.constant 0 : i32
    %sign3A_74 = arith.cmpi sgt, %jit3A_61, %sign3A_73 : i32
    %sign3A_75 = arith.extui %sign3A_74 : i1 to i32
    %sign3A_76 = arith.constant 0 : i32
    %sign3A_77 = arith.cmpi slt, %jit3A_61, %sign3A_76 : i32
    %sign3A_78 = arith.extui %sign3A_77 : i1 to i32
    %sign3A_79 = arith.subi %sign3A_75, %sign3A_78 : i32
    %ne3A_80 = vector.broadcast %sign3A_79 : i32 to vector<128x128xi32>
    %ne3A_81 = arith.cmpi ne, %sign3A_72, %ne3A_80 : vector<128x128xi32>
    %rem3A_82 = vector.broadcast %jit3A_61 : i32 to vector<128x128xi32>
    %rem3A_83 = arith.remsi %iota3A_59, %rem3A_82 : vector<128x128xi32>
    %ne3A_84 = arith.constant 0 : i32
    %ne3A_85 = vector.broadcast %ne3A_84 : i32 to vector<128x128xi32>
    %ne3A_86 = arith.cmpi ne, %rem3A_83, %ne3A_85 : vector<128x128xi32>
    %and3A_87 = arith.andi %ne3A_81, %ne3A_86 : vector<128x128xi1>
    %sub3A_88 = arith.constant 1 : i32
    %sub3A_89 = vector.broadcast %sub3A_88 : i32 to vector<128x128xi32>
    %sub3A_90 = arith.subi %div3A_63, %sub3A_89 : vector<128x128xi32>
    %select_n3A_91 = arith.select %and3A_87, %sub3A_90, %div3A_63 : vector<128x128xi1>, vector<128x128xi32>
    %jit3A_92 = arith.constant 16 : i32
    %div3A_93 = vector.broadcast %jit3A_92 : i32 to vector<128x128xi32>
    %div3A_94 = arith.divsi %iota3A_60, %div3A_93 : vector<128x128xi32>
    %sign3A_95 = arith.constant 0 : i32
    %sign3A_96 = vector.broadcast %sign3A_95 : i32 to vector<128x128xi32>
    %sign3A_97 = arith.cmpi sgt, %iota3A_60, %sign3A_96 : vector<128x128xi32>
    %sign3A_98 = arith.extui %sign3A_97 : vector<128x128xi1> to vector<128x128xi32>
    %sign3A_99 = arith.constant 0 : i32
    %sign3A_100 = vector.broadcast %sign3A_99 : i32 to vector<128x128xi32>
    %sign3A_101 = arith.cmpi slt, %iota3A_60, %sign3A_100 : vector<128x128xi32>
    %sign3A_102 = arith.extui %sign3A_101 : vector<128x128xi1> to vector<128x128xi32>
    %sign3A_103 = arith.subi %sign3A_98, %sign3A_102 : vector<128x128xi32>
    %sign3A_104 = arith.constant 0 : i32
    %sign3A_105 = arith.cmpi sgt, %jit3A_92, %sign3A_104 : i32
    %sign3A_106 = arith.extui %sign3A_105 : i1 to i32
    %sign3A_107 = arith.constant 0 : i32
    %sign3A_108 = arith.cmpi slt, %jit3A_92, %sign3A_107 : i32
    %sign3A_109 = arith.extui %sign3A_108 : i1 to i32
    %sign3A_110 = arith.subi %sign3A_106, %sign3A_109 : i32
    %ne3A_111 = vector.broadcast %sign3A_110 : i32 to vector<128x128xi32>
    %ne3A_112 = arith.cmpi ne, %sign3A_103, %ne3A_111 : vector<128x128xi32>
    %rem3A_113 = vector.broadcast %jit3A_92 : i32 to vector<128x128xi32>
    %rem3A_114 = arith.remsi %iota3A_60, %rem3A_113 : vector<128x128xi32>
    %ne3A_115 = arith.constant 0 : i32
    %ne3A_116 = vector.broadcast %ne3A_115 : i32 to vector<128x128xi32>
    %ne3A_117 = arith.cmpi ne, %rem3A_114, %ne3A_116 : vector<128x128xi32>
    %and3A_118 = arith.andi %ne3A_112, %ne3A_117 : vector<128x128xi1>
    %sub3A_119 = arith.constant 1 : i32
    %sub3A_120 = vector.broadcast %sub3A_119 : i32 to vector<128x128xi32>
    %sub3A_121 = arith.subi %div3A_94, %sub3A_120 : vector<128x128xi32>
    %select_n3A_122 = arith.select %and3A_118, %sub3A_121, %div3A_94 : vector<128x128xi1>, vector<128x128xi32>
    %eq3A_123 = arith.cmpi eq, %select_n3A_91, %select_n3A_122 : vector<128x128xi32>
    %convert_element_type3A_124 = arith.extui %eq3A_123 : vector<128x128xi1> to vector<128x128xi32>
    %convert_element_type3A_125 = arith.sitofp %convert_element_type3A_124 : vector<128x128xi32> to vector<128x128xf32>
    %mul3A = arith.mulf %concatenate3A_58, %convert_element_type3A_125 : vector<128x128xf32>
    %get3A_126 = arith.constant 0 : index
    %get3A_127 = arith.constant 0 : index
    %get3A_128 = vector.load %arg5[%get3A_126, %get3A_127] : memref<1x16xf32, #tpu.memory_space<vmem>>, vector<1x16xf32>
    %concatenate3A_129 = tpu.concatenate %get3A_128, %get3A_128, %get3A_128, %get3A_128, %get3A_128, %get3A_128, %get3A_128, %get3A_128 in 1 : vector<1x16xf32>, vector<1x16xf32>, vector<1x16xf32>, vector<1x16xf32>, vector<1x16xf32>, vector<1x16xf32>, vector<1x16xf32>, vector<1x16xf32> -> vector<1x128xf32>
    %dot_general3A_130 = arith.constant dense<0.000000e+00> : vector<1280x128xf32>
    %dot_general3A_131 = tpu.matmul %tanh3A, %mul3A, %dot_general3A_130 {dimension_numbers = #tpu.dot_dimension_numbers<[1], [0], [0], [1], [0, 0, 1, 1], [], []>, transpose_lhs_hint = false} : vector<1280x128xf32>, vector<128x128xf32>, vector<1280x128xf32> -> vector<1280x128xf32>
    %add3A_132 = vector.broadcast %concatenate3A_129 : vector<1x128xf32> to vector<1280x128xf32>
    %add3A_133 = arith.addf %dot_general3A_131, %add3A_132 : vector<1280x128xf32>
    %swap3A = arith.constant 0 : index
    %swap3A_134 = arith.constant 0 : index
    %swap3A_135 = vector.load %arg6[%swap3A, %swap3A_134] : memref<1280x128xf32, #tpu.memory_space<vmem>>, vector<1280x128xf32>
    tpu.vector_store %arg6[%swap3A, %swap3A_134], %add3A_133 {strides = array<i32>} : memref<1280x128xf32, #tpu.memory_space<vmem>>, vector<1280x128xf32>,
    return
  }
  func.func @transform_0(%arg0: i32) -> (i32, i32, i32) {
    %c0_i32 = arith.constant 0 : i32
    %c0_i32_0 = arith.constant 0 : i32
    %c0_i32_1 = arith.constant 0 : i32
    return %c0_i32, %arg0, %c0_i32_0 : i32, i32, i32
  }
  func.func @transform_1(%arg0: i32) -> (i32, i32, i32) {
    %c0_i32 = arith.constant 0 : i32
    %c0_i32_0 = arith.constant 0 : i32
    %c0_i32_1 = arith.constant 0 : i32
    return %c0_i32, %arg0, %c0_i32_0 : i32, i32, i32
  }
  func.func @transform_2(%arg0: i32) -> (i32, i32) {
    %c0_i32 = arith.constant 0 : i32
    %c0_i32_0 = arith.constant 0 : i32
    %c0_i32_1 = arith.constant 0 : i32
    return %c0_i32, %c0_i32_0 : i32, i32
  }
  func.func @transform_3(%arg0: i32) -> (i32, i32) {
    %c0_i32 = arith.constant 0 : i32
    %c0_i32_0 = arith.constant 0 : i32
    %c0_i32_1 = arith.constant 0 : i32
    return %c0_i32, %c0_i32_0 : i32, i32
  }
  func.func @transform_4(%arg0: i32) -> (i32, i32) {
    %c0_i32 = arith.constant 0 : i32
    %c0_i32_0 = arith.constant 0 : i32
    %c0_i32_1 = arith.constant 0 : i32
    return %c0_i32, %c0_i32_0 : i32, i32
  }
  func.func @transform_5(%arg0: i32) -> (i32, i32) {
    %c0_i32 = arith.constant 0 : i32
    %c0_i32_0 = arith.constant 0 : i32
    return %arg0, %c0_i32 : i32, i32
  }
}

</mosaic_0001>

<sc_bundles>
// kernel: kernel.12.cloned.1.call-start
scs
__scs_entry_jumppad:
0x0: {  	(pc) =	sbr.rel $0x88, $3  }
0x1: {  	(tag) =	ssettag $0x0;
	lr =	simm.s32 $0x1  }
0x2: {  	[smem:$0x3F94] =	sst lr;
	_ =	strace $0xD0000000  }
0x3: {  	_ = 	snop  }
0x4: {  	_ = 	snop  }
0x5: {  	_ = 	snop  }
0x6: {  	_ = 	snop  }
0x7: {  	_ = 	snop  }
__scs_overlays_trampoline_lowered:
0x8: {  	[smem:$0x3FA3] =	sst s0  }
0x9: {  	[smem:$0x3FA4] =	sst s1  }
0xa: {  	[smem:$0x3FA5] =	sst s2  }
0xb: {  	[smem:$0x3FA6] =	sst s3  }
0xc: {  	[smem:$0x3FA7] =	sst s4  }
0xd: {  	[smem:$0x3FA8] =	sst s5  }
0xe: {  	[smem:$0x3FA9] =	sst s6  }
0xf: {  	[smem:$0x3FAA] =	sst s7  }
0x10: {  	[smem:$0x3FAB] =	sst s8  }
0x11: {  	[smem:$0x3FAC] =	sst s9;
	s0 =	simm.s32 @!p0 $0x0  }
0x12: {  	s1 =	sld [smem:$0x3F92];
	s0 =	simm.s32 @p0 $0x1  }
0x13: {  	[smem:$0x3FAD] =	sst s0;
	s0 =	simm.s32 @!p1 $0x0  }
0x14: {  	s2 =	sld [smem:$0x3F91];
	s0 =	simm.s32 @p1 $0x1  }
0x15: {  	[smem:$0x3FAE] =	sst s0;
	s0 =	simm.s32 @!p2 $0x0  }
0x16: {  	s3 =	sld [smem:$0x3FDB];
	s0 =	simm.s32 @p2 $0x1  }
0x17: {  	s4 =	simm.s32 $0x1BF5;
	[smem:$0x3FB0] =	sst s0  }
0x18: {  	s0 =	sld [smem:$0x3F93];
	_ =	swait.ge [sflag:s4], $0x0  }
0x19: {  	s7 =	sld [smem:$0x3F94]  }
0x1a: {  	s8 =	sadd.s32 $0xFFFFE003, lr  }
0x1b: {  	s9 =	sadd.s32 $0xFFFFFEF7, lr;
	s5 =	simm.s32 $0xFFFFFFFF;
	p2 =	slt.u32 s8, $0xFFFFF086  }
0x1c: {  	p1 =	slt.u32 s9, $0xF7A;
	s5 =	simm.s32 @!p2 $0x0  }
0x1d: {  	s5 =	simm.s32 @p1 $0x1;
	p0 =	seq.s32 s7, s2  }
0x1e: {  	s7 =	smul.u32 @!p0 $0xF7A, s2;
	p2 =	seq.s32 @!p0 s5, $0x0  }
0x1f: {  	s9 =	smul.u32 $0xF7A, s1;
	s8 =	simm.s32 @!p0 $0x1BF5;
	p2 =	por !p2, p0  }
0x20: {  	[sflag:s8] =	ssyncset.s32 @!p0 $0xFFFFF086;
	s6 =	sadd.s32 @!p0 s3, s7;
	s7 =	simm.s32 @!p0 $0x108  }
0x21: {  	s3 =	sadd.s32 s3, s9;
	s6 =	sadd.s32 @!p0 $0x88, s6;
	s7 =	simm.s32 @p2 $0x1082  }
0x22: {  	[simem:s7], [sflag:s8] =	dma.local @!p0 [hbm:s6], $0xF7A  }
0x23: {  	s9 =	sor.u32 $0xD0000000, s2;
	s6 =	simm.s32 $0x108;
	_ =	swait.ge @!p0 [sflag:s8], $0x0  }
0x24: {  	s3 =	sadd.s32 $0x88, s3;
	s6 =	simm.s32 @!p1 $0x1082;
	[sflag:s4] =	ssyncset.s32 $0xFFFFF086  }
0x25: {  	[simem:s6], [sflag:s4] =	dma.local [hbm:s3], $0xF7A  }
0x26: {  	[smem:$0x3F94] =	sst s1;
	(tag) =	ssettag s2;
	_ =	strace s9  }
0x27: {  	s1 =	sld [smem:$0x3FA4]  }
0x28: {  	s2 =	sld [smem:$0x3FA5]  }
0x29: {  	s4 =	sld [smem:$0x3FA7]  }
0x2a: {  	p0 =	seq.s32 s5, $0x0;
	s5 =	sld [smem:$0x3FA8]  }
0x2b: {  	s6 =	sld [smem:$0x3FA9]  }
0x2c: {  	s7 =	sld [smem:$0x3FAA]  }
0x2d: {  	s3 =	simm.s32 $0x108;
	s8 =	sld [smem:$0x3FAB]  }
0x2e: {  	s3 =	simm.s32 @!p0 $0x1082;
	s9 =	sld [smem:$0x3FAC]  }
0x2f: {  	lr =	sadd.s32 s0, s3;
	s0 =	sld [smem:$0x3FA3]  }
0x30: {  	s3 =	sld [smem:$0x3FA6]  }
0x31: {  	[smem:$0x3FAF] =	sst s10  }
0x32: {  	s10 =	sld [smem:$0x3FAD];
	_ =	sdelay $0x3  }
0x33: {  	p0 =	seq.s32 s10, $0x1;
	s10 =	sld [smem:$0x3FAF];
	_ =	sdelay $0x3  }
0x34: {  	[smem:$0x3FAF] =	sst s10  }
0x35: {  	s10 =	sld [smem:$0x3FAE];
	_ =	sdelay $0x3  }
0x36: {  	p1 =	seq.s32 s10, $0x1;
	s10 =	sld [smem:$0x3FAF];
	_ =	sdelay $0x3  }
0x37: {  	[smem:$0x3FAF] =	sst s10  }
0x38: {  	s10 =	sld [smem:$0x3FB0]  }
0x39: {  	_ = 	snop;
	(pc) =	sbr.ind lr, $3  }
0x3a: {  	_ = 	snop  }
0x3b: {  	_ = 	snop  }
0x3c: {  	p2 =	seq.s32 s10, $0x1;
	s10 =	sld [smem:$0x3FAF]  }
0x3d: {  	_ =	shalt  }
0x3e: {  	_ =	shalt  }
0x3f: {  	_ =	shalt  }
0x40: {  	_ =	shalt  }
0x41: {  	_ =	shalt  }
0x42: {  	_ =	shalt  }
0x43: {  	_ =	shalt  }
0x44: {  	_ =	shalt  }
0x45: {  	_ =	shalt  }
0x46: {  	_ =	shalt  }
0x47: {  	_ =	shalt  }
0x48: {  	_ =	shalt  }
0x49: {  	_ =	shalt  }
0x4a: {  	_ =	shalt  }
0x4b: {  	_ =	shalt  }
0x4c: {  	_ =	shalt  }
0x4d: {  	_ =	shalt  }
0x4e: {  	_ =	shalt  }
0x4f: {  	_ =	shalt  }
0x50: {  	_ =	shalt  }
0x51: {  	_ =	shalt  }
0x52: {  	_ =	shalt  }
0x53: {  	_ =	shalt  }
0x54: {  	_ =	shalt  }
0x55: {  	_ =	shalt  }
0x56: {  	_ =	shalt  }
0x57: {  	_ =	shalt  }
0x58: {  	_ =	shalt  }
0x59: {  	_ =	shalt  }
0x5a: {  	_ =	shalt  }
0x5b: {  	_ =	shalt  }
0x5c: {  	_ =	shalt  }
0x5d: {  	_ =	shalt  }
0x5e: {  	_ =	shalt  }
0x5f: {  	_ =	shalt  }
0x60: {  	_ =	shalt  }
0x61: {  	_ =	shalt  }
0x62: {  	_ =	shalt  }
0x63: {  	_ =	shalt  }
0x64: {  	_ =	shalt  }
0x65: {  	_ =	shalt  }
0x66: {  	_ =	shalt  }
0x67: {  	_ =	shalt  }
0x68: {  	_ =	shalt  }
0x69: {  	_ =	shalt  }
0x6a: {  	_ =	shalt  }
0x6b: {  	_ =	shalt  }
0x6c: {  	_ =	shalt  }
0x6d: {  	_ =	shalt  }
0x6e: {  	_ =	shalt  }
0x6f: {  	_ =	shalt  }
0x70: {  	_ =	shalt  }
0x71: {  	_ =	shalt  }
0x72: {  	_ =	shalt  }
0x73: {  	_ =	shalt  }
0x74: {  	_ =	shalt  }
0x75: {  	_ =	shalt  }
0x76: {  	_ =	shalt  }
0x77: {  	_ =	shalt  }
0x78: {  	_ =	shalt  }
0x79: {  	_ =	shalt  }
0x7a: {  	_ =	shalt  }
0x7b: {  	_ =	shalt  }
0x7c: {  	_ =	shalt  }
0x7d: {  	_ =	shalt  }
0x7e: {  	_ =	shalt  }
0x7f: {  	_ =	shalt  }
0x80: {  	_ =	shalt  }
0x81: {  	_ =	shalt  }
0x82: {  	_ =	shalt  }
0x83: {  	_ =	shalt  }
0x84: {  	_ =	shalt  }
0x85: {  	_ =	shalt  }
0x86: {  	_ =	shalt  }
0x87: {  	_ =	shalt  }
.Lfunc_end0:
.L_simem_size_0:
called_computation.1_lowered:
.L_overlay_start_0:
0x88: {  	s2 =	sld [smem:$0x3FD9]  }
0x89: {  	s3 =	sld [smem:$0x3FFE];
	_ =	sdelay $0x1  }
0x8a: {  	s1 =	srdreg.scid  }
0x8b: {  	s0 =	sand.u32 $0x1, s1  }
0x8c: {  	s16 =	sshll.u32 s0, $0xA;
	s2 =	sadd.s32 s3, s2  }
0x8d: {  	s2 =	sadd.s32 s2, s16  }
0x8e: {  	[smem:$0x3FBB] =	sst s2  }
0x8f: {  	_ = 	snop  }
0x90: {  	(tm) =	ssettm $0x1  }
0x91: {  	s17 =	sld [smem:$0x3FFB];
	_ =	sdelay $0x3  }
0x92: {  	_ =	strace s17  }
0x93: {  	s2 =	sld [smem:$0x3FFC];
	_ =	sdelay $0x3  }
0x94: {  	_ =	strace s2  }
0x95: {  	s2 =	sld [smem:$0x3FFD];
	_ =	sdelay $0x3  }
0x96: {  	_ =	strace s2  }
0x97: {  	_ =	strace $0x8FFFFFFF  }
0x98: {  	s18 =	sld [smem:$0x3FDB];
	_ =	sdelay $0x1  }
0x99: {  	s19 =	simm.s32 $_scs_section_size  }
0x9a: {  	s4 =	simm.s32 $_size__tile_overlayer_lowered;
	s5 =	simm.s32 $_tile_overlayer_lowered  }
0x9b: {  	s22 =	simm.s32 $0x1BFF;
	s21 =	sshll.u32 s5, $0x1;
	s2 =	sadd.s32 s19, s18  }
0x9c: {  	s6 =	simm.s32 $0x0;
	s20 =	sshll.u32 s4, $0x1;
	s4 =	sadd.s32 s21, s2  }
0x9d: {  	[timem:s6], [sflag:s22] =	dma.local [hbm:s4], s20  }
0x9e: {  	_ =	swait.ge [sflag:s22], s20  }
0x9f: {  	s3 =	ssub.s32 $0x0, s20;
	[sflag:s22] =	ssyncset.done $0x0  }
0xa0: {  	[sflag:s22] =	ssyncadd.s32 s3;
	_ =	sdelay $0x1  }
0xa1: {  	s23 =	simm.s32 $0x1B8B  }
0xa2: {  	_ =	swait.ge [sflag:s23], $0x1  }
0xa3: {  	[sflag:s23] =	ssyncset.done $0x0  }
0xa4: {  	s25 =	simm.s32 $0x1B8E;
	s24 =	sld [smem:$0x3FFE];
	[sflag:s23] =	ssyncadd.s32 $0xFFFFFFFF  }
0xa5: {  	s26 =	simm.s32 $execute0_lowered;
	[smem:$0x3FD2] =	sst s25  }
0xa6: {  	s4 =	sshll.u32 s26, $0x1;
	_ =	strace $0x80000049;
	[dreg:$0x1] =	wrdreg $0xFFFFFFFF  }
0xa7: {  	s28 =	simm.s32 $_size_execute0_lowered;
	s2 =	sadd.s32 s2, s4;
	[dreg:$0x0] =	wrdreg $0x0  }
0xa8: {  	s4 =	sshll.u32 s28, $0x1;
	[dreg:$0x2] =	wrdreg s2  }
0xa9: {  	[dreg:$0x3] =	wrdreg s4  }
0xaa: {  	[dreg:$0x4] =	wrdreg $0xC0  }
0xab: {  	_ =	task [dreg:s6], $0x5FFFF  }
0xac: {  	[dreg:$0x1] =	wrdreg $0xFFFFFFFF  }
0xad: {  	[dreg:$0x0] =	wrdreg $0x60  }
0xae: {  	[dreg:$0x2] =	wrdreg s24  }
0xaf: {  	[dreg:$0x3] =	wrdreg $0x0  }
0xb0: {  	[dreg:$0x4] =	wrdreg $0x9  }
0xb1: {  	_ =	task.clear_ibuf [dreg:s6], $0x5FFFF;
	_ =	strace $0x90000049  }
0xb2: {  	s29 =	simm.s32 $0x9;
	_ =	strace $0x8000004B  }
0xb3: {  	_ =	swait.ge [sflag:s29], $0x1  }
0xb4: {  	[sflag:s29] =	ssyncadd.s32 $0xFFFFFFFF  }
0xb5: {  	_ =	strace $0x9000004B  }
0xb6: {  	_ =	sfence  }
0xb7: {  	s30 =	sld [smem:$0x0];
	_ =	sdelay $0x2  }
0xb8: {  	s31 =	sshll.u32 s1, $0xD;
	s1 =	sshrl.u32 s1, $0x2  }
0xb9: {  	s3 =	sand.u32 $0x4000, s31;
	s1 =	sadd.s32 s1, s30  }
0xba: {  	s0 =	sor.u32 s3, s0;
	s1 =	sshll.u32 s1, $0x11  }
0xbb: {  	s0 =	sor.u32 s1, s0  }
0xbc: {  	s0 =	sadd.s32 $0x8F2B, s0  }
0xbd: {  	[sflag:s0] =	ssyncadd.remote.s32 $0x1  }
0xbe: {  	_ =	sfence.sel $0xFFFF  }
0xbf: {  	[dreg:$0x0] =	wrdreg $0xFFFFFFFF;
	(pc) =	sbr.abs _section_cstart, $3  }
0xc0: {  	[dreg:$0x1] =	wrdreg $0xFFFFFFFF  }
0xc1: {  	_ =	task.clear_ibuf [dreg:s6], $0x2FFFF;
	_ =	strace $0x9FFFFFFF  }
0xc2: {  	(tm) =	ssettm $0x7FFFFFFF  }
0xc3: {  	_ =	shalt  }
tec
execute0_lowered:
.L_overlay_start_1:
0x0: {  	(tag) =	ssettag $0x1  }
0x1: {  	s0 =	rddreg [dreg:$0x0]  }
0x2: {  	s1 =	rddreg [dreg:$0x1];
	s3 =	simm.s32 $0x0  }
0x3: {  	s2 =	srdreg.scid;
	s12 =	stileid.u32;
	s28 =	simm.s32 $0x19600  }
0x4: {  	s31 =	simm.s32 $0x3;
	s29 =	simm.s32 $0x19800;
	[smem:$0x7FF] =	sst s3  }
0x5: {  	s2 =	sand.u32 $0x1, s2;
	s7 =	smul.u32 $0x19000, s12;
	s4 =	sadd.s32 $0x22B800, s0  }
0x6: {  	s5 =	sadd.s32 $0x66200, s0;
	s6 =	sadd.s32 $0x2200, s0;
	s9 =	sadd.s32 $0x228600, s0  }
0x7: {  	s15 =	sshll.u32 s12, $0x6;
	_ =	strace $0x8000004A;
	s8 =	smul.u32 $0x190000, s2  }
0x8: {  	[dreg:$0x13] =	wrdreg s9;
	s14 =	sshll.u32 s2, $0x4;
	s10 =	ssub.s32 $0x2, s2  }
0x9: {  	s2 =	smul.u32 $0xC8000, s2;
	s13 =	sor.u32 $0x1C0D, s15;
	[dreg:$0x11] =	wrdreg s5  }
0xa: {  	[dreg:$0x12] =	wrdreg s6;
	s9 =	sor.u32 s12, s14;
	s11 =	sshrl.u32 s10, $0x1  }
0xb: {  	s12 =	smul.u32 $0xC800, s12;
	[dreg:$0x15] =	wrdreg s13;
	s8 =	sadd.s32 s7, s8  }
0xc: {  	s9 =	smul.u32 $0xC800, s9;
	s7 =	sadd.s32 s7, s1;
	s8 =	sshrl.u32 s8, $0x3  }
0xd: {  	[dreg:$0x14] =	wrdreg s7;
	s2 =	sadd.s32 s12, s2;
	s0 =	sadd.s32 s8, s0  }
0xe: {  	s8 =	ssub.s32 s10, s11;
	s16 =	sshrl.u32 s9, $0x3;
	s20 =	sadd.s32 $0x800, s9  }
0xf: {  	s21 =	sor.u32 $0x700, s2;
	s9 =	sadd.s32 $0x900, s9;
	[dreg:$0x3] =	wrdreg s20  }
0x10: {  	s24 =	sor.u32 $0x600, s2;
	s17 =	sadd.s32 s5, s16;
	[dreg:$0x4] =	wrdreg s9  }
0x11: {  	s1 =	sor.u32 $0x500, s2;
	s18 =	sadd.s32 s6, s16;
	[dreg:$0x16] =	wrdreg s17  }
0x12: {  	s7 =	sor.u32 $0x20, s16;
	s0 =	sadd.s32 $0xFC200, s0;
	[dreg:$0x17] =	wrdreg s18  }
0x13: {  	s22 =	sshrl.u32 s21, $0x3;
	s19 =	sadd.s32 s5, s7;
	[dreg:$0x1a] =	wrdreg s0  }
0x14: {  	s10 =	simm.s32 $0x4;
	s23 =	sadd.s32 s22, s6;
	[dreg:$0x18] =	wrdreg s19  }
0x15: {  	s26 =	sshrl.u32 s24, $0x3;
	s25 =	sadd.s32 s22, s5;
	[dreg:$0x5] =	wrdreg s23  }
0x16: {  	s14 =	sshrl.u32 s1, $0x3;
	s30 =	sadd.s32 s26, s6;
	[dreg:$0x6] =	wrdreg s25  }
0x17: {  	s16 =	sor.u32 $0x400, s2;
	s12 =	sadd.s32 s26, s5;
	[dreg:$0x7] =	wrdreg s30  }
0x18: {  	s20 =	sor.u32 $0x300, s2;
	s15 =	sadd.s32 s14, s6;
	[dreg:$0x8] =	wrdreg s12  }
0x19: {  	s2 =	sor.u32 $0x200, s2;
	s17 =	sadd.s32 s14, s5;
	[dreg:$0x9] =	wrdreg s15  }
0x1a: {  	s18 =	sshrl.u32 s16, $0x3;
	s7 =	sadd.s32 s6, s7;
	[dreg:$0xa] =	wrdreg s17  }
0x1b: {  	s9 =	simm.s32 $0xD;
	s19 =	sadd.s32 s18, s6;
	[dreg:$0x19] =	wrdreg s7  }
0x1c: {  	s22 =	sshrl.u32 s20, $0x3;
	s21 =	sadd.s32 s18, s5;
	[dreg:$0xb] =	wrdreg s19  }
0x1d: {  	s2 =	sshrl.u32 s2, $0x3;
	s23 =	sadd.s32 s22, s6;
	[dreg:$0xc] =	wrdreg s21  }
0x1e: {  	s0 =	simm.s32 $0x0;
	s24 =	sadd.s32 s22, s5;
	[dreg:$0xd] =	wrdreg s23  }
0x1f: {  	s25 =	sadd.s32 s2, s6;
	s26 =	sadd.s32 s2, s5;
	[dreg:$0xe] =	wrdreg s24  }
0x20: {  	s30 =	smax.u32 s8, $0x1;
	s18 =	simm.s32 $0x19700;
	[dreg:$0xf] =	wrdreg s25  }
0x21: {  	s12 =	simm.s32 $0x19900;
	s15 =	simm.s32 $0x19A00;
	[dreg:$0x1b] =	wrdreg s30  }
0x22: {  	[dreg:$0x10] =	wrdreg s26;
	s23 =	simm.s32 $0x2;
	s24 =	simm.s32 $0x100  }
0x23: {  	s25 =	simm.s32 $0x19B00;
	s19 =	simm.s32 $0x19C00;
	s26 =	simm.s32 $0x19300  }
.LBB2_1:
0x24: {  	[dreg:$0x1c] =	wrdreg s0  }
0x25: {  	s7 =	rddreg [dreg:$0x14]  }
0x26: {  	s21 =	rddreg [dreg:$0x13];
	s20 =	sshrl.u32 s7, $0x3  }
0x27: {  	[dreg:$0x1d] =	wrdreg s20  }
0x28: {  	[spmem:s20], [sflag:s13] =	dma.local [hbm:s21], $0x3200  }
0x29: {  	_ =	swait.ge [sflag:s9], $0x3200  }
0x2a: {  	[sflag:s9] =	ssyncset.done $0x0  }
0x2b: {  	[sflag:s9] =	ssyncadd.s32 $0xFFFFCE00  }
0x2c: {  	[bflag:$0x0] =	sbarrier.arrive $0xFFFF  }
0x2d: {  	s9 =	simm.s32 $0x19000;
	s22 =	rddreg [dreg:$0x16]  }
0x2e: {  	[tilespmem:s9], [sflag:$0x1] =	stream.linear.gather [hbm4b:s22+s3], $0x100, $0x38;
	[tilespmem:$0x1DC00] =	vst v63  }
0x2f: {  	s11 =	simm.s32 $0x19400;
	s0 =	rddreg [dreg:$0x17]  }
0x30: {  	[tilespmem:s11], [sflag:$0x1] =	stream.linear.gather [hbm4b:s0+s3], $0x100, $0x38;
	[tilespmem:$0x1DC00] =	vst v63  }
0x31: {  	s14 =	simm.s32 $0x19100;
	p0 =	por $0x1, $0x1;
	s1 =	rddreg [dreg:$0x18]  }
0x32: {  	[tilespmem:s14], [sflag:$0x2] =	stream.linear.gather [hbm4b:s1+s3], $0x100, $0x38;
	[tilespmem:$0x1DC00] =	vst v63  }
0x33: {  	s5 =	simm.s32 $0x19500;
	s7 =	simm.s32 @p0 $0x1;
	s2 =	rddreg [dreg:$0x19]  }
0x34: {  	[tilespmem:s5], [sflag:$0x2] =	stream.linear.gather [hbm4b:s2+s3], $0x100, $0x38;
	[tilespmem:$0x1DC00] =	vst v63  }
0x35: {  	_ =	swait.ge @p0 [sflag:s7], $0x100  }
0x36: {  	[sflag:s7] =	ssyncset.done @p0 $0x0  }
0x37: {  	[sflag:s7] =	ssyncadd.s32 @p0 $0xFFFFFF00  }
0x38: {  	_ =	swait.ge @p0 [sflag:s7], $0x100  }
0x39: {  	s16 =	simm.s32 @!p0 $0xA;
	s17 =	simm.s32 @p0 $0x19000;
	[sflag:s7] =	ssyncset.done @p0 $0x0  }
0x3a: {  	s13 =	simm.s32 @p0 $0x19C00;
	[sflag:s7] =	ssyncadd.s32 @p0 $0xFFFFFF00;
	s7 =	simm.s32 @p0 $0x100  }
0x3b: {  	[tilespmem:s13], [sflag:$0x5] =	stream.indirect.gather @p0 [hbm4b:s4+s7], $0x10, s17, s7, $0xb8;
	[tilespmem:$0x1DC00] =	vst v63  }
0x3c: {  	_ =	swait.ge @!p0 [sflag:s16], $0x1000  }
0x3d: {  	[sflag:s16] =	ssyncset.done @!p0 $0x0  }
0x3e: {  	s7 =	simm.s32 @!p0 $0x1;
	[sflag:s16] =	ssyncadd.s32 @!p0 $0xFFFFF000  }
0x3f: {  	_ =	swait.ge @!p0 [sflag:s7], $0x100  }
0x40: {  	[sflag:s7] =	ssyncset.done @!p0 $0x0  }
0x41: {  	[sflag:s7] =	ssyncadd.s32 @!p0 $0xFFFFFF00  }
0x42: {  	_ =	swait.ge @!p0 [sflag:s7], $0x100  }
0x43: {  	s13 =	simm.s32 @!p0 $0x19C00;
	s17 =	simm.s32 @!p0 $0x19000;
	[sflag:s7] =	ssyncset.done @!p0 $0x0  }
0x44: {  	s16 =	simm.s32 @!p0 $0x8;
	[sflag:s7] =	ssyncadd.s32 @!p0 $0xFFFFFF00;
	s7 =	simm.s32 @!p0 $0x100  }
0x45: {  	[tilespmem:s13], [sflag:$0x5] =	stream.indirect.gather @!p0 [hbm4b:s4+s7], $0x10, s17, s7, $0xb8;
	[tilespmem:$0x1DC00] =	vst v63  }
0x46: {  	_ =	swait.ge @!p0 [sflag:s16], $0x1000  }
0x47: {  	[sflag:s16] =	ssyncset.done @!p0 $0x0  }
0x48: {  	s6 =	rddreg [dreg:$0x10];
	[sflag:s16] =	ssyncadd.s32 @!p0 $0xFFFFF000  }
0x49: {  	s13 =	simm.s32 @!p0 $0x1CC00;
	s16 =	simm.s32 @!p0 $0x19B00;
	s8 =	rddreg [dreg:$0x1]  }
0x4a: {  	[spmem:s8] =	stream.indirect.scatter.add.f32 @!p0 [tilespmem:s13], [sflag:$0xC], $0x10, s16, s7, $0xb8;
	[tilespmem:$0x1DC00] =	vst v63  }
0x4b: {  	s22 =	rddreg [dreg:$0xf];
	s13 =	sadd.s32 $0x0, s6;
	s16 =	simm.s32 $0x19200  }
0x4c: {  	[tilespmem:s16], [sflag:$0x3] =	stream.linear.gather [hbm4b:s13+s3], $0x100, $0x38;
	[tilespmem:$0x1DC00] =	vst v63  }
0x4d: {  	s17 =	sadd.s32 $0x0, s22;
	s13 =	simm.s32 @!p0 $0xB  }
0x4e: {  	[tilespmem:s28], [sflag:$0x3] =	stream.linear.gather [hbm4b:s17+s3], $0x100, $0x38;
	[tilespmem:$0x1DC00] =	vst v63  }
0x4f: {  	_ =	swait.ge @!p0 [sflag:s13], $0x1000  }
0x50: {  	[sflag:s13] =	ssyncset.done @!p0 $0x0  }
0x51: {  	[sflag:s13] =	ssyncadd.s32 @!p0 $0xFFFFF000  }
0x52: {  	_ =	swait.ge [sflag:s23], $0x100  }
0x53: {  	[sflag:s23] =	ssyncset.done $0x0  }
0x54: {  	[sflag:s23] =	ssyncadd.s32 $0xFFFFFF00  }
0x55: {  	_ =	swait.ge [sflag:s23], $0x100  }
0x56: {  	[sflag:s23] =	ssyncset.done $0x0  }
0x57: {  	s20 =	simm.s32 $0x5;
	s17 =	simm.s32 $0x1AC00;
	[sflag:s23] =	ssyncadd.s32 $0xFFFFFF00  }
0x58: {  	[tilespmem:s17], [sflag:$0x6] =	stream.indirect.gather [hbm4b:s4+s24], $0x10, s14, s24, $0xb8;
	[tilespmem:$0x1DC00] =	vst v63  }
0x59: {  	_ =	swait.ge [sflag:s20], $0x1000  }
0x5a: {  	[sflag:s20] =	ssyncset.done $0x0  }
0x5b: {  	s0 =	simm.s32 $0x19C00;
	s21 =	rddreg [dreg:$0xe];
	[sflag:s20] =	ssyncadd.s32 $0xFFFFF000  }
0x5c: {  	[spmem:s8] =	stream.indirect.scatter.add.f32 [tilespmem:s0], [sflag:$0x9], $0x10, s11, s24, $0xb8;
	[tilespmem:$0x1DC00] =	vst v63  }
0x5d: {  	s1 =	simm.s32 $0x19300;
	s22 =	rddreg [dreg:$0xd];
	s7 =	sadd.s32 $0x0, s21  }
0x5e: {  	[tilespmem:s1], [sflag:$0x4] =	stream.linear.gather [hbm4b:s7+s3], $0x100, $0x38;
	[tilespmem:$0x1DC00] =	vst v63  }
0x5f: {  	s13 =	simm.s32 @!p0 $0xC;
	s6 =	sadd.s32 $0x0, s22  }
0x60: {  	[tilespmem:s18], [sflag:$0x4] =	stream.linear.gather [hbm4b:s6+s3], $0x100, $0x38;
	[tilespmem:$0x1DC00] =	vst v63  }
0x61: {  	_ =	swait.ge @!p0 [sflag:s13], $0x1000  }
0x62: {  	[sflag:s13] =	ssyncset.done @!p0 $0x0  }
0x63: {  	[sflag:s13] =	ssyncadd.s32 @!p0 $0xFFFFF000  }
0x64: {  	_ =	swait.ge [sflag:s31], $0x100  }
0x65: {  	[sflag:s31] =	ssyncset.done $0x0  }
0x66: {  	[sflag:s31] =	ssyncadd.s32 $0xFFFFFF00  }
0x67: {  	_ =	swait.ge [sflag:s31], $0x100  }
0x68: {  	[sflag:s31] =	ssyncset.done $0x0  }
0x69: {  	s2 =	simm.s32 $0x6;
	s6 =	simm.s32 $0x1BC00;
	[sflag:s31] =	ssyncadd.s32 $0xFFFFFF00  }
0x6a: {  	[tilespmem:s6], [sflag:$0x7] =	stream.indirect.gather [hbm4b:s4+s24], $0x10, s16, s24, $0xb8;
	[tilespmem:$0x1DC00] =	vst v63  }
0x6b: {  	_ =	swait.ge [sflag:s2], $0x1000  }
0x6c: {  	[sflag:s2] =	ssyncset.done $0x0  }
0x6d: {  	s13 =	rddreg [dreg:$0xc];
	[sflag:s2] =	ssyncadd.s32 $0xFFFFF000  }
0x6e: {  	[spmem:s8] =	stream.indirect.scatter.add.f32 [tilespmem:s17], [sflag:$0xA], $0x10, s5, s24, $0xb8;
	[tilespmem:$0x1DC00] =	vst v63  }
0x6f: {  	s20 =	rddreg [dreg:$0xb];
	s7 =	sadd.s32 $0x0, s13  }
0x70: {  	[tilespmem:s9], [sflag:$0x1] =	stream.linear.gather [hbm4b:s7+s3], $0x100, $0x38;
	[tilespmem:$0x1DC00] =	vst v63  }
0x71: {  	s22 =	simm.s32 $0x9;
	s21 =	sadd.s32 $0x0, s20  }
0x72: {  	[tilespmem:s29], [sflag:$0x1] =	stream.linear.gather [hbm4b:s21+s3], $0x100, $0x38;
	[tilespmem:$0x1DC00] =	vst v63  }
0x73: {  	_ =	swait.ge [sflag:s22], $0x1000  }
0x74: {  	[sflag:s22] =	ssyncset.done $0x0  }
0x75: {  	[sflag:s22] =	ssyncadd.s32 $0xFFFFF000  }
0x76: {  	_ =	swait.ge [sflag:s10], $0x100  }
0x77: {  	[sflag:s10] =	ssyncset.done $0x0  }
0x78: {  	[sflag:s10] =	ssyncadd.s32 $0xFFFFFF00  }
0x79: {  	_ =	swait.ge [sflag:s10], $0x100  }
0x7a: {  	[sflag:s10] =	ssyncset.done $0x0  }
0x7b: {  	s29 =	simm.s32 $0x1CC00;
	[sflag:s10] =	ssyncadd.s32 $0xFFFFFF00  }
0x7c: {  	[tilespmem:s29], [sflag:$0x8] =	stream.indirect.gather [hbm4b:s4+s24], $0x10, s1, s24, $0xb8;
	[tilespmem:$0x1DC00] =	vst v63  }
0x7d: {  	s1 =	simm.s32 $0x7  }
0x7e: {  	_ =	swait.ge [sflag:s1], $0x1000  }
0x7f: {  	[sflag:s1] =	ssyncset.done $0x0  }
0x80: {  	s5 =	rddreg [dreg:$0xa];
	[sflag:s1] =	ssyncadd.s32 $0xFFFFF000  }
0x81: {  	[spmem:s8] =	stream.indirect.scatter.add.f32 [tilespmem:s6], [sflag:$0xB], $0x10, s28, s24, $0xb8;
	[tilespmem:$0x1DC00] =	vst v63  }
0x82: {  	s11 =	rddreg [dreg:$0x9];
	s7 =	sadd.s32 $0x0, s5  }
0x83: {  	[tilespmem:s14], [sflag:$0x2] =	stream.linear.gather [hbm4b:s7+s3], $0x100, $0x38;
	[tilespmem:$0x1DC00] =	vst v63  }
0x84: {  	s13 =	sadd.s32 $0x0, s11;
	s14 =	simm.s32 $0xA  }
0x85: {  	[tilespmem:s12], [sflag:$0x2] =	stream.linear.gather [hbm4b:s13+s3], $0x100, $0x38;
	[tilespmem:$0x1DC00] =	vst v63  }
0x86: {  	_ =	swait.ge [sflag:s14], $0x1000  }
0x87: {  	[sflag:s14] =	ssyncset.done $0x0  }
0x88: {  	s17 =	simm.s32 $0x1;
	[sflag:s14] =	ssyncadd.s32 $0xFFFFF000  }
0x89: {  	_ =	swait.ge [sflag:s17], $0x100  }
0x8a: {  	[sflag:s17] =	ssyncset.done $0x0  }
0x8b: {  	[sflag:s17] =	ssyncadd.s32 $0xFFFFFF00  }
0x8c: {  	_ =	swait.ge [sflag:s17], $0x100  }
0x8d: {  	[sflag:s17] =	ssyncset.done $0x0  }
0x8e: {  	s20 =	simm.s32 $0x8;
	[sflag:s17] =	ssyncadd.s32 $0xFFFFFF00  }
0x8f: {  	[tilespmem:s0], [sflag:$0x5] =	stream.indirect.gather [hbm4b:s4+s24], $0x10, s9, s24, $0xb8;
	[tilespmem:$0x1DC00] =	vst v63  }
0x90: {  	_ =	swait.ge [sflag:s20], $0x1000  }
0x91: {  	[sflag:s20] =	ssyncset.done $0x0  }
0x92: {  	s21 =	rddreg [dreg:$0x8];
	[sflag:s20] =	ssyncadd.s32 $0xFFFFF000  }
0x93: {  	[spmem:s8] =	stream.indirect.scatter.add.f32 [tilespmem:s29], [sflag:$0xC], $0x10, s18, s24, $0xb8;
	[tilespmem:$0x1DC00] =	vst v63  }
0x94: {  	s22 =	rddreg [dreg:$0x7];
	s7 =	sadd.s32 $0x0, s21  }
0x95: {  	[tilespmem:s16], [sflag:$0x3] =	stream.linear.gather [hbm4b:s7+s3], $0x100, $0x38;
	[tilespmem:$0x1DC00] =	vst v63  }
0x96: {  	s28 =	sadd.s32 $0x0, s22;
	s29 =	simm.s32 $0xB  }
0x97: {  	[tilespmem:s15], [sflag:$0x3] =	stream.linear.gather [hbm4b:s28+s3], $0x100, $0x38;
	[tilespmem:$0x1DC00] =	vst v63  }
0x98: {  	_ =	swait.ge [sflag:s29], $0x1000  }
0x99: {  	[sflag:s29] =	ssyncset.done $0x0  }
0x9a: {  	[sflag:s29] =	ssyncadd.s32 $0xFFFFF000  }
0x9b: {  	_ =	swait.ge [sflag:s23], $0x100  }
0x9c: {  	[sflag:s23] =	ssyncset.done $0x0  }
0x9d: {  	s30 =	smin.u32 s3, $0xBF;
	[sflag:s23] =	ssyncadd.s32 $0xFFFFFF00  }
0x9e: {  	s13 =	simm.s32 $0x100;
	s22 =	smin.u32 s3, $0xBE;
	_ =	swait.ge [sflag:s23], $0x100  }
0x9f: {  	s16 =	simm.s32 $0x0;
	s7 =	simm.s32 $0x0;
	[sflag:s23] =	ssyncset.done $0x0  }
.LBB2_2:
0xa0: {  	[sflag:s23] =	ssyncadd.s32 $0xFFFFFF00  }
0xa1: {  	s21 =	simm.s32 $0x19100;
	s29 =	simm.s32 $0x1AC00;
	s2 =	simm.s32 $0x5  }
0xa2: {  	[tilespmem:s29], [sflag:$0x6] =	stream.indirect.gather [hbm4b:s4+s24], $0x10, s21, s24, $0xb8;
	[tilespmem:$0x1DC00] =	vst v63  }
0xa3: {  	_ =	swait.ge [sflag:s2], $0x1000  }
0xa4: {  	[sflag:s2] =	ssyncset.done $0x0  }
0xa5: {  	s14 =	rddreg [dreg:$0x6];
	[sflag:s2] =	ssyncadd.s32 $0xFFFFF000  }
0xa6: {  	s1 =	simm.s32 $0x19800;
	s0 =	rddreg [dreg:$0x1]  }
0xa7: {  	[spmem:s0] =	stream.indirect.scatter.add.f32 [tilespmem:s19], [sflag:$0x9], $0x10, s1, s24, $0xb8;
	[tilespmem:$0x1DC00] =	vst v63  }
0xa8: {  	s9 =	rddreg [dreg:$0x5];
	s14 =	sadd.s32 s7, s14  }
0xa9: {  	[tilespmem:s26], [sflag:$0x4] =	stream.linear.gather [hbm4b:s14+s3], $0x100, $0x38;
	[tilespmem:$0x1DC00] =	vst v63  }
0xaa: {  	s9 =	sadd.s32 s7, s9;
	s14 =	simm.s32 $0xC  }
0xab: {  	[tilespmem:s25], [sflag:$0x4] =	stream.linear.gather [hbm4b:s9+s3], $0x100, $0x38;
	[tilespmem:$0x1DC00] =	vst v63  }
0xac: {  	_ =	swait.ge [sflag:s14], $0x1000  }
0xad: {  	[sflag:s14] =	ssyncset.done $0x0  }
0xae: {  	[sflag:s14] =	ssyncadd.s32 $0xFFFFF000  }
0xaf: {  	_ =	swait.ge [sflag:s31], $0x100  }
0xb0: {  	[sflag:s31] =	ssyncset.done $0x0  }
0xb1: {  	[sflag:s31] =	ssyncadd.s32 $0xFFFFFF00  }
0xb2: {  	_ =	swait.ge [sflag:s31], $0x100  }
0xb3: {  	s6 =	simm.s32 $0x1BC00;
	[sflag:s31] =	ssyncset.done $0x0  }
0xb4: {  	s8 =	simm.s32 $0x6;
	s25 =	simm.s32 $0x19200;
	[sflag:s31] =	ssyncadd.s32 $0xFFFFFF00  }
0xb5: {  	[tilespmem:s6], [sflag:$0x7] =	stream.indirect.gather [hbm4b:s4+s24], $0x10, s25, s24, $0xb8;
	[tilespmem:$0x1DC00] =	vst v63  }
0xb6: {  	_ =	swait.ge [sflag:s8], $0x1000  }
0xb7: {  	s18 =	sshll.u32 s30, $0x8;
	[sflag:s8] =	ssyncset.done $0x0;
	s15 =	rddreg [dreg:$0x3]  }
0xb8: {  	s20 =	simm.s32 $0x19900;
	[sflag:s8] =	ssyncadd.s32 $0xFFFFF000;
	s9 =	sadd.s32 s18, s15  }
0xb9: {  	[spmem:s0] =	stream.indirect.scatter.add.f32 [tilespmem:s29], [sflag:$0xA], $0x10, s20, s24, $0xb8;
	[tilespmem:$0x1DC00] =	vst v63  }
0xba: {  	s5 =	rddreg [dreg:$0x11];
	s9 =	sshrl.u32 s9, $0x3  }
0xbb: {  	s14 =	rddreg [dreg:$0x12];
	s18 =	simm.s32 $0x19000;
	s1 =	sadd.s32 s5, s9  }
0xbc: {  	[tilespmem:s18], [sflag:$0x1] =	stream.linear.gather [hbm4b:s1+s3], $0x100, $0x38;
	[tilespmem:$0x1DC00] =	vst v63  }
0xbd: {  	s12 =	simm.s32 $0x9;
	s20 =	simm.s32 $0x19400;
	s9 =	sadd.s32 s14, s9  }
0xbe: {  	[tilespmem:s20], [sflag:$0x1] =	stream.linear.gather [hbm4b:s9+s3], $0x100, $0x38;
	[tilespmem:$0x1DC00] =	vst v63  }
0xbf: {  	_ =	swait.ge [sflag:s12], $0x1000  }
0xc0: {  	[sflag:s12] =	ssyncset.done $0x0  }
0xc1: {  	[sflag:s12] =	ssyncadd.s32 $0xFFFFF000  }
0xc2: {  	_ =	swait.ge [sflag:s10], $0x100  }
0xc3: {  	[sflag:s10] =	ssyncset.done $0x0  }
0xc4: {  	[sflag:s10] =	ssyncadd.s32 $0xFFFFFF00  }
0xc5: {  	s16 =	sadd.s32 $0x8, s16;
	_ =	swait.ge [sflag:s10], $0x100  }
0xc6: {  	s11 =	smin.u32 s16, $0xBF;
	s17 =	smin.u32 s16, $0xBE;
	[sflag:s10] =	ssyncset.done $0x0  }
0xc7: {  	s15 =	simm.s32 $0x1CC00;
	s1 =	simm.s32 $0x7;
	[sflag:s10] =	ssyncadd.s32 $0xFFFFFF00  }
0xc8: {  	[tilespmem:s15], [sflag:$0x8] =	stream.indirect.gather [hbm4b:s4+s24], $0x10, s26, s24, $0xb8;
	[tilespmem:$0x1DC00] =	vst v63  }
0xc9: {  	s30 =	smov.u32 s11;
	s11 =	sshll.u32 s22, $0x8;
	_ =	swait.ge [sflag:s1], $0x1000  }
0xca: {  	s22 =	smov.u32 s17;
	[sflag:s1] =	ssyncset.done $0x0;
	s9 =	rddreg [dreg:$0x4]  }
0xcb: {  	s17 =	simm.s32 $0x19A00;
	[sflag:s1] =	ssyncadd.s32 $0xFFFFF000;
	s9 =	sadd.s32 s11, s9  }
0xcc: {  	[spmem:s0] =	stream.indirect.scatter.add.f32 [tilespmem:s6], [sflag:$0xB], $0x10, s17, s24, $0xb8;
	[tilespmem:$0x1DC00] =	vst v63  }
0xcd: {  	s28 =	smov.u32 s13;
	s9 =	sshrl.u32 s9, $0x3  }
0xce: {  	s7 =	smov.u32 s28;
	s5 =	sadd.s32 s5, s9  }
0xcf: {  	[tilespmem:s21], [sflag:$0x2] =	stream.linear.gather [hbm4b:s5+s3], $0x100, $0x38;
	[tilespmem:$0x1DC00] =	vst v63  }
0xd0: {  	p1 =	seq.s32 s7, $0x0;
	s9 =	sadd.s32 s14, s9;
	s5 =	simm.s32 $0x19500  }
0xd1: {  	[tilespmem:s5], [sflag:$0x2] =	stream.linear.gather [hbm4b:s9+s3], $0x100, $0x38;
	[tilespmem:$0x1DC00] =	vst v63  }
0xd2: {  	s9 =	simm.s32 @p1 $0x1  }
0xd3: {  	_ =	swait.ge @p1 [sflag:s9], $0x100  }
0xd4: {  	[sflag:s9] =	ssyncset.done @p1 $0x0  }
0xd5: {  	[sflag:s9] =	ssyncadd.s32 @p1 $0xFFFFFF00  }
0xd6: {  	_ =	swait.ge @p1 [sflag:s9], $0x100  }
0xd7: {  	s11 =	simm.s32 @p1 $0x19C00;
	s17 =	simm.s32 @p1 $0x19000;
	[sflag:s9] =	ssyncset.done @p1 $0x0  }
0xd8: {  	s14 =	simm.s32 @!p1 $0xA;
	[sflag:s9] =	ssyncadd.s32 @p1 $0xFFFFFF00;
	s9 =	simm.s32 @p1 $0x100  }
0xd9: {  	[tilespmem:s11], [sflag:$0x5] =	stream.indirect.gather @p1 [hbm4b:s4+s9], $0x10, s17, s9, $0xb8;
	[tilespmem:$0x1DC00] =	vst v63  }
0xda: {  	_ =	swait.ge @!p1 [sflag:s14], $0x1000  }
0xdb: {  	[sflag:s14] =	ssyncset.done @!p1 $0x0  }
0xdc: {  	s9 =	simm.s32 @!p1 $0x1;
	[sflag:s14] =	ssyncadd.s32 @!p1 $0xFFFFF000  }
0xdd: {  	_ =	swait.ge @!p1 [sflag:s9], $0x100  }
0xde: {  	[sflag:s9] =	ssyncset.done @!p1 $0x0  }
0xdf: {  	[sflag:s9] =	ssyncadd.s32 @!p1 $0xFFFFFF00  }
0xe0: {  	_ =	swait.ge @!p1 [sflag:s9], $0x100  }
0xe1: {  	s11 =	simm.s32 @!p1 $0x19C00;
	s17 =	simm.s32 @!p1 $0x19000;
	[sflag:s9] =	ssyncset.done @!p1 $0x0  }
0xe2: {  	s14 =	simm.s32 @!p1 $0x8;
	[sflag:s9] =	ssyncadd.s32 @!p1 $0xFFFFFF00;
	s9 =	simm.s32 @!p1 $0x100  }
0xe3: {  	[tilespmem:s11], [sflag:$0x5] =	stream.indirect.gather @!p1 [hbm4b:s4+s9], $0x10, s17, s9, $0xb8;
	[tilespmem:$0x1DC00] =	vst v63  }
0xe4: {  	_ =	swait.ge @!p1 [sflag:s14], $0x1000  }
0xe5: {  	s11 =	simm.s32 @!p1 $0x1CC00;
	[sflag:s14] =	ssyncset.done @!p1 $0x0  }
0xe6: {  	s17 =	rddreg [dreg:$0x10];
	[sflag:s14] =	ssyncadd.s32 @!p1 $0xFFFFF000;
	s14 =	simm.s32 @!p1 $0x19B00  }
0xe7: {  	[spmem:s0] =	stream.indirect.scatter.add.f32 @!p1 [tilespmem:s11], [sflag:$0xC], $0x10, s14, s9, $0xb8;
	[tilespmem:$0x1DC00] =	vst v63  }
0xe8: {  	s28 =	rddreg [dreg:$0xf];
	s14 =	sadd.s32 s7, s17  }
0xe9: {  	[tilespmem:s25], [sflag:$0x3] =	stream.linear.gather [hbm4b:s14+s3], $0x100, $0x38;
	[tilespmem:$0x1DC00] =	vst v63  }
0xea: {  	s17 =	sadd.s32 s7, s28;
	s28 =	simm.s32 $0x19600;
	s11 =	simm.s32 @!p1 $0xB  }
0xeb: {  	[tilespmem:s28], [sflag:$0x3] =	stream.linear.gather [hbm4b:s17+s3], $0x100, $0x38;
	[tilespmem:$0x1DC00] =	vst v63  }
0xec: {  	_ =	swait.ge @!p1 [sflag:s11], $0x1000  }
0xed: {  	[sflag:s11] =	ssyncset.done @!p1 $0x0  }
0xee: {  	[sflag:s11] =	ssyncadd.s32 @!p1 $0xFFFFF000  }
0xef: {  	_ =	swait.ge [sflag:s23], $0x100  }
0xf0: {  	[sflag:s23] =	ssyncset.done $0x0  }
0xf1: {  	[sflag:s23] =	ssyncadd.s32 $0xFFFFFF00  }
0xf2: {  	_ =	swait.ge [sflag:s23], $0x100  }
0xf3: {  	[sflag:s23] =	ssyncset.done $0x0  }
0xf4: {  	[sflag:s23] =	ssyncadd.s32 $0xFFFFFF00  }
0xf5: {  	[tilespmem:s29], [sflag:$0x6] =	stream.indirect.gather [hbm4b:s4+s24], $0x10, s21, s24, $0xb8;
	[tilespmem:$0x1DC00] =	vst v63  }
0xf6: {  	_ =	swait.ge [sflag:s2], $0x1000  }
0xf7: {  	[sflag:s2] =	ssyncset.done $0x0  }
0xf8: {  	s11 =	rddreg [dreg:$0xe];
	[sflag:s2] =	ssyncadd.s32 $0xFFFFF000  }
0xf9: {  	[spmem:s0] =	stream.indirect.scatter.add.f32 [tilespmem:s19], [sflag:$0x9], $0x10, s20, s24, $0xb8;
	[tilespmem:$0x1DC00] =	vst v63  }
0xfa: {  	s14 =	rddreg [dreg:$0xd];
	s9 =	sadd.s32 s7, s11  }
0xfb: {  	[tilespmem:s26], [sflag:$0x4] =	stream.linear.gather [hbm4b:s9+s3], $0x100, $0x38;
	[tilespmem:$0x1DC00] =	vst v63  }
0xfc: {  	s11 =	simm.s32 @!p1 $0xC;
	s2 =	simm.s32 $0x19700;
	s20 =	sadd.s32 s7, s14  }
0xfd: {  	[tilespmem:s2], [sflag:$0x4] =	stream.linear.gather [hbm4b:s20+s3], $0x100, $0x38;
	[tilespmem:$0x1DC00] =	vst v63  }
0xfe: {  	_ =	swait.ge @!p1 [sflag:s11], $0x1000  }
0xff: {  	[sflag:s11] =	ssyncset.done @!p1 $0x0  }
0x100: {  	[sflag:s11] =	ssyncadd.s32 @!p1 $0xFFFFF000  }
0x101: {  	_ =	swait.ge [sflag:s31], $0x100  }
0x102: {  	[sflag:s31] =	ssyncset.done $0x0  }
0x103: {  	[sflag:s31] =	ssyncadd.s32 $0xFFFFFF00  }
0x104: {  	_ =	swait.ge [sflag:s31], $0x100  }
0x105: {  	[sflag:s31] =	ssyncset.done $0x0  }
0x106: {  	[sflag:s31] =	ssyncadd.s32 $0xFFFFFF00  }
0x107: {  	[tilespmem:s6], [sflag:$0x7] =	stream.indirect.gather [hbm4b:s4+s24], $0x10, s25, s24, $0xb8;
	[tilespmem:$0x1DC00] =	vst v63  }
0x108: {  	_ =	swait.ge [sflag:s8], $0x1000  }
0x109: {  	[sflag:s8] =	ssyncset.done $0x0  }
0x10a: {  	s11 =	rddreg [dreg:$0xc];
	[sflag:s8] =	ssyncadd.s32 $0xFFFFF000  }
0x10b: {  	[spmem:s0] =	stream.indirect.scatter.add.f32 [tilespmem:s29], [sflag:$0xA], $0x10, s5, s24, $0xb8;
	[tilespmem:$0x1DC00] =	vst v63  }
0x10c: {  	s14 =	rddreg [dreg:$0xb];
	s9 =	sadd.s32 s7, s11  }
0x10d: {  	[tilespmem:s18], [sflag:$0x1] =	stream.linear.gather [hbm4b:s9+s3], $0x100, $0x38;
	[tilespmem:$0x1DC00] =	vst v63  }
0x10e: {  	s8 =	sadd.s32 s7, s14;
	s11 =	simm.s32 $0x19800  }
0x10f: {  	[tilespmem:s11], [sflag:$0x1] =	stream.linear.gather [hbm4b:s8+s3], $0x100, $0x38;
	[tilespmem:$0x1DC00] =	vst v63  }
0x110: {  	_ =	swait.ge [sflag:s12], $0x1000  }
0x111: {  	[sflag:s12] =	ssyncset.done $0x0  }
0x112: {  	[sflag:s12] =	ssyncadd.s32 $0xFFFFF000  }
0x113: {  	_ =	swait.ge [sflag:s10], $0x100  }
0x114: {  	[sflag:s10] =	ssyncset.done $0x0  }
0x115: {  	[sflag:s10] =	ssyncadd.s32 $0xFFFFFF00  }
0x116: {  	_ =	swait.ge [sflag:s10], $0x100  }
0x117: {  	[sflag:s10] =	ssyncset.done $0x0  }
0x118: {  	[sflag:s10] =	ssyncadd.s32 $0xFFFFFF00  }
0x119: {  	[tilespmem:s15], [sflag:$0x8] =	stream.indirect.gather [hbm4b:s4+s24], $0x10, s26, s24, $0xb8;
	[tilespmem:$0x1DC00] =	vst v63  }
0x11a: {  	_ =	swait.ge [sflag:s1], $0x1000  }
0x11b: {  	[sflag:s1] =	ssyncset.done $0x0  }
0x11c: {  	s14 =	rddreg [dreg:$0xa];
	[sflag:s1] =	ssyncadd.s32 $0xFFFFF000  }
0x11d: {  	[spmem:s0] =	stream.indirect.scatter.add.f32 [tilespmem:s6], [sflag:$0xB], $0x10, s28, s24, $0xb8;
	[tilespmem:$0x1DC00] =	vst v63  }
0x11e: {  	s1 =	rddreg [dreg:$0x9];
	s9 =	sadd.s32 s7, s14  }
0x11f: {  	[tilespmem:s21], [sflag:$0x2] =	stream.linear.gather [hbm4b:s9+s3], $0x100, $0x38;
	[tilespmem:$0x1DC00] =	vst v63  }
0x120: {  	s8 =	simm.s32 $0xA;
	s5 =	sadd.s32 s7, s1;
	s6 =	simm.s32 $0x19900  }
0x121: {  	[tilespmem:s6], [sflag:$0x2] =	stream.linear.gather [hbm4b:s5+s3], $0x100, $0x38;
	[tilespmem:$0x1DC00] =	vst v63  }
0x122: {  	_ =	swait.ge [sflag:s8], $0x1000  }
0x123: {  	[sflag:s8] =	ssyncset.done $0x0  }
0x124: {  	s9 =	simm.s32 $0x1;
	[sflag:s8] =	ssyncadd.s32 $0xFFFFF000  }
0x125: {  	_ =	swait.ge [sflag:s9], $0x100  }
0x126: {  	[sflag:s9] =	ssyncset.done $0x0  }
0x127: {  	[sflag:s9] =	ssyncadd.s32 $0xFFFFFF00  }
0x128: {  	_ =	swait.ge [sflag:s9], $0x100  }
0x129: {  	[sflag:s9] =	ssyncset.done $0x0  }
0x12a: {  	s11 =	simm.s32 $0x8;
	[sflag:s9] =	ssyncadd.s32 $0xFFFFFF00  }
0x12b: {  	[tilespmem:s19], [sflag:$0x5] =	stream.indirect.gather [hbm4b:s4+s24], $0x10, s18, s24, $0xb8;
	[tilespmem:$0x1DC00] =	vst v63  }
0x12c: {  	_ =	swait.ge [sflag:s11], $0x1000  }
0x12d: {  	[sflag:s11] =	ssyncset.done $0x0  }
0x12e: {  	s18 =	rddreg [dreg:$0x8];
	[sflag:s11] =	ssyncadd.s32 $0xFFFFF000  }
0x12f: {  	[spmem:s0] =	stream.indirect.scatter.add.f32 [tilespmem:s15], [sflag:$0xC], $0x10, s2, s24, $0xb8;
	[tilespmem:$0x1DC00] =	vst v63  }
0x130: {  	s5 =	rddreg [dreg:$0x7];
	s9 =	sadd.s32 s7, s18  }
0x131: {  	[tilespmem:s25], [sflag:$0x3] =	stream.linear.gather [hbm4b:s9+s3], $0x100, $0x38;
	[tilespmem:$0x1DC00] =	vst v63  }
0x132: {  	s8 =	simm.s32 $0x19A00;
	s6 =	sadd.s32 s7, s5;
	s11 =	simm.s32 $0xB  }
0x133: {  	[tilespmem:s8], [sflag:$0x3] =	stream.linear.gather [hbm4b:s6+s3], $0x100, $0x38;
	[tilespmem:$0x1DC00] =	vst v63  }
0x134: {  	_ =	swait.ge [sflag:s11], $0x1000  }
0x135: {  	s13 =	sadd.s32 $0x100, s13;
	[sflag:s11] =	ssyncset.done $0x0  }
0x136: {  	p0 =	sne.s32 s13, $0x1900;
	[sflag:s11] =	ssyncadd.s32 $0xFFFFF000  }
.Ltmp0:
0x137: {  	s17 =	simm.s32 $0x19400;
	_ =	swait.ge [sflag:s23], $0x100;
	(pc) =	sbr.rel @p0 .LBB2_2-.Ltmp0, $4  }
0x138: {  	s20 =	simm.s32 $0x19500;
	s29 =	simm.s32 $0x19800;
	[sflag:s23] =	ssyncset.done $0x0  }
0x139: {  	s12 =	simm.s32 $0x19900;
	s14 =	simm.s32 $0x19000;
	[sflag:s23] =	ssyncadd.s32 $0xFFFFFF00  }
0x13a: {  	s21 =	simm.s32 $0x19C00;
	s18 =	simm.s32 $0x19200;
	_ =	swait.ge [sflag:s23], $0x100  }
0x13b: {  	s15 =	simm.s32 $0x19A00;
	s25 =	simm.s32 $0x19B00;
	[sflag:s23] =	ssyncset.done $0x0  }
0x13c: {  	[sflag:s23] =	ssyncadd.s32 $0xFFFFFF00  }
0x13d: {  	s5 =	simm.s32 $0x19100;
	s13 =	simm.s32 $0x1AC00;
	s0 =	simm.s32 $0x5  }
0x13e: {  	[tilespmem:s13], [sflag:$0x6] =	stream.indirect.gather [hbm4b:s4+s24], $0x10, s5, s24, $0xb8;
	[tilespmem:$0x1DC00] =	vst v63  }
0x13f: {  	_ =	swait.ge [sflag:s0], $0x1000  }
0x140: {  	[sflag:s0] =	ssyncset.done $0x0  }
0x141: {  	s9 =	rddreg [dreg:$0x6];
	[sflag:s0] =	ssyncadd.s32 $0xFFFFF000  }
0x142: {  	s1 =	rddreg [dreg:$0x1]  }
0x143: {  	[spmem:s1] =	stream.indirect.scatter.add.f32 [tilespmem:s21], [sflag:$0x9], $0x10, s29, s24, $0xb8;
	[tilespmem:$0x1DC00] =	vst v63  }
0x144: {  	s11 =	rddreg [dreg:$0x5];
	s9 =	sadd.s32 s7, s9;
	s21 =	simm.s32 $0x19300  }
0x145: {  	[tilespmem:s21], [sflag:$0x4] =	stream.linear.gather [hbm4b:s9+s3], $0x100, $0x38;
	[tilespmem:$0x1DC00] =	vst v63  }
0x146: {  	s16 =	simm.s32 $0xC;
	s8 =	sadd.s32 s7, s11  }
0x147: {  	[tilespmem:s25], [sflag:$0x4] =	stream.linear.gather [hbm4b:s8+s3], $0x100, $0x38;
	[tilespmem:$0x1DC00] =	vst v63  }
0x148: {  	_ =	swait.ge [sflag:s16], $0x1000  }
0x149: {  	[sflag:s16] =	ssyncset.done $0x0  }
0x14a: {  	[sflag:s16] =	ssyncadd.s32 $0xFFFFF000  }
0x14b: {  	_ =	swait.ge [sflag:s31], $0x100  }
0x14c: {  	[sflag:s31] =	ssyncset.done $0x0  }
0x14d: {  	[sflag:s31] =	ssyncadd.s32 $0xFFFFFF00  }
0x14e: {  	_ =	swait.ge [sflag:s31], $0x100  }
0x14f: {  	[sflag:s31] =	ssyncset.done $0x0  }
0x150: {  	s6 =	simm.s32 $0x1BC00;
	s2 =	simm.s32 $0x6;
	[sflag:s31] =	ssyncadd.s32 $0xFFFFFF00  }
0x151: {  	[tilespmem:s6], [sflag:$0x7] =	stream.indirect.gather [hbm4b:s4+s24], $0x10, s18, s24, $0xb8;
	[tilespmem:$0x1DC00] =	vst v63  }
0x152: {  	_ =	swait.ge [sflag:s2], $0x1000  }
0x153: {  	s11 =	sshll.u32 s30, $0x8;
	[sflag:s2] =	ssyncset.done $0x0;
	s9 =	rddreg [dreg:$0x3]  }
0x154: {  	[sflag:s2] =	ssyncadd.s32 $0xFFFFF000;
	s7 =	sadd.s32 s11, s9  }
0x155: {  	[spmem:s1] =	stream.indirect.scatter.add.f32 [tilespmem:s13], [sflag:$0xA], $0x10, s12, s24, $0xb8;
	[tilespmem:$0x1DC00] =	vst v63  }
0x156: {  	s8 =	rddreg [dreg:$0x11];
	s7 =	sshrl.u32 s7, $0x3  }
0x157: {  	s13 =	sadd.s32 s8, s7  }
0x158: {  	[tilespmem:s14], [sflag:$0x1] =	stream.linear.gather [hbm4b:s13+s3], $0x100, $0x38;
	[tilespmem:$0x1DC00] =	vst v63  }
0x159: {  	s14 =	rddreg [dreg:$0x12]  }
0x15a: {  	s7 =	sadd.s32 s14, s7  }
0x15b: {  	[tilespmem:s17], [sflag:$0x1] =	stream.linear.gather [hbm4b:s7+s3], $0x100, $0x38;
	[tilespmem:$0x1DC00] =	vst v63  }
0x15c: {  	s17 =	simm.s32 $0x9  }
0x15d: {  	_ =	swait.ge [sflag:s17], $0x1000  }
0x15e: {  	[sflag:s17] =	ssyncset.done $0x0  }
0x15f: {  	[sflag:s17] =	ssyncadd.s32 $0xFFFFF000  }
0x160: {  	_ =	swait.ge [sflag:s10], $0x100  }
0x161: {  	[sflag:s10] =	ssyncset.done $0x0  }
0x162: {  	[sflag:s10] =	ssyncadd.s32 $0xFFFFFF00  }
0x163: {  	_ =	swait.ge [sflag:s10], $0x100  }
0x164: {  	[sflag:s10] =	ssyncset.done $0x0  }
0x165: {  	s18 =	simm.s32 $0x1CC00;
	[sflag:s10] =	ssyncadd.s32 $0xFFFFFF00  }
0x166: {  	[tilespmem:s18], [sflag:$0x8] =	stream.indirect.gather [hbm4b:s4+s24], $0x10, s21, s24, $0xb8;
	[tilespmem:$0x1DC00] =	vst v63  }
0x167: {  	s21 =	simm.s32 $0x7  }
0x168: {  	_ =	swait.ge [sflag:s21], $0x1000  }
0x169: {  	s0 =	sshll.u32 s22, $0x8;
	[sflag:s21] =	ssyncset.done $0x0;
	s30 =	rddreg [dreg:$0x4]  }
0x16a: {  	[sflag:s21] =	ssyncadd.s32 $0xFFFFF000;
	s7 =	sadd.s32 s0, s30  }
0x16b: {  	[spmem:s1] =	stream.indirect.scatter.add.f32 [tilespmem:s6], [sflag:$0xB], $0x10, s15, s24, $0xb8;
	[tilespmem:$0x1DC00] =	vst v63  }
0x16c: {  	s7 =	sshrl.u32 s7, $0x3  }
0x16d: {  	s8 =	sadd.s32 s8, s7  }
0x16e: {  	[tilespmem:s5], [sflag:$0x2] =	stream.linear.gather [hbm4b:s8+s3], $0x100, $0x38;
	[tilespmem:$0x1DC00] =	vst v63  }
0x16f: {  	s13 =	simm.s32 $0x8;
	s7 =	sadd.s32 s14, s7  }
0x170: {  	[tilespmem:s20], [sflag:$0x2] =	stream.linear.gather [hbm4b:s7+s3], $0x100, $0x38;
	[tilespmem:$0x1DC00] =	vst v63  }
0x171: {  	_ =	swait.ge [sflag:s13], $0x1000  }
0x172: {  	[sflag:s13] =	ssyncset.done $0x0  }
0x173: {  	s14 =	simm.s32 $0xA;
	[sflag:s13] =	ssyncadd.s32 $0xFFFFF000  }
0x174: {  	[spmem:s1] =	stream.indirect.scatter.add.f32 [tilespmem:s18], [sflag:$0xC], $0x10, s25, s24, $0xb8;
	[tilespmem:$0x1DC00] =	vst v63  }
0x175: {  	_ =	swait.ge [sflag:s14], $0x1000  }
0x176: {  	[sflag:s14] =	ssyncset.done $0x0  }
0x177: {  	s17 =	simm.s32 $0xB;
	[sflag:s14] =	ssyncadd.s32 $0xFFFFF000  }
0x178: {  	_ =	swait.ge [sflag:s17], $0x1000  }
0x179: {  	[sflag:s17] =	ssyncset.done $0x0  }
0x17a: {  	[sflag:s17] =	ssyncadd.s32 $0xFFFFF000  }
0x17b: {  	_ =	swait.ge [sflag:s16], $0x1000  }
0x17c: {  	[sflag:s16] =	ssyncset.done $0x0  }
0x17d: {  	s18 =	simm.s32 $0x1;
	[sflag:s16] =	ssyncadd.s32 $0xFFFFF000  }
0x17e: {  	_ =	swait.ge [sflag:s18], $0x100  }
0x17f: {  	[sflag:s18] =	ssyncset.done $0x0  }
0x180: {  	[sflag:s18] =	ssyncadd.s32 $0xFFFFFF00  }
0x181: {  	_ =	swait.ge [sflag:s18], $0x100  }
0x182: {  	[sflag:s18] =	ssyncset.done $0x0  }
0x183: {  	[sflag:s18] =	ssyncadd.s32 $0xFFFFFF00  }
0x184: {  	_ =	swait.ge [sflag:s23], $0x100  }
0x185: {  	[sflag:s23] =	ssyncset.done $0x0  }
0x186: {  	[sflag:s23] =	ssyncadd.s32 $0xFFFFFF00  }
0x187: {  	_ =	swait.ge [sflag:s23], $0x100  }
0x188: {  	[sflag:s23] =	ssyncset.done $0x0  }
0x189: {  	[sflag:s23] =	ssyncadd.s32 $0xFFFFFF00  }
0x18a: {  	[bflag:$0x0] =	sbarrier.arrive $0xFFFF  }
0x18b: {  	s13 =	rddreg [dreg:$0x15]  }
0x18c: {  	s20 =	rddreg [dreg:$0x1a]  }
0x18d: {  	s9 =	simm.s32 $0xD;
	s21 =	rddreg [dreg:$0x1d]  }
0x18e: {  	[hbm:s20], [sflag:s13] =	dma.local [spmem:s21], $0x3200  }
0x18f: {  	_ =	swait.ge [sflag:s9], $0x3200  }
0x190: {  	s22 =	rddreg [dreg:$0x1c]  }
0x191: {  	s30 =	rddreg [dreg:$0x1b];
	s0 =	sadd.s32 $0x1, s22  }
0x192: {  	p0 =	sne.s32 s0, s30  }
.Ltmp1:
0x193: {  	_ = 	snop;
	(pc) =	sbr.rel @p0 .LBB2_1-.Ltmp1, $3  }
0x194: {  	_ =	sdelay $0x1  }
0x195: {  	[sflag:s9] =	ssyncset.done $0x0  }
0x196: {  	s18 =	simm.s32 $0x19700;
	[sflag:s9] =	ssyncadd.s32 $0xFFFFCE00  }
0x197: {  	_ =	sfence.sel $0x180000  }
0x198: {  	[bflag:$0x0] =	sbarrier.arrive $0xFFFF  }
0x199: {  	_ =	strace $0x9000004A  }
0x19a: {  	s0 =	stileid.u32;
	[bflag:$0x2] =	sbarrier.arrive $0xFFFF  }
0x19b: {  	p0 =	sne.s32 s0, $0x0;
	s0 =	rddreg [dreg:$0x2]  }
0x19c: {  	s0 =	sadd.s32 @!p0 $0x100000, s0  }
0x19d: {  	[sflag:s0] =	ssyncadd.tile.s32 @!p0 $0x1;
	_ =	shalt  }
.Lfunc_end2:
_tile_overlayer_lowered:
.L_overlay_start_2:
0x19e: {  	(tag) =	ssettag $0x2  }
0x19f: {  	s0 =	rddreg [dreg:$0x0];
	s2 =	stileid.u32  }
0x1a0: {  	s1 =	rddreg [dreg:$0x1];
	p0 =	sne.s32 s2, $0x0  }
0x1a1: {  	s3 =	rddreg [dreg:$0x2];
	[bflag:$0x3] =	sbarrier.arrive $0xFFFF;
	s2 =	simm.s32 @!p0 $0x1C0D  }
0x1a2: {  	[timem:s3], [sflag:s2] =	dma.local @!p0 [hbm:s0], s1  }
0x1a3: {  	s0 =	simm.s32 @!p0 $0xD  }
0x1a4: {  	_ =	swait.ge @!p0 [sflag:s0], s1  }
0x1a5: {  	s1 =	ssub.s32 @!p0 $0x0, s1;
	[sflag:s0] =	ssyncset.done @!p0 $0x0  }
0x1a6: {  	[sflag:s0] =	ssyncadd.s32 @!p0 s1  }
0x1a7: {  	[bflag:$0x3] =	sbarrier.arrive $0xFFFF  }
0x1a8: {  	_ =	shalt  }

// kernel: kernel.9.cloned.1.call-start
scs
__scs_entry_jumppad:
0x0: {  	(pc) =	sbr.rel $0x88, $3  }
0x1: {  	(tag) =	ssettag $0x0;
	lr =	simm.s32 $0x1  }
0x2: {  	[smem:$0x3F94] =	sst lr;
	_ =	strace $0xD0000000  }
0x3: {  	_ = 	snop  }
0x4: {  	_ = 	snop  }
0x5: {  	_ = 	snop  }
0x6: {  	_ = 	snop  }
0x7: {  	_ = 	snop  }
__scs_overlays_trampoline_lowered:
0x8: {  	[smem:$0x3FA3] =	sst s0  }
0x9: {  	[smem:$0x3FA4] =	sst s1  }
0xa: {  	[smem:$0x3FA5] =	sst s2  }
0xb: {  	[smem:$0x3FA6] =	sst s3  }
0xc: {  	[smem:$0x3FA7] =	sst s4  }
0xd: {  	[smem:$0x3FA8] =	sst s5  }
0xe: {  	[smem:$0x3FA9] =	sst s6  }
0xf: {  	[smem:$0x3FAA] =	sst s7  }
0x10: {  	[smem:$0x3FAB] =	sst s8  }
0x11: {  	[smem:$0x3FAC] =	sst s9;
	s0 =	simm.s32 @!p0 $0x0  }
0x12: {  	s1 =	sld [smem:$0x3F92];
	s0 =	simm.s32 @p0 $0x1  }
0x13: {  	[smem:$0x3FAD] =	sst s0;
	s0 =	simm.s32 @!p1 $0x0  }
0x14: {  	s2 =	sld [smem:$0x3F91];
	s0 =	simm.s32 @p1 $0x1  }
0x15: {  	[smem:$0x3FAE] =	sst s0;
	s0 =	simm.s32 @!p2 $0x0  }
0x16: {  	s3 =	sld [smem:$0x3FDB];
	s0 =	simm.s32 @p2 $0x1  }
0x17: {  	s4 =	simm.s32 $0x1BF5;
	[smem:$0x3FB0] =	sst s0  }
0x18: {  	s0 =	sld [smem:$0x3F93];
	_ =	swait.ge [sflag:s4], $0x0  }
0x19: {  	s7 =	sld [smem:$0x3F94]  }
0x1a: {  	s8 =	sadd.s32 $0xFFFFE003, lr  }
0x1b: {  	s9 =	sadd.s32 $0xFFFFFEF7, lr;
	s5 =	simm.s32 $0xFFFFFFFF;
	p2 =	slt.u32 s8, $0xFFFFF086  }
0x1c: {  	p1 =	slt.u32 s9, $0xF7A;
	s5 =	simm.s32 @!p2 $0x0  }
0x1d: {  	s5 =	simm.s32 @p1 $0x1;
	p0 =	seq.s32 s7, s2  }
0x1e: {  	s7 =	smul.u32 @!p0 $0xF7A, s2;
	p2 =	seq.s32 @!p0 s5, $0x0  }
0x1f: {  	s9 =	smul.u32 $0xF7A, s1;
	s8 =	simm.s32 @!p0 $0x1BF5;
	p2 =	por !p2, p0  }
0x20: {  	[sflag:s8] =	ssyncset.s32 @!p0 $0xFFFFF086;
	s6 =	sadd.s32 @!p0 s3, s7;
	s7 =	simm.s32 @!p0 $0x108  }
0x21: {  	s3 =	sadd.s32 s3, s9;
	s6 =	sadd.s32 @!p0 $0x88, s6;
	s7 =	simm.s32 @p2 $0x1082  }
0x22: {  	[simem:s7], [sflag:s8] =	dma.local @!p0 [hbm:s6], $0xF7A  }
0x23: {  	s9 =	sor.u32 $0xD0000000, s2;
	s6 =	simm.s32 $0x108;
	_ =	swait.ge @!p0 [sflag:s8], $0x0  }
0x24: {  	s3 =	sadd.s32 $0x88, s3;
	s6 =	simm.s32 @!p1 $0x1082;
	[sflag:s4] =	ssyncset.s32 $0xFFFFF086  }
0x25: {  	[simem:s6], [sflag:s4] =	dma.local [hbm:s3], $0xF7A  }
0x26: {  	[smem:$0x3F94] =	sst s1;
	(tag) =	ssettag s2;
	_ =	strace s9  }
0x27: {  	s1 =	sld [smem:$0x3FA4]  }
0x28: {  	s2 =	sld [smem:$0x3FA5]  }
0x29: {  	s4 =	sld [smem:$0x3FA7]  }
0x2a: {  	p0 =	seq.s32 s5, $0x0;
	s5 =	sld [smem:$0x3FA8]  }
0x2b: {  	s6 =	sld [smem:$0x3FA9]  }
0x2c: {  	s7 =	sld [smem:$0x3FAA]  }
0x2d: {  	s3 =	simm.s32 $0x108;
	s8 =	sld [smem:$0x3FAB]  }
0x2e: {  	s3 =	simm.s32 @!p0 $0x1082;
	s9 =	sld [smem:$0x3FAC]  }
0x2f: {  	lr =	sadd.s32 s0, s3;
	s0 =	sld [smem:$0x3FA3]  }
0x30: {  	s3 =	sld [smem:$0x3FA6]  }
0x31: {  	[smem:$0x3FAF] =	sst s10  }
0x32: {  	s10 =	sld [smem:$0x3FAD];
	_ =	sdelay $0x3  }
0x33: {  	p0 =	seq.s32 s10, $0x1;
	s10 =	sld [smem:$0x3FAF];
	_ =	sdelay $0x3  }
0x34: {  	[smem:$0x3FAF] =	sst s10  }
0x35: {  	s10 =	sld [smem:$0x3FAE];
	_ =	sdelay $0x3  }
0x36: {  	p1 =	seq.s32 s10, $0x1;
	s10 =	sld [smem:$0x3FAF];
	_ =	sdelay $0x3  }
0x37: {  	[smem:$0x3FAF] =	sst s10  }
0x38: {  	s10 =	sld [smem:$0x3FB0]  }
0x39: {  	_ = 	snop;
	(pc) =	sbr.ind lr, $3  }
0x3a: {  	_ = 	snop  }
0x3b: {  	_ = 	snop  }
0x3c: {  	p2 =	seq.s32 s10, $0x1;
	s10 =	sld [smem:$0x3FAF]  }
0x3d: {  	_ =	shalt  }
0x3e: {  	_ =	shalt  }
0x3f: {  	_ =	shalt  }
0x40: {  	_ =	shalt  }
0x41: {  	_ =	shalt  }
0x42: {  	_ =	shalt  }
0x43: {  	_ =	shalt  }
0x44: {  	_ =	shalt  }
0x45: {  	_ =	shalt  }
0x46: {  	_ =	shalt  }
0x47: {  	_ =	shalt  }
0x48: {  	_ =	shalt  }
0x49: {  	_ =	shalt  }
0x4a: {  	_ =	shalt  }
0x4b: {  	_ =	shalt  }
0x4c: {  	_ =	shalt  }
0x4d: {  	_ =	shalt  }
0x4e: {  	_ =	shalt  }
0x4f: {  	_ =	shalt  }
0x50: {  	_ =	shalt  }
0x51: {  	_ =	shalt  }
0x52: {  	_ =	shalt  }
0x53: {  	_ =	shalt  }
0x54: {  	_ =	shalt  }
0x55: {  	_ =	shalt  }
0x56: {  	_ =	shalt  }
0x57: {  	_ =	shalt  }
0x58: {  	_ =	shalt  }
0x59: {  	_ =	shalt  }
0x5a: {  	_ =	shalt  }
0x5b: {  	_ =	shalt  }
0x5c: {  	_ =	shalt  }
0x5d: {  	_ =	shalt  }
0x5e: {  	_ =	shalt  }
0x5f: {  	_ =	shalt  }
0x60: {  	_ =	shalt  }
0x61: {  	_ =	shalt  }
0x62: {  	_ =	shalt  }
0x63: {  	_ =	shalt  }
0x64: {  	_ =	shalt  }
0x65: {  	_ =	shalt  }
0x66: {  	_ =	shalt  }
0x67: {  	_ =	shalt  }
0x68: {  	_ =	shalt  }
0x69: {  	_ =	shalt  }
0x6a: {  	_ =	shalt  }
0x6b: {  	_ =	shalt  }
0x6c: {  	_ =	shalt  }
0x6d: {  	_ =	shalt  }
0x6e: {  	_ =	shalt  }
0x6f: {  	_ =	shalt  }
0x70: {  	_ =	shalt  }
0x71: {  	_ =	shalt  }
0x72: {  	_ =	shalt  }
0x73: {  	_ =	shalt  }
0x74: {  	_ =	shalt  }
0x75: {  	_ =	shalt  }
0x76: {  	_ =	shalt  }
0x77: {  	_ =	shalt  }
0x78: {  	_ =	shalt  }
0x79: {  	_ =	shalt  }
0x7a: {  	_ =	shalt  }
0x7b: {  	_ =	shalt  }
0x7c: {  	_ =	shalt  }
0x7d: {  	_ =	shalt  }
0x7e: {  	_ =	shalt  }
0x7f: {  	_ =	shalt  }
0x80: {  	_ =	shalt  }
0x81: {  	_ =	shalt  }
0x82: {  	_ =	shalt  }
0x83: {  	_ =	shalt  }
0x84: {  	_ =	shalt  }
0x85: {  	_ =	shalt  }
0x86: {  	_ =	shalt  }
0x87: {  	_ =	shalt  }
.Lfunc_end0:
.L_simem_size_0:
called_computation_lowered:
.L_overlay_start_0:
0x88: {  	s2 =	sld [smem:$0x3FD9]  }
0x89: {  	s3 =	sld [smem:$0x3FFE];
	_ =	sdelay $0x1  }
0x8a: {  	s1 =	srdreg.scid  }
0x8b: {  	s0 =	sand.u32 $0x1, s1  }
0x8c: {  	s17 =	sshll.u32 s0, $0xA;
	s2 =	sadd.s32 s3, s2  }
0x8d: {  	s2 =	sadd.s32 s2, s17  }
0x8e: {  	[smem:$0x3FBB] =	sst s2  }
0x8f: {  	_ = 	snop  }
0x90: {  	s2 =	sld [smem:$0x3FD0];
	(tm) =	ssettm $0x1  }
0x91: {  	s18 =	sld [smem:$0x3FFB];
	_ =	sdelay $0x3  }
0x92: {  	_ =	strace s18  }
0x93: {  	s3 =	sld [smem:$0x3FFC];
	_ =	sdelay $0x3  }
0x94: {  	_ =	strace s3  }
0x95: {  	s3 =	sld [smem:$0x3FFD];
	_ =	sdelay $0x3  }
0x96: {  	_ =	strace s3  }
0x97: {  	_ =	strace $0x8FFFFFFF  }
0x98: {  	s19 =	sld [smem:$0x3FDB];
	_ =	sdelay $0x1  }
0x99: {  	s4 =	simm.s32 $_scs_section_size  }
0x9a: {  	s5 =	simm.s32 $_size__tile_overlayer_lowered;
	s6 =	simm.s32 $_tile_overlayer_lowered  }
0x9b: {  	s22 =	simm.s32 $0x1BFF;
	s21 =	sshll.u32 s6, $0x1;
	s3 =	sadd.s32 s4, s19  }
0x9c: {  	s7 =	simm.s32 $0x0;
	s20 =	sshll.u32 s5, $0x1;
	s5 =	sadd.s32 s21, s3  }
0x9d: {  	[timem:s7], [sflag:s22] =	dma.local [hbm:s5], s20  }
0x9e: {  	_ =	swait.ge [sflag:s22], s20  }
0x9f: {  	s4 =	ssub.s32 $0x0, s20;
	[sflag:s22] =	ssyncset.done $0x0  }
0xa0: {  	[sflag:s22] =	ssyncadd.s32 s4;
	_ =	sdelay $0x1  }
0xa1: {  	s23 =	simm.s32 $0x1B8B  }
0xa2: {  	_ =	swait.ge [sflag:s23], $0x1  }
0xa3: {  	[sflag:s23] =	ssyncset.done $0x0  }
0xa4: {  	s25 =	simm.s32 $0x1B8E;
	s24 =	sld [smem:$0x3FFE];
	[sflag:s23] =	ssyncadd.s32 $0xFFFFFFFF  }
0xa5: {  	s26 =	simm.s32 $execute0_lowered;
	[smem:$0x3FD2] =	sst s25  }
0xa6: {  	s5 =	sshll.u32 s26, $0x1;
	_ =	strace $0x80000046;
	[dreg:$0x1] =	wrdreg $0xFFFFFFFF  }
0xa7: {  	s28 =	simm.s32 $_size_execute0_lowered;
	s3 =	sadd.s32 s3, s5;
	[dreg:$0x0] =	wrdreg $0x0  }
0xa8: {  	s5 =	sshll.u32 s28, $0x1;
	[dreg:$0x2] =	wrdreg s3  }
0xa9: {  	[dreg:$0x3] =	wrdreg s5  }
0xaa: {  	[dreg:$0x4] =	wrdreg $0xC0  }
0xab: {  	_ =	task [dreg:s7], $0x5FFFF  }
0xac: {  	[dreg:$0x1] =	wrdreg $0xFFFFFFFF  }
0xad: {  	[dreg:$0x0] =	wrdreg $0x60  }
0xae: {  	[dreg:$0x2] =	wrdreg s24  }
0xaf: {  	[dreg:$0x3] =	wrdreg s2  }
0xb0: {  	[dreg:$0x4] =	wrdreg $0x0  }
0xb1: {  	[dreg:$0x5] =	wrdreg $0x190000  }
0xb2: {  	[dreg:$0x6] =	wrdreg $0x9  }
0xb3: {  	_ =	task.clear_ibuf [dreg:s7], $0x7FFFF;
	_ =	strace $0x90000046  }
0xb4: {  	s29 =	simm.s32 $0x9;
	_ =	strace $0x80000048  }
0xb5: {  	_ =	swait.ge [sflag:s29], $0x1  }
0xb6: {  	[sflag:s29] =	ssyncadd.s32 $0xFFFFFFFF  }
0xb7: {  	_ =	strace $0x90000048  }
0xb8: {  	_ =	sfence  }
0xb9: {  	s30 =	sld [smem:$0x0];
	_ =	sdelay $0x2  }
0xba: {  	s31 =	sshll.u32 s1, $0xD;
	s1 =	sshrl.u32 s1, $0x2  }
0xbb: {  	s3 =	sand.u32 $0x4000, s31;
	s1 =	sadd.s32 s1, s30  }
0xbc: {  	s0 =	sor.u32 s3, s0;
	s1 =	sshll.u32 s1, $0x11  }
0xbd: {  	s0 =	sor.u32 s1, s0  }
0xbe: {  	s0 =	sadd.s32 $0x8F2B, s0  }
0xbf: {  	[sflag:s0] =	ssyncadd.remote.s32 $0x1  }
0xc0: {  	_ =	sfence.sel $0xFFFF  }
0xc1: {  	[dreg:$0x0] =	wrdreg $0xFFFFFFFF;
	(pc) =	sbr.abs _section_cstart, $3  }
0xc2: {  	[dreg:$0x1] =	wrdreg $0xFFFFFFFF  }
0xc3: {  	_ =	task.clear_ibuf [dreg:s7], $0x2FFFF;
	_ =	strace $0x9FFFFFFF  }
0xc4: {  	(tm) =	ssettm $0x7FFFFFFF  }
0xc5: {  	_ =	shalt  }
tec
execute0_lowered:
.L_overlay_start_1:
0x0: {  	(tag) =	ssettag $0x1  }
0x1: {  	s3 =	rddreg [dreg:$0x0]  }
0x2: {  	s0 =	rddreg [dreg:$0x1]  }
0x3: {  	s1 =	rddreg [dreg:$0x2]  }
0x4: {  	s2 =	rddreg [dreg:$0x3];
	s4 =	simm.s32 $0x0  }
0x5: {  	s6 =	srdreg.scid;
	s15 =	stileid.u32;
	s29 =	simm.s32 $0x100  }
0x6: {  	s28 =	simm.s32 $0x3;
	s30 =	simm.s32 $0x4;
	s31 =	simm.s32 $0x1B200  }
0x7: {  	[smem:$0x7FF] =	sst s4;
	s5 =	sadd.s32 $0x98200, s3;
	s8 =	sand.u32 $0x1, s6  }
0x8: {  	s9 =	smul.u32 $0x19000, s15;
	s6 =	sadd.s32 $0x34200, s3;
	s7 =	sadd.s32 $0x2200, s3  }
0x9: {  	s11 =	sadd.s32 $0x228600, s3;
	s20 =	sadd.s32 $0x228200, s3;
	s23 =	sshll.u32 s15, $0x6  }
0xa: {  	_ =	strace $0x80000047;
	s10 =	smul.u32 $0x190000, s8;
	[dreg:$0x15] =	wrdreg s11  }
0xb: {  	[dreg:$0x16] =	wrdreg s20;
	s21 =	ssub.s32 $0x2, s8;
	s12 =	sshll.u32 s8, $0x4  }
0xc: {  	s20 =	sor.u32 $0x1C11, s23;
	s25 =	smul.u32 $0xC8000, s8;
	[dreg:$0x14] =	wrdreg s7  }
0xd: {  	s8 =	smul.u32 $0x19000, s8;
	[dreg:$0x13] =	wrdreg s6;
	s12 =	sor.u32 s15, s12  }
0xe: {  	s13 =	sshrl.u32 s21, $0x1;
	[dreg:$0x18] =	wrdreg s20;
	s22 =	smul.u32 $0xC800, s12  }
0xf: {  	s10 =	sadd.s32 s9, s10;
	s12 =	smul.u32 $0x1900, s15;
	s9 =	sadd.s32 s9, s1  }
0x10: {  	s15 =	smul.u32 $0xC800, s15;
	s10 =	sshrl.u32 s10, $0x3;
	[dreg:$0x17] =	wrdreg s9  }
0x11: {  	s3 =	sadd.s32 s10, s3;
	s10 =	ssub.s32 s21, s13;
	s24 =	sshrl.u32 s22, $0x3  }
0x12: {  	s14 =	sadd.s32 s12, s2;
	s13 =	sadd.s32 s15, s25;
	s8 =	sadd.s32 s12, s8  }
0x13: {  	s12 =	simm.s32 $0x1AF00;
	[dreg:$0x19] =	wrdreg s14;
	s16 =	sadd.s32 s6, s24  }
0x14: {  	s26 =	sor.u32 $0x20, s24;
	s9 =	sadd.s32 s7, s24;
	[dreg:$0x1a] =	wrdreg s16  }
0x15: {  	s14 =	sadd.s32 $0x800, s22;
	s17 =	sor.u32 $0x700, s13;
	[dreg:$0x1b] =	wrdreg s9  }
0x16: {  	s3 =	sadd.s32 $0x22B800, s3;
	s21 =	sor.u32 $0x600, s13;
	[dreg:$0x5] =	wrdreg s14  }
0x17: {  	s24 =	sor.u32 $0x500, s13;
	s1 =	sadd.s32 s6, s26;
	[dreg:$0x1e] =	wrdreg s3  }
0x18: {  	s8 =	sshrl.u32 s8, $0x3;
	s2 =	sadd.s32 s7, s26;
	[dreg:$0x1c] =	wrdreg s1  }
0x19: {  	s16 =	sadd.s32 $0x900, s22;
	s18 =	sshrl.u32 s17, $0x3;
	[dreg:$0x1d] =	wrdreg s2  }
0x1a: {  	s22 =	sshrl.u32 s21, $0x3;
	s0 =	sadd.s32 s0, s8;
	[dreg:$0x6] =	wrdreg s16  }
0x1b: {  	s26 =	sshrl.u32 s24, $0x3;
	s19 =	sadd.s32 s18, s7;
	[dreg:$0x1f] =	wrdreg s0  }
0x1c: {  	s21 =	sor.u32 $0x200, s13;
	s3 =	sadd.s32 s18, s6;
	[dreg:$0x7] =	wrdreg s19  }
0x1d: {  	s8 =	simm.s32 $0x1AB00;
	s23 =	sadd.s32 s22, s7;
	[dreg:$0x8] =	wrdreg s3  }
0x1e: {  	s25 =	sadd.s32 s22, s6;
	s1 =	sadd.s32 s26, s7;
	[dreg:$0x9] =	wrdreg s23  }
0x1f: {  	s2 =	sor.u32 $0x400, s13;
	s9 =	sadd.s32 s26, s6;
	[dreg:$0xa] =	wrdreg s25  }
0x20: {  	s16 =	sor.u32 $0x300, s13;
	s26 =	smax.u32 s10, $0x1;
	[dreg:$0xb] =	wrdreg s1  }
0x21: {  	s13 =	simm.s32 $0x5;
	s14 =	sshrl.u32 s2, $0x3;
	[dreg:$0xc] =	wrdreg s9  }
0x22: {  	s18 =	sshrl.u32 s16, $0x3;
	s23 =	sshrl.u32 s21, $0x3;
	[smem:$0x7FD] =	sst s26  }
0x23: {  	s9 =	simm.s32 $0x11;
	s26 =	simm.s32 $0x1AC00;
	s15 =	sadd.s32 s14, s7  }
0x24: {  	s16 =	simm.s32 $0x9;
	s17 =	sadd.s32 s14, s6;
	[dreg:$0xd] =	wrdreg s15  }
0x25: {  	s19 =	sadd.s32 s18, s7;
	s22 =	sadd.s32 s18, s6;
	[dreg:$0xe] =	wrdreg s17  }
0x26: {  	s24 =	sadd.s32 s23, s7;
	s25 =	sadd.s32 s23, s6;
	[dreg:$0xf] =	wrdreg s19  }
0x27: {  	s14 =	simm.s32 $0x1A900;
	s18 =	simm.s32 $0x1AD00;
	[dreg:$0x10] =	wrdreg s22  }
0x28: {  	s23 =	simm.s32 $0x1B500;
	s6 =	simm.s32 $0x0;
	[dreg:$0x11] =	wrdreg s24  }
0x29: {  	[dreg:$0x12] =	wrdreg s25;
	s17 =	simm.s32 $0x1C500;
	s25 =	simm.s32 $0x1B000  }
0x2a: {  	v0 =	vimm.f32 $1.000000000e+00;
	s15 =	simm.s32 $0x6;
	s19 =	simm.s32 $0x1B100;
	s22 =	simm.s32 $0xD  }
.LBB2_1:
0x2b: {  	[smem:$0x7FA] =	sst s6  }
0x2c: {  	s0 =	rddreg [dreg:$0x17]  }
0x2d: {  	s21 =	rddreg [dreg:$0x15];
	s11 =	sshrl.u32 s0, $0x3  }
0x2e: {  	[smem:$0x7FB] =	sst s11  }
0x2f: {  	[spmem:s11], [sflag:s20] =	dma.local [hbm:s21], $0x3200  }
0x30: {  	_ =	swait.ge [sflag:s9], $0x3200  }
0x31: {  	s24 =	rddreg [dreg:$0x19]  }
0x32: {  	[sflag:s9] =	ssyncset.done $0x0;
	s1 =	rddreg [dreg:$0x16];
	s0 =	sshrl.u32 s24, $0x3  }
0x33: {  	[sflag:s9] =	ssyncadd.s32 $0xFFFFCE00;
	[smem:$0x7FC] =	sst s0  }
0x34: {  	[spmem:s0], [sflag:s20] =	dma.local [hbm:s1], $0x320  }
0x35: {  	_ =	swait.ge [sflag:s9], $0x320  }
0x36: {  	[sflag:s9] =	ssyncset.done $0x0  }
0x37: {  	[sflag:s9] =	ssyncadd.s32 $0xFFFFFCE0  }
0x38: {  	[tilespmem:$0x1F500] =	vst v0  }
0x39: {  	[tilespmem:$0x1F510] =	vst v0  }
0x3a: {  	[tilespmem:$0x1F520] =	vst v0  }
0x3b: {  	[tilespmem:$0x1F530] =	vst v0  }
0x3c: {  	[tilespmem:$0x1F540] =	vst v0  }
0x3d: {  	[tilespmem:$0x1F550] =	vst v0  }
0x3e: {  	[tilespmem:$0x1F560] =	vst v0  }
0x3f: {  	[tilespmem:$0x1F570] =	vst v0  }
0x40: {  	[tilespmem:$0x1F580] =	vst v0  }
0x41: {  	[tilespmem:$0x1F590] =	vst v0  }
0x42: {  	[tilespmem:$0x1F5A0] =	vst v0  }
0x43: {  	[tilespmem:$0x1F5B0] =	vst v0  }
0x44: {  	[tilespmem:$0x1F5C0] =	vst v0  }
0x45: {  	[tilespmem:$0x1F5D0] =	vst v0  }
0x46: {  	[tilespmem:$0x1F5E0] =	vst v0  }
0x47: {  	[tilespmem:$0x1F5F0] =	vst v0  }
0x48: {  	[bflag:$0x0] =	sbarrier.arrive $0xFFFF  }
0x49: {  	s2 =	rddreg [dreg:$0x1a]  }
0x4a: {  	[tilespmem:s14], [sflag:$0x1] =	stream.linear.gather [hbm4b:s2+s4], $0x100, $0x38;
	[tilespmem:$0x1F600] =	vst v63  }
0x4b: {  	s3 =	rddreg [dreg:$0x1b]  }
0x4c: {  	[tilespmem:s18], [sflag:$0x1] =	stream.linear.gather [hbm4b:s3+s4], $0x100, $0x38;
	[tilespmem:$0x1F600] =	vst v63  }
0x4d: {  	s7 =	simm.s32 $0x1AA00;
	p0 =	por $0x1, $0x1;
	s6 =	rddreg [dreg:$0x1c]  }
0x4e: {  	[tilespmem:s7], [sflag:$0x2] =	stream.linear.gather [hbm4b:s6+s4], $0x100, $0x38;
	[tilespmem:$0x1F600] =	vst v63  }
0x4f: {  	s11 =	simm.s32 @p0 $0x1;
	s9 =	rddreg [dreg:$0x1d];
	s6 =	simm.s32 $0x1AE00  }
0x50: {  	[tilespmem:s6], [sflag:$0x2] =	stream.linear.gather [hbm4b:s9+s4], $0x100, $0x38;
	[tilespmem:$0x1F600] =	vst v63  }
0x51: {  	_ =	swait.ge @p0 [sflag:s11], $0x100  }
0x52: {  	[sflag:s11] =	ssyncset.done @p0 $0x0  }
0x53: {  	[sflag:s11] =	ssyncadd.s32 @p0 $0xFFFFFF00  }
0x54: {  	_ =	swait.ge @p0 [sflag:s11], $0x100  }
0x55: {  	s21 =	simm.s32 @p0 $0x1A900;
	s24 =	simm.s32 @!p0 $0xA;
	[sflag:s11] =	ssyncset.done @p0 $0x0  }
0x56: {  	s20 =	simm.s32 @p0 $0x100;
	[sflag:s11] =	ssyncadd.s32 @p0 $0xFFFFFF00;
	s11 =	simm.s32 @p0 $0x1B500  }
0x57: {  	[tilespmem:s11], [sflag:$0x5] =	stream.indirect.gather @p0 [hbm4b:s5+s20], $0x10, s21, s20, $0xb8;
	[tilespmem:$0x1F600] =	vst v63  }
0x58: {  	_ =	swait.ge @!p0 [sflag:s24], $0x1000  }
0x59: {  	[sflag:s24] =	ssyncset.done @!p0 $0x0  }
0x5a: {  	s11 =	simm.s32 @!p0 $0xE;
	[sflag:s24] =	ssyncadd.s32 @!p0 $0xFFFFF000  }
0x5b: {  	_ =	swait.ge @!p0 [sflag:s11], $0x100  }
0x5c: {  	[sflag:s11] =	ssyncset.done @!p0 $0x0  }
0x5d: {  	s20 =	simm.s32 @!p0 $0x1;
	[sflag:s11] =	ssyncadd.s32 @!p0 $0xFFFFFF00  }
0x5e: {  	_ =	swait.ge @!p0 [sflag:s20], $0x100  }
0x5f: {  	[sflag:s20] =	ssyncset.done @!p0 $0x0  }
0x60: {  	[sflag:s20] =	ssyncadd.s32 @!p0 $0xFFFFFF00  }
0x61: {  	_ =	swait.ge @!p0 [sflag:s20], $0x100  }
0x62: {  	s21 =	simm.s32 @!p0 $0x8;
	s24 =	simm.s32 @!p0 $0x100;
	[sflag:s20] =	ssyncset.done @!p0 $0x0  }
0x63: {  	s11 =	simm.s32 @!p0 $0x1B500;
	[sflag:s20] =	ssyncadd.s32 @!p0 $0xFFFFFF00;
	s20 =	simm.s32 @!p0 $0x1A900  }
0x64: {  	[tilespmem:s11], [sflag:$0x5] =	stream.indirect.gather @!p0 [hbm4b:s5+s24], $0x10, s20, s24, $0xb8;
	[tilespmem:$0x1F600] =	vst v63  }
0x65: {  	_ =	swait.ge @!p0 [sflag:s21], $0x1000  }
0x66: {  	[sflag:s21] =	ssyncset.done @!p0 $0x0  }
0x67: {  	s10 =	rddreg [dreg:$0x12];
	[sflag:s21] =	ssyncadd.s32 @!p0 $0xFFFFF000  }
0x68: {  	s11 =	simm.s32 @!p0 $0x1E500;
	s20 =	simm.s32 @!p0 $0x1B400;
	s2 =	rddreg [dreg:$0x2]  }
0x69: {  	[spmem:s2] =	stream.indirect.scatter.add.f32 @!p0 [tilespmem:s11], [sflag:$0xC], $0x10, s20, s24, $0xb8;
	[tilespmem:$0x1F600] =	vst v63  }
0x6a: {  	s21 =	simm.s32 @!p0 $0x1F500;
	s3 =	rddreg [dreg:$0x3]  }
0x6b: {  	[spmem:s3] =	stream.indirect.scatter.add.f32 @!p0 [tilespmem:s21], [sflag:$0x10], $0x1, s20, s24, $0xb8;
	[tilespmem:$0x1F600] =	vst v63  }
0x6c: {  	s11 =	sadd.s32 $0x0, s10;
	s21 =	rddreg [dreg:$0x11]  }
0x6d: {  	[tilespmem:s8], [sflag:$0x3] =	stream.linear.gather [hbm4b:s11+s4], $0x100, $0x38;
	[tilespmem:$0x1F600] =	vst v63  }
0x6e: {  	s20 =	simm.s32 @!p0 $0xB;
	s24 =	sadd.s32 $0x0, s21  }
0x6f: {  	[tilespmem:s12], [sflag:$0x3] =	stream.linear.gather [hbm4b:s24+s4], $0x100, $0x38;
	[tilespmem:$0x1F600] =	vst v63  }
0x70: {  	_ =	swait.ge @!p0 [sflag:s20], $0x1000  }
0x71: {  	[sflag:s20] =	ssyncset.done @!p0 $0x0  }
0x72: {  	s11 =	simm.s32 @!p0 $0xF;
	[sflag:s20] =	ssyncadd.s32 @!p0 $0xFFFFF000  }
0x73: {  	_ =	swait.ge @!p0 [sflag:s11], $0x100  }
0x74: {  	[sflag:s11] =	ssyncset.done @!p0 $0x0  }
0x75: {  	s10 =	simm.s32 $0x2;
	[sflag:s11] =	ssyncadd.s32 @!p0 $0xFFFFFF00  }
0x76: {  	_ =	swait.ge [sflag:s10], $0x100  }
0x77: {  	[sflag:s10] =	ssyncset.done $0x0  }
0x78: {  	[sflag:s10] =	ssyncadd.s32 $0xFFFFFF00  }
0x79: {  	_ =	swait.ge [sflag:s10], $0x100  }
0x7a: {  	[sflag:s10] =	ssyncset.done $0x0  }
0x7b: {  	[sflag:s10] =	ssyncadd.s32 $0xFFFFFF00  }
0x7c: {  	[tilespmem:s17], [sflag:$0x6] =	stream.indirect.gather [hbm4b:s5+s29], $0x10, s7, s29, $0xb8;
	[tilespmem:$0x1F600] =	vst v63  }
0x7d: {  	_ =	swait.ge [sflag:s13], $0x1000  }
0x7e: {  	[sflag:s13] =	ssyncset.done $0x0  }
0x7f: {  	[sflag:s13] =	ssyncadd.s32 $0xFFFFF000  }
0x80: {  	[spmem:s2] =	stream.indirect.scatter.add.f32 [tilespmem:s23], [sflag:$0x9], $0x10, s18, s29, $0xb8;
	[tilespmem:$0x1F600] =	vst v63  }
0x81: {  	s1 =	simm.s32 $0x1F500;
	s0 =	rddreg [dreg:$0x10]  }
0x82: {  	[spmem:s3] =	stream.indirect.scatter.add.f32 [tilespmem:s1], [sflag:$0xD], $0x1, s18, s29, $0xb8;
	[tilespmem:$0x1F600] =	vst v63  }
0x83: {  	s9 =	rddreg [dreg:$0xf];
	s11 =	sadd.s32 $0x0, s0  }
0x84: {  	[tilespmem:s26], [sflag:$0x4] =	stream.linear.gather [hbm4b:s11+s4], $0x100, $0x38;
	[tilespmem:$0x1F600] =	vst v63  }
0x85: {  	s20 =	simm.s32 @!p0 $0xC;
	s21 =	sadd.s32 $0x0, s9  }
0x86: {  	[tilespmem:s25], [sflag:$0x4] =	stream.linear.gather [hbm4b:s21+s4], $0x100, $0x38;
	[tilespmem:$0x1F600] =	vst v63  }
0x87: {  	_ =	swait.ge @!p0 [sflag:s20], $0x1000  }
0x88: {  	[sflag:s20] =	ssyncset.done @!p0 $0x0  }
0x89: {  	s11 =	simm.s32 @!p0 $0x10;
	[sflag:s20] =	ssyncadd.s32 @!p0 $0xFFFFF000  }
0x8a: {  	_ =	swait.ge @!p0 [sflag:s11], $0x100  }
0x8b: {  	[sflag:s11] =	ssyncset.done @!p0 $0x0  }
0x8c: {  	[sflag:s11] =	ssyncadd.s32 @!p0 $0xFFFFFF00  }
0x8d: {  	_ =	swait.ge [sflag:s28], $0x100  }
0x8e: {  	[sflag:s28] =	ssyncset.done $0x0  }
0x8f: {  	[sflag:s28] =	ssyncadd.s32 $0xFFFFFF00  }
0x90: {  	_ =	swait.ge [sflag:s28], $0x100  }
0x91: {  	[sflag:s28] =	ssyncset.done $0x0  }
0x92: {  	s0 =	simm.s32 $0x1D500;
	[sflag:s28] =	ssyncadd.s32 $0xFFFFFF00  }
0x93: {  	[tilespmem:s0], [sflag:$0x7] =	stream.indirect.gather [hbm4b:s5+s29], $0x10, s8, s29, $0xb8;
	[tilespmem:$0x1F600] =	vst v63  }
0x94: {  	_ =	swait.ge [sflag:s15], $0x1000  }
0x95: {  	[sflag:s15] =	ssyncset.done $0x0  }
0x96: {  	[sflag:s15] =	ssyncadd.s32 $0xFFFFF000  }
0x97: {  	[spmem:s2] =	stream.indirect.scatter.add.f32 [tilespmem:s17], [sflag:$0xA], $0x10, s6, s29, $0xb8;
	[tilespmem:$0x1F600] =	vst v63  }
0x98: {  	s24 =	rddreg [dreg:$0xe]  }
0x99: {  	[spmem:s3] =	stream.indirect.scatter.add.f32 [tilespmem:s1], [sflag:$0xE], $0x1, s6, s29, $0xb8;
	[tilespmem:$0x1F600] =	vst v63  }
0x9a: {  	s9 =	rddreg [dreg:$0xd];
	s11 =	sadd.s32 $0x0, s24  }
0x9b: {  	[tilespmem:s14], [sflag:$0x1] =	stream.linear.gather [hbm4b:s11+s4], $0x100, $0x38;
	[tilespmem:$0x1F600] =	vst v63  }
0x9c: {  	s20 =	sadd.s32 $0x0, s9  }
0x9d: {  	[tilespmem:s19], [sflag:$0x1] =	stream.linear.gather [hbm4b:s20+s4], $0x100, $0x38;
	[tilespmem:$0x1F600] =	vst v63  }
0x9e: {  	_ =	swait.ge [sflag:s16], $0x1000  }
0x9f: {  	[sflag:s16] =	ssyncset.done $0x0  }
0xa0: {  	[sflag:s16] =	ssyncadd.s32 $0xFFFFF000  }
0xa1: {  	_ =	swait.ge [sflag:s22], $0x100  }
0xa2: {  	[sflag:s22] =	ssyncset.done $0x0  }
0xa3: {  	[sflag:s22] =	ssyncadd.s32 $0xFFFFFF00  }
0xa4: {  	_ =	swait.ge [sflag:s30], $0x100  }
0xa5: {  	[sflag:s30] =	ssyncset.done $0x0  }
0xa6: {  	[sflag:s30] =	ssyncadd.s32 $0xFFFFFF00  }
0xa7: {  	_ =	swait.ge [sflag:s30], $0x100  }
0xa8: {  	[sflag:s30] =	ssyncset.done $0x0  }
0xa9: {  	s9 =	simm.s32 $0x1E500;
	s6 =	simm.s32 $0x7;
	[sflag:s30] =	ssyncadd.s32 $0xFFFFFF00  }
0xaa: {  	[tilespmem:s9], [sflag:$0x8] =	stream.indirect.gather [hbm4b:s5+s29], $0x10, s26, s29, $0xb8;
	[tilespmem:$0x1F600] =	vst v63  }
0xab: {  	_ =	swait.ge [sflag:s6], $0x1000  }
0xac: {  	[sflag:s6] =	ssyncset.done $0x0  }
0xad: {  	[sflag:s6] =	ssyncadd.s32 $0xFFFFF000  }
0xae: {  	[spmem:s2] =	stream.indirect.scatter.add.f32 [tilespmem:s0], [sflag:$0xB], $0x10, s12, s29, $0xb8;
	[tilespmem:$0x1F600] =	vst v63  }
0xaf: {  	s21 =	rddreg [dreg:$0xc]  }
0xb0: {  	[spmem:s3] =	stream.indirect.scatter.add.f32 [tilespmem:s1], [sflag:$0xF], $0x1, s12, s29, $0xb8;
	[tilespmem:$0x1F600] =	vst v63  }
0xb1: {  	s24 =	rddreg [dreg:$0xb];
	s11 =	sadd.s32 $0x0, s21  }
0xb2: {  	[tilespmem:s7], [sflag:$0x2] =	stream.linear.gather [hbm4b:s11+s4], $0x100, $0x38;
	[tilespmem:$0x1F600] =	vst v63  }
0xb3: {  	s20 =	sadd.s32 $0x0, s24;
	s21 =	simm.s32 $0xA  }
0xb4: {  	[tilespmem:s31], [sflag:$0x2] =	stream.linear.gather [hbm4b:s20+s4], $0x100, $0x38;
	[tilespmem:$0x1F600] =	vst v63  }
0xb5: {  	_ =	swait.ge [sflag:s21], $0x1000  }
0xb6: {  	[sflag:s21] =	ssyncset.done $0x0  }
0xb7: {  	s24 =	simm.s32 $0xE;
	[sflag:s21] =	ssyncadd.s32 $0xFFFFF000  }
0xb8: {  	_ =	swait.ge [sflag:s24], $0x100  }
0xb9: {  	[sflag:s24] =	ssyncset.done $0x0  }
0xba: {  	s12 =	simm.s32 $0x1;
	[sflag:s24] =	ssyncadd.s32 $0xFFFFFF00  }
0xbb: {  	_ =	swait.ge [sflag:s12], $0x100  }
0xbc: {  	[sflag:s12] =	ssyncset.done $0x0  }
0xbd: {  	[sflag:s12] =	ssyncadd.s32 $0xFFFFFF00  }
0xbe: {  	_ =	swait.ge [sflag:s12], $0x100  }
0xbf: {  	[sflag:s12] =	ssyncset.done $0x0  }
0xc0: {  	s20 =	simm.s32 $0x8;
	[sflag:s12] =	ssyncadd.s32 $0xFFFFFF00  }
0xc1: {  	[tilespmem:s23], [sflag:$0x5] =	stream.indirect.gather [hbm4b:s5+s29], $0x10, s14, s29, $0xb8;
	[tilespmem:$0x1F600] =	vst v63  }
0xc2: {  	_ =	swait.ge [sflag:s20], $0x1000  }
0xc3: {  	[sflag:s20] =	ssyncset.done $0x0  }
0xc4: {  	[sflag:s20] =	ssyncadd.s32 $0xFFFFF000  }
0xc5: {  	[spmem:s2] =	stream.indirect.scatter.add.f32 [tilespmem:s9], [sflag:$0xC], $0x10, s25, s29, $0xb8;
	[tilespmem:$0x1F600] =	vst v63  }
0xc6: {  	s21 =	rddreg [dreg:$0xa]  }
0xc7: {  	[spmem:s3] =	stream.indirect.scatter.add.f32 [tilespmem:s1], [sflag:$0x10], $0x1, s25, s29, $0xb8;
	[tilespmem:$0x1F600] =	vst v63  }
0xc8: {  	s24 =	rddreg [dreg:$0x9];
	s11 =	sadd.s32 $0x0, s21  }
0xc9: {  	[tilespmem:s8], [sflag:$0x3] =	stream.linear.gather [hbm4b:s11+s4], $0x100, $0x38;
	[tilespmem:$0x1F600] =	vst v63  }
0xca: {  	s12 =	sadd.s32 $0x0, s24;
	s20 =	simm.s32 $0x1B300;
	s21 =	simm.s32 $0xB  }
0xcb: {  	[tilespmem:s20], [sflag:$0x3] =	stream.linear.gather [hbm4b:s12+s4], $0x100, $0x38;
	[tilespmem:$0x1F600] =	vst v63  }
0xcc: {  	_ =	swait.ge [sflag:s21], $0x1000  }
0xcd: {  	[sflag:s21] =	ssyncset.done $0x0  }
0xce: {  	s24 =	simm.s32 $0xF;
	[sflag:s21] =	ssyncadd.s32 $0xFFFFF000  }
0xcf: {  	_ =	swait.ge [sflag:s24], $0x100  }
0xd0: {  	[sflag:s24] =	ssyncset.done $0x0  }
0xd1: {  	[sflag:s24] =	ssyncadd.s32 $0xFFFFFF00  }
0xd2: {  	_ =	swait.ge [sflag:s10], $0x100  }
0xd3: {  	[sflag:s10] =	ssyncset.done $0x0  }
0xd4: {  	[sflag:s10] =	ssyncadd.s32 $0xFFFFFF00  }
0xd5: {  	_ =	swait.ge [sflag:s10], $0x100  }
0xd6: {  	[sflag:s10] =	ssyncset.done $0x0  }
0xd7: {  	[sflag:s10] =	ssyncadd.s32 $0xFFFFFF00  }
0xd8: {  	[tilespmem:s17], [sflag:$0x6] =	stream.indirect.gather [hbm4b:s5+s29], $0x10, s7, s29, $0xb8;
	[tilespmem:$0x1F600] =	vst v63  }
0xd9: {  	_ =	swait.ge [sflag:s13], $0x1000  }
0xda: {  	[sflag:s13] =	ssyncset.done $0x0  }
0xdb: {  	[sflag:s13] =	ssyncadd.s32 $0xFFFFF000  }
0xdc: {  	[spmem:s2] =	stream.indirect.scatter.add.f32 [tilespmem:s23], [sflag:$0x9], $0x10, s19, s29, $0xb8;
	[tilespmem:$0x1F600] =	vst v63  }
0xdd: {  	s25 =	rddreg [dreg:$0x8]  }
0xde: {  	[spmem:s3] =	stream.indirect.scatter.add.f32 [tilespmem:s1], [sflag:$0xD], $0x1, s19, s29, $0xb8;
	[tilespmem:$0x1F600] =	vst v63  }
0xdf: {  	s7 =	rddreg [dreg:$0x7];
	s11 =	sadd.s32 $0x0, s25  }
0xe0: {  	[tilespmem:s26], [sflag:$0x4] =	stream.linear.gather [hbm4b:s11+s4], $0x100, $0x38;
	[tilespmem:$0x1F600] =	vst v63  }
0xe1: {  	s12 =	simm.s32 $0x1B400;
	s10 =	sadd.s32 $0x0, s7;
	s13 =	simm.s32 $0xC  }
0xe2: {  	[tilespmem:s12], [sflag:$0x4] =	stream.linear.gather [hbm4b:s10+s4], $0x100, $0x38;
	[tilespmem:$0x1F600] =	vst v63  }
0xe3: {  	_ =	swait.ge [sflag:s13], $0x1000  }
0xe4: {  	[sflag:s13] =	ssyncset.done $0x0  }
0xe5: {  	s19 =	simm.s32 $0x10;
	[sflag:s13] =	ssyncadd.s32 $0xFFFFF000  }
0xe6: {  	_ =	swait.ge [sflag:s19], $0x100  }
0xe7: {  	[sflag:s19] =	ssyncset.done $0x0  }
0xe8: {  	[sflag:s19] =	ssyncadd.s32 $0xFFFFFF00  }
0xe9: {  	_ =	swait.ge [sflag:s28], $0x100  }
0xea: {  	[sflag:s28] =	ssyncset.done $0x0  }
0xeb: {  	[sflag:s28] =	ssyncadd.s32 $0xFFFFFF00  }
0xec: {  	_ =	swait.ge [sflag:s28], $0x100  }
0xed: {  	[sflag:s28] =	ssyncset.done $0x0  }
0xee: {  	[sflag:s28] =	ssyncadd.s32 $0xFFFFFF00  }
0xef: {  	[tilespmem:s0], [sflag:$0x7] =	stream.indirect.gather [hbm4b:s5+s29], $0x10, s8, s29, $0xb8;
	[tilespmem:$0x1F600] =	vst v63  }
0xf0: {  	s20 =	smin.u32 s4, $0xBF;
	_ =	swait.ge [sflag:s15], $0x1000  }
0xf1: {  	s11 =	sshll.u32 s20, $0x8;
	[sflag:s15] =	ssyncset.done $0x0;
	s21 =	rddreg [dreg:$0x5]  }
0xf2: {  	[sflag:s15] =	ssyncadd.s32 $0xFFFFF000;
	s11 =	sadd.s32 s11, s21  }
0xf3: {  	[spmem:s2] =	stream.indirect.scatter.add.f32 [tilespmem:s17], [sflag:$0xA], $0x10, s31, s29, $0xb8;
	[tilespmem:$0x1F600] =	vst v63  }
0xf4: {  	s23 =	rddreg [dreg:$0x13];
	s11 =	sshrl.u32 s11, $0x3  }
0xf5: {  	[spmem:s3] =	stream.indirect.scatter.add.f32 [tilespmem:s1], [sflag:$0xE], $0x1, s31, s29, $0xb8;
	[tilespmem:$0x1F600] =	vst v63  }
0xf6: {  	s25 =	rddreg [dreg:$0x14];
	s24 =	sadd.s32 s23, s11  }
0xf7: {  	[tilespmem:s14], [sflag:$0x1] =	stream.linear.gather [hbm4b:s24+s4], $0x100, $0x38;
	[tilespmem:$0x1F600] =	vst v63  }
0xf8: {  	s11 =	sadd.s32 s25, s11  }
0xf9: {  	[tilespmem:s18], [sflag:$0x1] =	stream.linear.gather [hbm4b:s11+s4], $0x100, $0x38;
	[tilespmem:$0x1F600] =	vst v63  }
0xfa: {  	_ =	swait.ge [sflag:s16], $0x1000  }
0xfb: {  	[sflag:s16] =	ssyncset.done $0x0  }
0xfc: {  	[sflag:s16] =	ssyncadd.s32 $0xFFFFF000  }
0xfd: {  	_ =	swait.ge [sflag:s22], $0x100  }
0xfe: {  	[sflag:s22] =	ssyncset.done $0x0  }
0xff: {  	[sflag:s22] =	ssyncadd.s32 $0xFFFFFF00  }
0x100: {  	_ =	swait.ge [sflag:s30], $0x100  }
0x101: {  	[sflag:s30] =	ssyncset.done $0x0  }
0x102: {  	[sflag:s30] =	ssyncadd.s32 $0xFFFFFF00  }
0x103: {  	_ =	swait.ge [sflag:s30], $0x100  }
0x104: {  	[sflag:s30] =	ssyncset.done $0x0  }
0x105: {  	s31 =	smin.u32 s4, $0xBE;
	[sflag:s30] =	ssyncadd.s32 $0xFFFFFF00  }
0x106: {  	[tilespmem:s9], [sflag:$0x8] =	stream.indirect.gather [hbm4b:s5+s29], $0x10, s26, s29, $0xb8;
	[tilespmem:$0x1F600] =	vst v63  }
0x107: {  	s20 =	simm.s32 $0x0;
	s24 =	sshll.u32 s31, $0x8;
	_ =	swait.ge [sflag:s6], $0x1000  }
0x108: {  	s11 =	simm.s32 $0x100;
	[sflag:s6] =	ssyncset.done $0x0;
	s26 =	rddreg [dreg:$0x6]  }
.LBB2_2:
0x109: {  	s31 =	simm.s32 $0x7;
	s21 =	smov.u32 s11;
	s9 =	rddreg [dreg:$0x13]  }
0x10a: {  	s0 =	simm.s32 $0x1D500;
	s12 =	rddreg [dreg:$0x14];
	[sflag:s31] =	ssyncadd.s32 $0xFFFFF000  }
0x10b: {  	s8 =	simm.s32 $0x1B300;
	s24 =	sadd.s32 s24, s26;
	s2 =	rddreg [dreg:$0x2]  }
0x10c: {  	[spmem:s2] =	stream.indirect.scatter.add.f32 [tilespmem:s0], [sflag:$0xB], $0x10, s8, s29, $0xb8;
	[tilespmem:$0x1F600] =	vst v63  }
0x10d: {  	s1 =	simm.s32 $0x1F500;
	s24 =	sshrl.u32 s24, $0x3;
	s6 =	rddreg [dreg:$0x3]  }
0x10e: {  	[spmem:s6] =	stream.indirect.scatter.add.f32 [tilespmem:s1], [sflag:$0xF], $0x1, s8, s29, $0xb8;
	[tilespmem:$0x1F600] =	vst v63  }
0x10f: {  	s16 =	simm.s32 $0x1AA00;
	p1 =	seq.s32 s21, $0x0;
	s10 =	sadd.s32 s9, s24  }
0x110: {  	[tilespmem:s16], [sflag:$0x2] =	stream.linear.gather [hbm4b:s10+s4], $0x100, $0x38;
	[tilespmem:$0x1F600] =	vst v63  }
0x111: {  	s7 =	simm.s32 $0x1AE00;
	s24 =	sadd.s32 s12, s24;
	s26 =	simm.s32 @p1 $0x1  }
0x112: {  	[tilespmem:s7], [sflag:$0x2] =	stream.linear.gather [hbm4b:s24+s4], $0x100, $0x38;
	[tilespmem:$0x1F600] =	vst v63  }
0x113: {  	_ =	swait.ge @p1 [sflag:s26], $0x100  }
0x114: {  	[sflag:s26] =	ssyncset.done @p1 $0x0  }
0x115: {  	[sflag:s26] =	ssyncadd.s32 @p1 $0xFFFFFF00  }
0x116: {  	_ =	swait.ge @p1 [sflag:s26], $0x100  }
0x117: {  	s9 =	simm.s32 @!p1 $0xA;
	s0 =	simm.s32 @p1 $0x1A900;
	[sflag:s26] =	ssyncset.done @p1 $0x0  }
0x118: {  	s24 =	simm.s32 @p1 $0x100;
	[sflag:s26] =	ssyncadd.s32 @p1 $0xFFFFFF00;
	s26 =	simm.s32 @p1 $0x1B500  }
0x119: {  	[tilespmem:s26], [sflag:$0x5] =	stream.indirect.gather @p1 [hbm4b:s5+s24], $0x10, s0, s24, $0xb8;
	[tilespmem:$0x1F600] =	vst v63  }
0x11a: {  	_ =	swait.ge @!p1 [sflag:s9], $0x1000  }
0x11b: {  	[sflag:s9] =	ssyncset.done @!p1 $0x0  }
0x11c: {  	[sflag:s9] =	ssyncadd.s32 @!p1 $0xFFFFF000;
	s9 =	simm.s32 @!p1 $0xE  }
0x11d: {  	_ =	swait.ge @!p1 [sflag:s9], $0x100  }
0x11e: {  	[sflag:s9] =	ssyncset.done @!p1 $0x0  }
0x11f: {  	s0 =	simm.s32 @!p1 $0x1;
	[sflag:s9] =	ssyncadd.s32 @!p1 $0xFFFFFF00  }
0x120: {  	_ =	swait.ge @!p1 [sflag:s0], $0x100  }
0x121: {  	[sflag:s0] =	ssyncset.done @!p1 $0x0  }
0x122: {  	[sflag:s0] =	ssyncadd.s32 @!p1 $0xFFFFFF00  }
0x123: {  	_ =	swait.ge @!p1 [sflag:s0], $0x100  }
0x124: {  	s14 =	simm.s32 @!p1 $0x1A900;
	s24 =	simm.s32 @!p1 $0x8;
	[sflag:s0] =	ssyncset.done @!p1 $0x0  }
0x125: {  	s26 =	simm.s32 @!p1 $0x100;
	s9 =	simm.s32 @!p1 $0x1B500;
	[sflag:s0] =	ssyncadd.s32 @!p1 $0xFFFFFF00  }
0x126: {  	[tilespmem:s9], [sflag:$0x5] =	stream.indirect.gather @!p1 [hbm4b:s5+s26], $0x10, s14, s26, $0xb8;
	[tilespmem:$0x1F600] =	vst v63  }
0x127: {  	_ =	swait.ge @!p1 [sflag:s24], $0x1000  }
0x128: {  	[sflag:s24] =	ssyncset.done @!p1 $0x0  }
0x129: {  	s0 =	simm.s32 @!p1 $0x1E500;
	s9 =	simm.s32 @!p1 $0x1B400;
	[sflag:s24] =	ssyncadd.s32 @!p1 $0xFFFFF000  }
0x12a: {  	[spmem:s2] =	stream.indirect.scatter.add.f32 @!p1 [tilespmem:s0], [sflag:$0xC], $0x10, s9, s26, $0xb8;
	[tilespmem:$0x1F600] =	vst v63  }
0x12b: {  	s13 =	rddreg [dreg:$0x12];
	s0 =	simm.s32 @!p1 $0x1F500  }
0x12c: {  	[spmem:s6] =	stream.indirect.scatter.add.f32 @!p1 [tilespmem:s0], [sflag:$0x10], $0x1, s9, s26, $0xb8;
	[tilespmem:$0x1F600] =	vst v63  }
0x12d: {  	s15 =	rddreg [dreg:$0x11];
	s17 =	sadd.s32 s21, s13;
	s13 =	simm.s32 $0x1AB00  }
0x12e: {  	[tilespmem:s13], [sflag:$0x3] =	stream.linear.gather [hbm4b:s17+s4], $0x100, $0x38;
	[tilespmem:$0x1F600] =	vst v63  }
0x12f: {  	s12 =	simm.s32 $0x1AF00;
	s18 =	sadd.s32 s21, s15;
	s9 =	simm.s32 @!p1 $0xB  }
0x130: {  	[tilespmem:s12], [sflag:$0x3] =	stream.linear.gather [hbm4b:s18+s4], $0x100, $0x38;
	[tilespmem:$0x1F600] =	vst v63  }
0x131: {  	_ =	swait.ge @!p1 [sflag:s9], $0x1000  }
0x132: {  	[sflag:s9] =	ssyncset.done @!p1 $0x0  }
0x133: {  	s0 =	simm.s32 @!p1 $0xF;
	[sflag:s9] =	ssyncadd.s32 @!p1 $0xFFFFF000  }
0x134: {  	_ =	swait.ge @!p1 [sflag:s0], $0x100  }
0x135: {  	[sflag:s0] =	ssyncset.done @!p1 $0x0  }
0x136: {  	s10 =	simm.s32 $0x2;
	[sflag:s0] =	ssyncadd.s32 @!p1 $0xFFFFFF00  }
0x137: {  	_ =	swait.ge [sflag:s10], $0x100  }
0x138: {  	[sflag:s10] =	ssyncset.done $0x0  }
0x139: {  	[sflag:s10] =	ssyncadd.s32 $0xFFFFFF00  }
0x13a: {  	_ =	swait.ge [sflag:s10], $0x100  }
0x13b: {  	[sflag:s10] =	ssyncset.done $0x0  }
0x13c: {  	s23 =	simm.s32 $0x1C500;
	s15 =	simm.s32 $0x5;
	[sflag:s10] =	ssyncadd.s32 $0xFFFFFF00  }
0x13d: {  	[tilespmem:s23], [sflag:$0x6] =	stream.indirect.gather [hbm4b:s5+s29], $0x10, s16, s29, $0xb8;
	[tilespmem:$0x1F600] =	vst v63  }
0x13e: {  	_ =	swait.ge [sflag:s15], $0x1000  }
0x13f: {  	[sflag:s15] =	ssyncset.done $0x0  }
0x140: {  	s3 =	simm.s32 $0x1B500;
	s26 =	simm.s32 $0x1AD00;
	[sflag:s15] =	ssyncadd.s32 $0xFFFFF000  }
0x141: {  	[spmem:s2] =	stream.indirect.scatter.add.f32 [tilespmem:s3], [sflag:$0x9], $0x10, s26, s29, $0xb8;
	[tilespmem:$0x1F600] =	vst v63  }
0x142: {  	s19 =	rddreg [dreg:$0x10]  }
0x143: {  	[spmem:s6] =	stream.indirect.scatter.add.f32 [tilespmem:s1], [sflag:$0xD], $0x1, s26, s29, $0xb8;
	[tilespmem:$0x1F600] =	vst v63  }
0x144: {  	s18 =	simm.s32 $0x1AC00;
	s22 =	rddreg [dreg:$0xf];
	s0 =	sadd.s32 s21, s19  }
0x145: {  	[tilespmem:s18], [sflag:$0x4] =	stream.linear.gather [hbm4b:s0+s4], $0x100, $0x38;
	[tilespmem:$0x1F600] =	vst v63  }
0x146: {  	s25 =	simm.s32 $0x1B000;
	s9 =	simm.s32 @!p1 $0xC;
	s24 =	sadd.s32 s21, s22  }
0x147: {  	[tilespmem:s25], [sflag:$0x4] =	stream.linear.gather [hbm4b:s24+s4], $0x100, $0x38;
	[tilespmem:$0x1F600] =	vst v63  }
0x148: {  	_ =	swait.ge @!p1 [sflag:s9], $0x1000  }
0x149: {  	[sflag:s9] =	ssyncset.done @!p1 $0x0  }
0x14a: {  	s0 =	simm.s32 @!p1 $0x10;
	[sflag:s9] =	ssyncadd.s32 @!p1 $0xFFFFF000  }
0x14b: {  	_ =	swait.ge @!p1 [sflag:s0], $0x100  }
0x14c: {  	[sflag:s0] =	ssyncset.done @!p1 $0x0  }
0x14d: {  	[sflag:s0] =	ssyncadd.s32 @!p1 $0xFFFFFF00  }
0x14e: {  	_ =	swait.ge [sflag:s28], $0x100  }
0x14f: {  	[sflag:s28] =	ssyncset.done $0x0  }
0x150: {  	[sflag:s28] =	ssyncadd.s32 $0xFFFFFF00  }
0x151: {  	_ =	swait.ge [sflag:s28], $0x100  }
0x152: {  	[sflag:s28] =	ssyncset.done $0x0  }
0x153: {  	s30 =	simm.s32 $0x1D500;
	s19 =	simm.s32 $0x6;
	[sflag:s28] =	ssyncadd.s32 $0xFFFFFF00  }
0x154: {  	[tilespmem:s30], [sflag:$0x7] =	stream.indirect.gather [hbm4b:s5+s29], $0x10, s13, s29, $0xb8;
	[tilespmem:$0x1F600] =	vst v63  }
0x155: {  	_ =	swait.ge [sflag:s19], $0x1000  }
0x156: {  	[sflag:s19] =	ssyncset.done $0x0  }
0x157: {  	[sflag:s19] =	ssyncadd.s32 $0xFFFFF000  }
0x158: {  	[spmem:s2] =	stream.indirect.scatter.add.f32 [tilespmem:s23], [sflag:$0xA], $0x10, s7, s29, $0xb8;
	[tilespmem:$0x1F600] =	vst v63  }
0x159: {  	s9 =	rddreg [dreg:$0xe]  }
0x15a: {  	[spmem:s6] =	stream.indirect.scatter.add.f32 [tilespmem:s1], [sflag:$0xE], $0x1, s7, s29, $0xb8;
	[tilespmem:$0x1F600] =	vst v63  }
0x15b: {  	s14 =	simm.s32 $0x1A900;
	s17 =	rddreg [dreg:$0xd];
	s0 =	sadd.s32 s21, s9  }
0x15c: {  	[tilespmem:s14], [sflag:$0x1] =	stream.linear.gather [hbm4b:s0+s4], $0x100, $0x38;
	[tilespmem:$0x1F600] =	vst v63  }
0x15d: {  	s22 =	sadd.s32 s21, s17;
	s7 =	simm.s32 $0x1B100  }
0x15e: {  	[tilespmem:s7], [sflag:$0x1] =	stream.linear.gather [hbm4b:s22+s4], $0x100, $0x38;
	[tilespmem:$0x1F600] =	vst v63  }
0x15f: {  	s22 =	simm.s32 $0x9  }
0x160: {  	_ =	swait.ge [sflag:s22], $0x1000  }
0x161: {  	[sflag:s22] =	ssyncset.done $0x0  }
0x162: {  	s28 =	simm.s32 $0xD;
	[sflag:s22] =	ssyncadd.s32 $0xFFFFF000  }
0x163: {  	_ =	swait.ge [sflag:s28], $0x100  }
0x164: {  	[sflag:s28] =	ssyncset.done $0x0  }
0x165: {  	s24 =	simm.s32 $0x4;
	[sflag:s28] =	ssyncadd.s32 $0xFFFFFF00  }
0x166: {  	_ =	swait.ge [sflag:s24], $0x100  }
0x167: {  	[sflag:s24] =	ssyncset.done $0x0  }
0x168: {  	[sflag:s24] =	ssyncadd.s32 $0xFFFFFF00  }
0x169: {  	_ =	swait.ge [sflag:s24], $0x100  }
0x16a: {  	[sflag:s24] =	ssyncset.done $0x0  }
0x16b: {  	[sflag:s24] =	ssyncadd.s32 $0xFFFFFF00;
	s24 =	simm.s32 $0x1E500  }
0x16c: {  	[tilespmem:s24], [sflag:$0x8] =	stream.indirect.gather [hbm4b:s5+s29], $0x10, s18, s29, $0xb8;
	[tilespmem:$0x1F600] =	vst v63  }
0x16d: {  	_ =	swait.ge [sflag:s31], $0x1000  }
0x16e: {  	[sflag:s31] =	ssyncset.done $0x0  }
0x16f: {  	[sflag:s31] =	ssyncadd.s32 $0xFFFFF000  }
0x170: {  	[spmem:s2] =	stream.indirect.scatter.add.f32 [tilespmem:s30], [sflag:$0xB], $0x10, s12, s29, $0xb8;
	[tilespmem:$0x1F600] =	vst v63  }
0x171: {  	s0 =	rddreg [dreg:$0xc]  }
0x172: {  	[spmem:s6] =	stream.indirect.scatter.add.f32 [tilespmem:s1], [sflag:$0xF], $0x1, s12, s29, $0xb8;
	[tilespmem:$0x1F600] =	vst v63  }
0x173: {  	s9 =	rddreg [dreg:$0xb];
	s0 =	sadd.s32 s21, s0  }
0x174: {  	[tilespmem:s16], [sflag:$0x2] =	stream.linear.gather [hbm4b:s0+s4], $0x100, $0x38;
	[tilespmem:$0x1F600] =	vst v63  }
0x175: {  	s9 =	sadd.s32 s21, s9;
	s12 =	simm.s32 $0x1B200  }
0x176: {  	[tilespmem:s12], [sflag:$0x2] =	stream.linear.gather [hbm4b:s9+s4], $0x100, $0x38;
	[tilespmem:$0x1F600] =	vst v63  }
0x177: {  	s9 =	simm.s32 $0xA  }
0x178: {  	_ =	swait.ge [sflag:s9], $0x1000  }
0x179: {  	[sflag:s9] =	ssyncset.done $0x0  }
0x17a: {  	[sflag:s9] =	ssyncadd.s32 $0xFFFFF000;
	s9 =	simm.s32 $0xE  }
0x17b: {  	_ =	swait.ge [sflag:s9], $0x100  }
0x17c: {  	[sflag:s9] =	ssyncset.done $0x0  }
0x17d: {  	[sflag:s9] =	ssyncadd.s32 $0xFFFFFF00;
	s9 =	simm.s32 $0x1  }
0x17e: {  	_ =	swait.ge [sflag:s9], $0x100  }
0x17f: {  	[sflag:s9] =	ssyncset.done $0x0  }
0x180: {  	[sflag:s9] =	ssyncadd.s32 $0xFFFFFF00  }
0x181: {  	_ =	swait.ge [sflag:s9], $0x100  }
0x182: {  	[sflag:s9] =	ssyncset.done $0x0  }
0x183: {  	[sflag:s9] =	ssyncadd.s32 $0xFFFFFF00;
	s9 =	simm.s32 $0x8  }
0x184: {  	[tilespmem:s3], [sflag:$0x5] =	stream.indirect.gather [hbm4b:s5+s29], $0x10, s14, s29, $0xb8;
	[tilespmem:$0x1F600] =	vst v63  }
0x185: {  	_ =	swait.ge [sflag:s9], $0x1000  }
0x186: {  	[sflag:s9] =	ssyncset.done $0x0  }
0x187: {  	[sflag:s9] =	ssyncadd.s32 $0xFFFFF000  }
0x188: {  	[spmem:s2] =	stream.indirect.scatter.add.f32 [tilespmem:s24], [sflag:$0xC], $0x10, s25, s29, $0xb8;
	[tilespmem:$0x1F600] =	vst v63  }
0x189: {  	s0 =	rddreg [dreg:$0xa]  }
0x18a: {  	[spmem:s6] =	stream.indirect.scatter.add.f32 [tilespmem:s1], [sflag:$0x10], $0x1, s25, s29, $0xb8;
	[tilespmem:$0x1F600] =	vst v63  }
0x18b: {  	s9 =	rddreg [dreg:$0x9];
	s0 =	sadd.s32 s21, s0  }
0x18c: {  	[tilespmem:s13], [sflag:$0x3] =	stream.linear.gather [hbm4b:s0+s4], $0x100, $0x38;
	[tilespmem:$0x1F600] =	vst v63  }
0x18d: {  	s25 =	sadd.s32 s21, s9  }
0x18e: {  	[tilespmem:s8], [sflag:$0x3] =	stream.linear.gather [hbm4b:s25+s4], $0x100, $0x38;
	[tilespmem:$0x1F600] =	vst v63  }
0x18f: {  	s8 =	simm.s32 $0xB  }
0x190: {  	_ =	swait.ge [sflag:s8], $0x1000  }
0x191: {  	[sflag:s8] =	ssyncset.done $0x0  }
0x192: {  	s9 =	simm.s32 $0xF;
	[sflag:s8] =	ssyncadd.s32 $0xFFFFF000  }
0x193: {  	_ =	swait.ge [sflag:s9], $0x100  }
0x194: {  	[sflag:s9] =	ssyncset.done $0x0  }
0x195: {  	[sflag:s9] =	ssyncadd.s32 $0xFFFFFF00  }
0x196: {  	_ =	swait.ge [sflag:s10], $0x100  }
0x197: {  	[sflag:s10] =	ssyncset.done $0x0  }
0x198: {  	[sflag:s10] =	ssyncadd.s32 $0xFFFFFF00  }
0x199: {  	_ =	swait.ge [sflag:s10], $0x100  }
0x19a: {  	[sflag:s10] =	ssyncset.done $0x0  }
0x19b: {  	[sflag:s10] =	ssyncadd.s32 $0xFFFFFF00  }
0x19c: {  	[tilespmem:s23], [sflag:$0x6] =	stream.indirect.gather [hbm4b:s5+s29], $0x10, s16, s29, $0xb8;
	[tilespmem:$0x1F600] =	vst v63  }
0x19d: {  	_ =	swait.ge [sflag:s15], $0x1000  }
0x19e: {  	[sflag:s15] =	ssyncset.done $0x0  }
0x19f: {  	[sflag:s15] =	ssyncadd.s32 $0xFFFFF000  }
0x1a0: {  	[spmem:s2] =	stream.indirect.scatter.add.f32 [tilespmem:s3], [sflag:$0x9], $0x10, s7, s29, $0xb8;
	[tilespmem:$0x1F600] =	vst v63  }
0x1a1: {  	s15 =	rddreg [dreg:$0x8]  }
0x1a2: {  	[spmem:s6] =	stream.indirect.scatter.add.f32 [tilespmem:s1], [sflag:$0xD], $0x1, s7, s29, $0xb8;
	[tilespmem:$0x1F600] =	vst v63  }
0x1a3: {  	s16 =	rddreg [dreg:$0x7];
	s0 =	sadd.s32 s21, s15  }
0x1a4: {  	[tilespmem:s18], [sflag:$0x4] =	stream.linear.gather [hbm4b:s0+s4], $0x100, $0x38;
	[tilespmem:$0x1F600] =	vst v63  }
0x1a5: {  	s9 =	simm.s32 $0xC;
	s25 =	sadd.s32 s21, s16;
	s3 =	simm.s32 $0x1B400  }
0x1a6: {  	[tilespmem:s3], [sflag:$0x4] =	stream.linear.gather [hbm4b:s25+s4], $0x100, $0x38;
	[tilespmem:$0x1F600] =	vst v63  }
0x1a7: {  	_ =	swait.ge [sflag:s9], $0x1000  }
0x1a8: {  	[sflag:s9] =	ssyncset.done $0x0  }
0x1a9: {  	s10 =	simm.s32 $0x10;
	[sflag:s9] =	ssyncadd.s32 $0xFFFFF000  }
0x1aa: {  	_ =	swait.ge [sflag:s10], $0x100  }
0x1ab: {  	[sflag:s10] =	ssyncset.done $0x0  }
0x1ac: {  	s17 =	simm.s32 $0x3;
	[sflag:s10] =	ssyncadd.s32 $0xFFFFFF00  }
0x1ad: {  	_ =	swait.ge [sflag:s17], $0x100  }
0x1ae: {  	[sflag:s17] =	ssyncset.done $0x0  }
0x1af: {  	[sflag:s17] =	ssyncadd.s32 $0xFFFFFF00  }
0x1b0: {  	_ =	swait.ge [sflag:s17], $0x100  }
0x1b1: {  	[sflag:s17] =	ssyncset.done $0x0  }
0x1b2: {  	s20 =	sadd.s32 $0x8, s20;
	s16 =	simm.s32 $0x1D500;
	[sflag:s17] =	ssyncadd.s32 $0xFFFFFF00  }
0x1b3: {  	[tilespmem:s16], [sflag:$0x7] =	stream.indirect.gather [hbm4b:s5+s29], $0x10, s13, s29, $0xb8;
	[tilespmem:$0x1F600] =	vst v63  }
0x1b4: {  	s15 =	smin.u32 s20, $0xBF;
	_ =	swait.ge [sflag:s19], $0x1000  }
0x1b5: {  	s0 =	sshll.u32 s15, $0x8;
	[sflag:s19] =	ssyncset.done $0x0;
	s17 =	rddreg [dreg:$0x5]  }
0x1b6: {  	[sflag:s19] =	ssyncadd.s32 $0xFFFFF000;
	s0 =	sadd.s32 s0, s17  }
0x1b7: {  	[spmem:s2] =	stream.indirect.scatter.add.f32 [tilespmem:s23], [sflag:$0xA], $0x10, s12, s29, $0xb8;
	[tilespmem:$0x1F600] =	vst v63  }
0x1b8: {  	s21 =	rddreg [dreg:$0x13];
	s0 =	sshrl.u32 s0, $0x3  }
0x1b9: {  	[spmem:s6] =	stream.indirect.scatter.add.f32 [tilespmem:s1], [sflag:$0xE], $0x1, s12, s29, $0xb8;
	[tilespmem:$0x1F600] =	vst v63  }
0x1ba: {  	s25 =	rddreg [dreg:$0x14];
	s23 =	sadd.s32 s21, s0  }
0x1bb: {  	[tilespmem:s14], [sflag:$0x1] =	stream.linear.gather [hbm4b:s23+s4], $0x100, $0x38;
	[tilespmem:$0x1F600] =	vst v63  }
0x1bc: {  	s0 =	sadd.s32 s25, s0  }
0x1bd: {  	[tilespmem:s26], [sflag:$0x1] =	stream.linear.gather [hbm4b:s0+s4], $0x100, $0x38;
	[tilespmem:$0x1F600] =	vst v63  }
0x1be: {  	_ =	swait.ge [sflag:s22], $0x1000  }
0x1bf: {  	[sflag:s22] =	ssyncset.done $0x0  }
0x1c0: {  	[sflag:s22] =	ssyncadd.s32 $0xFFFFF000  }
0x1c1: {  	_ =	swait.ge [sflag:s28], $0x100  }
0x1c2: {  	[sflag:s28] =	ssyncset.done $0x0  }
0x1c3: {  	s30 =	simm.s32 $0x4;
	[sflag:s28] =	ssyncadd.s32 $0xFFFFFF00  }
0x1c4: {  	_ =	swait.ge [sflag:s30], $0x100  }
0x1c5: {  	[sflag:s30] =	ssyncset.done $0x0  }
0x1c6: {  	s11 =	sadd.s32 $0x100, s11;
	[sflag:s30] =	ssyncadd.s32 $0xFFFFFF00  }
0x1c7: {  	p0 =	sne.s32 s11, $0x1900;
	s8 =	simm.s32 $0x1AA00;
	_ =	swait.ge [sflag:s30], $0x100  }
.Ltmp0:
0x1c8: {  	s7 =	simm.s32 $0x1D500;
	[sflag:s30] =	ssyncset.done $0x0;
	(pc) =	sbr.rel @p0 .LBB2_2-.Ltmp0, $4  }
0x1c9: {  	s16 =	simm.s32 $0x1E500;
	s26 =	smin.u32 s20, $0xBE;
	[sflag:s30] =	ssyncadd.s32 $0xFFFFFF00  }
0x1ca: {  	[tilespmem:s24], [sflag:$0x8] =	stream.indirect.gather [hbm4b:s5+s29], $0x10, s18, s29, $0xb8;
	[tilespmem:$0x1F600] =	vst v63  }
0x1cb: {  	s0 =	simm.s32 $0x7;
	s28 =	simm.s32 $0x3;
	_ =	swait.ge [sflag:s31], $0x1000  }
0x1cc: {  	s24 =	sshll.u32 s26, $0x8;
	[sflag:s31] =	ssyncset.done $0x0;
	s26 =	rddreg [dreg:$0x6]  }
0x1cd: {  	[sflag:s0] =	ssyncadd.s32 $0xFFFFF000;
	s3 =	rddreg [dreg:$0x13]  }
0x1ce: {  	s9 =	simm.s32 $0x1B300;
	s26 =	sadd.s32 s24, s26;
	s2 =	rddreg [dreg:$0x2]  }
0x1cf: {  	[spmem:s2] =	stream.indirect.scatter.add.f32 [tilespmem:s7], [sflag:$0xB], $0x10, s9, s29, $0xb8;
	[tilespmem:$0x1F600] =	vst v63  }
0x1d0: {  	s1 =	simm.s32 $0x1F500;
	s6 =	rddreg [dreg:$0x3];
	s0 =	sshrl.u32 s26, $0x3  }
0x1d1: {  	[spmem:s6] =	stream.indirect.scatter.add.f32 [tilespmem:s1], [sflag:$0xF], $0x1, s9, s29, $0xb8;
	[tilespmem:$0x1F600] =	vst v63  }
0x1d2: {  	s7 =	sadd.s32 s3, s0;
	s9 =	rddreg [dreg:$0x14]  }
0x1d3: {  	[tilespmem:s8], [sflag:$0x2] =	stream.linear.gather [hbm4b:s7+s4], $0x100, $0x38;
	[tilespmem:$0x1F600] =	vst v63  }
0x1d4: {  	s10 =	simm.s32 $0x8;
	s3 =	simm.s32 $0x1AE00;
	s0 =	sadd.s32 s9, s0  }
0x1d5: {  	[tilespmem:s3], [sflag:$0x2] =	stream.linear.gather [hbm4b:s0+s4], $0x100, $0x38;
	[tilespmem:$0x1F600] =	vst v63  }
0x1d6: {  	_ =	swait.ge [sflag:s10], $0x1000  }
0x1d7: {  	[sflag:s10] =	ssyncset.done $0x0  }
0x1d8: {  	s11 =	simm.s32 $0x1B400;
	[sflag:s10] =	ssyncadd.s32 $0xFFFFF000  }
0x1d9: {  	[spmem:s2] =	stream.indirect.scatter.add.f32 [tilespmem:s16], [sflag:$0xC], $0x10, s11, s29, $0xb8;
	[tilespmem:$0x1F600] =	vst v63  }
0x1da: {  	s12 =	simm.s32 $0xA  }
0x1db: {  	[spmem:s6] =	stream.indirect.scatter.add.f32 [tilespmem:s1], [sflag:$0x10], $0x1, s11, s29, $0xb8;
	[tilespmem:$0x1F600] =	vst v63  }
0x1dc: {  	_ =	swait.ge [sflag:s12], $0x1000  }
0x1dd: {  	[sflag:s12] =	ssyncset.done $0x0  }
0x1de: {  	s13 =	simm.s32 $0xE;
	[sflag:s12] =	ssyncadd.s32 $0xFFFFF000  }
0x1df: {  	_ =	swait.ge [sflag:s13], $0x100  }
0x1e0: {  	[sflag:s13] =	ssyncset.done $0x0  }
0x1e1: {  	s15 =	simm.s32 $0xB;
	[sflag:s13] =	ssyncadd.s32 $0xFFFFFF00  }
0x1e2: {  	_ =	swait.ge [sflag:s15], $0x1000  }
0x1e3: {  	[sflag:s15] =	ssyncset.done $0x0  }
0x1e4: {  	s16 =	simm.s32 $0xF;
	[sflag:s15] =	ssyncadd.s32 $0xFFFFF000  }
0x1e5: {  	_ =	swait.ge [sflag:s16], $0x100  }
0x1e6: {  	[sflag:s16] =	ssyncset.done $0x0  }
0x1e7: {  	s17 =	simm.s32 $0xC;
	[sflag:s16] =	ssyncadd.s32 $0xFFFFFF00  }
0x1e8: {  	_ =	swait.ge [sflag:s17], $0x1000  }
0x1e9: {  	[sflag:s17] =	ssyncset.done $0x0  }
0x1ea: {  	s18 =	simm.s32 $0x10;
	[sflag:s17] =	ssyncadd.s32 $0xFFFFF000  }
0x1eb: {  	_ =	swait.ge [sflag:s18], $0x100  }
0x1ec: {  	[sflag:s18] =	ssyncset.done $0x0  }
0x1ed: {  	s19 =	simm.s32 $0x1;
	[sflag:s18] =	ssyncadd.s32 $0xFFFFFF00  }
0x1ee: {  	_ =	swait.ge [sflag:s19], $0x100  }
0x1ef: {  	[sflag:s19] =	ssyncset.done $0x0  }
0x1f0: {  	[sflag:s19] =	ssyncadd.s32 $0xFFFFFF00  }
0x1f1: {  	_ =	swait.ge [sflag:s19], $0x100  }
0x1f2: {  	[sflag:s19] =	ssyncset.done $0x0  }
0x1f3: {  	s20 =	simm.s32 $0x2;
	[sflag:s19] =	ssyncadd.s32 $0xFFFFFF00  }
0x1f4: {  	_ =	swait.ge [sflag:s20], $0x100  }
0x1f5: {  	[sflag:s20] =	ssyncset.done $0x0  }
0x1f6: {  	[sflag:s20] =	ssyncadd.s32 $0xFFFFFF00  }
0x1f7: {  	_ =	swait.ge [sflag:s20], $0x100  }
0x1f8: {  	[sflag:s20] =	ssyncset.done $0x0  }
0x1f9: {  	[sflag:s20] =	ssyncadd.s32 $0xFFFFFF00  }
0x1fa: {  	[bflag:$0x0] =	sbarrier.arrive $0xFFFF  }
0x1fb: {  	s22 =	sld [smem:$0x7FB]  }
0x1fc: {  	s20 =	rddreg [dreg:$0x18]  }
0x1fd: {  	s9 =	simm.s32 $0x11;
	s21 =	rddreg [dreg:$0x1e]  }
0x1fe: {  	[hbm:s21], [sflag:s20] =	dma.local [spmem:s22], $0x3200  }
0x1ff: {  	_ =	swait.ge [sflag:s9], $0x3200  }
0x200: {  	s24 =	sld [smem:$0x7FC]  }
0x201: {  	[sflag:s9] =	ssyncset.done $0x0  }
0x202: {  	s23 =	rddreg [dreg:$0x1f];
	[sflag:s9] =	ssyncadd.s32 $0xFFFFCE00  }
0x203: {  	[hbm:s23], [sflag:s20] =	dma.local [spmem:s24], $0x320  }
0x204: {  	_ =	swait.ge [sflag:s9], $0x320  }
0x205: {  	s25 =	sld [smem:$0x7FA]  }
0x206: {  	s26 =	sld [smem:$0x7FD];
	_ =	sdelay $0x1  }
0x207: {  	s6 =	sadd.s32 $0x1, s25  }
0x208: {  	s31 =	simm.s32 $0x1B200;
	p0 =	sne.s32 s6, s26  }
.Ltmp1:
0x209: {  	s8 =	simm.s32 $0x1AB00;
	s12 =	simm.s32 $0x1AF00;
	(pc) =	sbr.rel @p0 .LBB2_1-.Ltmp1, $4  }
0x20a: {  	s13 =	simm.s32 $0x5;
	s15 =	simm.s32 $0x6;
	s16 =	simm.s32 $0x9  }
0x20b: {  	s17 =	simm.s32 $0x1C500;
	s18 =	simm.s32 $0x1AD00;
	s19 =	simm.s32 $0x1B100  }
0x20c: {  	s22 =	simm.s32 $0xD;
	s23 =	simm.s32 $0x1B500;
	[sflag:s9] =	ssyncset.done $0x0  }
0x20d: {  	[sflag:s9] =	ssyncadd.s32 $0xFFFFFCE0;
	s25 =	simm.s32 $0x1B000;
	s26 =	simm.s32 $0x1AC00  }
0x20e: {  	_ =	sfence.sel $0x180000  }
0x20f: {  	[bflag:$0x0] =	sbarrier.arrive $0xFFFF  }
0x210: {  	_ =	strace $0x90000047  }
0x211: {  	s0 =	stileid.u32;
	[bflag:$0x2] =	sbarrier.arrive $0xFFFF  }
0x212: {  	p0 =	sne.s32 s0, $0x0;
	s0 =	rddreg [dreg:$0x4]  }
0x213: {  	s0 =	sadd.s32 @!p0 $0x100000, s0  }
0x214: {  	[sflag:s0] =	ssyncadd.tile.s32 @!p0 $0x1;
	_ =	shalt  }
.Lfunc_end2:
_tile_overlayer_lowered:
.L_overlay_start_2:
0x215: {  	(tag) =	ssettag $0x2  }
0x216: {  	s0 =	rddreg [dreg:$0x0];
	s2 =	stileid.u32  }
0x217: {  	s1 =	rddreg [dreg:$0x1];
	p0 =	sne.s32 s2, $0x0  }
0x218: {  	s3 =	rddreg [dreg:$0x2];
	[bflag:$0x3] =	sbarrier.arrive $0xFFFF;
	s2 =	simm.s32 @!p0 $0x1C11  }
0x219: {  	[timem:s3], [sflag:s2] =	dma.local @!p0 [hbm:s0], s1  }
0x21a: {  	s0 =	simm.s32 @!p0 $0x11  }
0x21b: {  	_ =	swait.ge @!p0 [sflag:s0], s1  }
0x21c: {  	s1 =	ssub.s32 @!p0 $0x0, s1;
	[sflag:s0] =	ssyncset.done @!p0 $0x0  }
0x21d: {  	[sflag:s0] =	ssyncadd.s32 @!p0 s1  }
0x21e: {  	[bflag:$0x3] =	sbarrier.arrive $0xFFFF  }
0x21f: {  	_ =	shalt  }

</sc_bundles>
